<compile_context>
chip_gen: v7x
topology: tpu7x:2x2x1
jax: 0.10.2.dev20260603
libtpu: 0.0.44.dev20260713+nightly
codegen_flags: <defaults>
</compile_context>

<pallas_src>
import functools

import jax
import jax.numpy as jnp
from jax import lax
from jax.experimental import pallas as pl
from jax.experimental.pallas import tpu as pltpu
from jax.experimental.pallas import tpu_sc as plsc

NODE_NUM = 100
BATCH = 1024
FEAT = 128
SENSOR_DIM = 64
TOPK = 20
KSIZE = 3
N_EDGES = 2000

BBLK = 64


def _shift_time(h, s):
    if s == 0:
        return h
    bblk, l, c = h.shape
    z = jnp.zeros((bblk, s, c), dtype=h.dtype)
    return jnp.concatenate([z, h[:, : l - s, :]], axis=1)


def _tcn_kernel(x_ref, v1_ref, g1_ref, b1_ref, v2_ref, g2_ref, b2_ref,
                v3_ref, g3_ref, b3_ref, o_ref, w_ref):
    vrefs = (v1_ref, v2_ref, v3_ref)
    grefs = (g1_ref, g2_ref, g3_ref)
    brefs = (b1_ref, b2_ref, b3_ref)

    @pl.when(pl.program_id(0) == 0)
    def _():
        for i in range(3):
            v = vrefs[i][...]
            g = grefs[i][...]
            sumsq = jnp.sum(v * v, axis=0)
            sumsq = jnp.sum(sumsq, axis=1, keepdims=True)
            scale = jnp.transpose(g, (1, 0)) / jnp.sqrt(sumsq + 1e-12)
            for k in range(KSIZE):
                w_ref[i * KSIZE + k] = v[k] * scale

    x = x_ref[...].reshape(BBLK, NODE_NUM, FEAT)
    xt = jnp.transpose(x, (0, 2, 1))
    h = xt
    for i, d in enumerate((1, 2, 4)):
        acc = brefs[i][...][None]
        for k in range(KSIZE):
            w = w_ref[i * KSIZE + k]
            hs = _shift_time(h, (KSIZE - 1 - k) * d)
            acc = acc + lax.dot_general(
                hs, w, (((2,), (1,)), ((), ())),
                preferred_element_type=jnp.float32)
        h = jnp.maximum(acc, 0.0)
    out = jnp.maximum(h + xt, 0.0)
    o_ref[...] = jnp.transpose(out, (0, 2, 1)).reshape(BBLK * NODE_NUM, FEAT)


NPAD = 112


def _cos_kernel(e1_ref, e2_ref, cos_ref):
    w1 = e1_ref[...]
    w2 = e2_ref[...]
    dots = lax.dot_general(w1, w2, (((1,), (1,)), ((), ())),
                           preferred_element_type=jnp.float32)
    n1 = jnp.sqrt(jnp.sum(w1 * w1, axis=1, keepdims=True))
    n2 = jnp.sqrt(jnp.sum(w2 * w2, axis=1, keepdims=True))
    n2row = jnp.transpose(n2, (1, 0))
    cos = jnp.maximum(dots, 0.0) / (n1 * n2row)
    pad = jnp.full((NODE_NUM, NPAD - NODE_NUM), -1.0, jnp.float32)
    cos_ref[...] = jnp.concatenate([cos, pad], axis=1)


NW = 32
BPW = BATCH // NW
EB = 8
NPAIR = NODE_NUM // 2


def _sc_body(cos_hbm, org_hbm, masked_hbm, idx_hbm, edges_hbm,
             org_v, ebuf, cpair, mbuf, ibuf):
    wid = lax.axis_index("s") * 2 + lax.axis_index("c")

    pltpu.sync_copy(org_hbm, org_v)
    b0 = wid * BPW

    def eb(bb, carry):
        for r in range(2):
            def inner(j, c):
                base = org_v[r, pl.ds(j * 16, 16)]
                for e in range(EB):
                    ebuf[pl.ds(e * N_EDGES + j * 16, 16)] = (
                        base + (b0 + bb * EB + e) * NODE_NUM)
                return c
            lax.fori_loop(0, N_EDGES // 16, inner, 0)
            pltpu.sync_copy(
                ebuf, edges_hbm.at[r, pl.ds((b0 + bb * EB) * N_EDGES,
                                            EB * N_EDGES)])
        return carry

    lax.fori_loop(0, BPW // EB, eb, 0)

    def do_pair(p):
        pltpu.sync_copy(cos_hbm.at[pl.ds(p * 2, 2)], cpair)
        iota = lax.iota(jnp.int32, 16)
        nchunk = NPAD // 16
        for i in range(2):
            chunks = [cpair[i, pl.ds(j * 16, 16)] for j in range(nchunk)]
            zi = jnp.zeros((16,), jnp.int32)
            zf = jnp.zeros((16,), jnp.float32)
            carry0 = tuple(chunks) + (zi, zi, zf, zf)

            def step(t, carry):
                ws = list(carry[:nchunk])
                acc1, acc2, vacc1, vacc2 = carry[nchunk:]
                v = ws[0]
                for j in range(1, nchunk):
                    v = jnp.maximum(v, ws[j])
                s = v[0]
                for l in range(1, 16):
                    s = jnp.maximum(s, v[l])
                mn = jnp.full((16,), 9999, jnp.int32)
                for j in range(nchunk):
                    cand = jnp.where(ws[j] == s, iota + j * 16, 9999)
                    mn = jnp.minimum(mn, cand)
                b = mn[0]
                for l in range(1, 16):
                    b = jnp.minimum(b, mn[l])
                for j in range(nchunk):
                    ws[j] = jnp.where((iota + j * 16) == b, -1.0, ws[j])
                acc1 = jnp.where(iota == t, b, acc1)
                acc2 = jnp.where(iota == t - 4, b, acc2)
                vacc1 = jnp.where(iota == t, s, vacc1)
                vacc2 = jnp.where(iota == t - 4, s, vacc2)
                return tuple(ws) + (acc1, acc2, vacc1, vacc2)

            res = lax.fori_loop(0, TOPK, step, carry0)
            ws = res[:nchunk]
            acc1, acc2, vacc1, vacc2 = res[nchunk:]
            for j in range(nchunk):
                mbuf[i, pl.ds(j * 16, 16)] = jnp.where(
                    ws[j] < 0.0, chunks[j], 0.0)
            ibuf[i, pl.ds(0, 16)] = acc1
            ibuf[i, pl.ds(4, 16)] = acc2
        pltpu.sync_copy(mbuf, masked_hbm.at[pl.ds(p * 2, 2)])
        pltpu.sync_copy(ibuf, idx_hbm.at[pl.ds(p * 2, 2)])

    do_pair(wid)

    @pl.when(wid < NPAIR - NW)
    def _():
        do_pair(wid + NW)


def kernel(data, org_edge_index, v1, g1, b1, v2, g2, b2, v3, g3, b3,
           emb1, emb2):
    vt1 = jnp.transpose(v1, (2, 0, 1))
    vt2 = jnp.transpose(v2, (2, 0, 1))
    vt3 = jnp.transpose(v3, (2, 0, 1))
    g1r, b1r = g1.reshape(1, NODE_NUM), b1.reshape(1, NODE_NUM)
    g2r, b2r = g2.reshape(1, NODE_NUM), b2.reshape(1, NODE_NUM)
    g3r, b3r = g3.reshape(1, NODE_NUM), b3.reshape(1, NODE_NUM)

    full = lambda shape: pl.BlockSpec(shape, lambda i: (0,) * len(shape))
    x3 = pl.pallas_call(
        _tcn_kernel,
        grid=(BATCH // BBLK,),
        in_specs=[
            pl.BlockSpec((BBLK * NODE_NUM, FEAT), lambda i: (i, 0)),
            full((KSIZE, NODE_NUM, NODE_NUM)), full((1, NODE_NUM)), full((1, NODE_NUM)),
            full((KSIZE, NODE_NUM, NODE_NUM)), full((1, NODE_NUM)), full((1, NODE_NUM)),
            full((KSIZE, NODE_NUM, NODE_NUM)), full((1, NODE_NUM)), full((1, NODE_NUM)),
        ],
        out_specs=pl.BlockSpec((BBLK * NODE_NUM, FEAT), lambda i: (i, 0)),
        out_shape=jax.ShapeDtypeStruct((BATCH * NODE_NUM, FEAT), jnp.float32),
        scratch_shapes=[pltpu.VMEM((9, NODE_NUM, NODE_NUM), jnp.float32)],
        compiler_params=pltpu.CompilerParams(
            dimension_semantics=("arbitrary",)),
    )(data.reshape(BATCH * NODE_NUM, FEAT),
      vt1, g1r, b1r, vt2, g2r, b2r, vt3, g3r, b3r)
    x = x3

    cos = pl.pallas_call(
        _cos_kernel,
        in_specs=[
            pl.BlockSpec((NODE_NUM, SENSOR_DIM), lambda: (0, 0)),
            pl.BlockSpec((NODE_NUM, SENSOR_DIM), lambda: (0, 0)),
        ],
        out_specs=pl.BlockSpec((NODE_NUM, NPAD), lambda: (0, 0)),
        out_shape=jax.ShapeDtypeStruct((NODE_NUM, NPAD), jnp.float32),
    )(emb1, emb2)

    mesh = plsc.VectorSubcoreMesh(core_axis_name="c", subcore_axis_name="s")
    sc = pl.kernel(
        _sc_body,
        mesh=mesh,
        out_type=[
            jax.ShapeDtypeStruct((NODE_NUM, NPAD), jnp.float32),
            jax.ShapeDtypeStruct((NODE_NUM, TOPK), jnp.int32),
            jax.ShapeDtypeStruct((2, BATCH * N_EDGES), jnp.int32),
        ],
        scratch_types=[
            pltpu.VMEM((2, N_EDGES), jnp.int32),
            pltpu.VMEM((EB * N_EDGES,), jnp.int32),
            pltpu.VMEM((2, NPAD), jnp.float32),
            pltpu.VMEM((2, NPAD), jnp.float32),
            pltpu.VMEM((2, TOPK), jnp.int32),
        ],
    )
    masked_pad, idx, batch_edge_index = sc(cos, org_edge_index)
    masked = masked_pad[:, :NODE_NUM]

    return x, masked, idx, batch_edge_index

# --- scband reference (transcript-rebuilt; emitter-appended) ---
"""Pipeline reference for scband-proposed-84035330113667 (READ-ONLY COPY).

The authoritative reference and input builder live on the scoring server;
editing this copy changes nothing except your own understanding.
"""

import jax, jax.numpy as jnp
import numpy as np

NODE_NUM = 100
BATCH = 1024
FEAT = 128
SENSOR_DIM = 64
TOPK = 20
KSIZE = 3
N_EDGES = 2000


def _wn(v, g):
    # torch weight_norm with dim=0: w = g * v / ||v|| per output channel
    norm = jnp.sqrt(jnp.sum(v.reshape(v.shape[0], -1) ** 2, axis=1) + 1e-12)
    return v * (g / norm)[:, None, None]


def _causal_conv(x, v, g, b, dilation):
    w = _wn(v, g)
    pad = (KSIZE - 1) * dilation
    y = jax.lax.conv_general_dilated(
        x, w, window_strides=(1,), padding=[(pad, pad)],
        rhs_dilation=(dilation,), dimension_numbers=('NCH', 'OIH', 'NCH'))
    y = y + b[None, :, None]
    # Chomp1d: drop trailing pad
    return y[:, :, :-pad]


def _tcn(x, params):
    # conv1(d=1)->chomp->relu->dropout(eval=id) -> conv2(d=2)->... -> conv3(d=4)->...
    out = x
    for i, d in enumerate((1, 2, 4)):
        v, g, b = params[3 * i], params[3 * i + 1], params[3 * i + 2]
        out = jax.nn.relu(_causal_conv(out, v, g, b, d))
    return jax.nn.relu(out + x)  # residual


def setup_inputs(seed: int = 0):
    key = jax.random.key(seed)
    ks = jax.random.split(key, 16)
    inp = {}
    inp['data'] = jax.random.normal(ks[0], (BATCH, NODE_NUM, FEAT), dtype=jnp.float32)
    inp['org_edge_index'] = jax.random.randint(ks[1], (2, N_EDGES), 0, NODE_NUM, dtype=jnp.int32)
    for i, d in enumerate((1, 2, 4)):
        inp['v%d' % (i + 1)] = 0.01 * jax.random.normal(ks[2 + i], (NODE_NUM, NODE_NUM, KSIZE), dtype=jnp.float32)
        inp['g%d' % (i + 1)] = jnp.ones((NODE_NUM,), dtype=jnp.float32)
        inp['b%d' % (i + 1)] = jnp.zeros((NODE_NUM,), dtype=jnp.float32)
    # kaiming-uniform-ish embedding init
    bound = 1.0 / np.sqrt(SENSOR_DIM)
    inp['emb1'] = jax.random.uniform(ks[8], (NODE_NUM, SENSOR_DIM), minval=-bound, maxval=bound, dtype=jnp.float32)
    inp['emb2'] = jax.random.uniform(ks[9], (NODE_NUM, SENSOR_DIM), minval=-bound, maxval=bound, dtype=jnp.float32)
    return inp


def reference(data, org_edge_index, v1, g1, b1, v2, g2, b2, v3, g3, b3, emb1, emb2):
    params = (v1, g1, b1, v2, g2, b2, v3, g3, b3)
    # x = self.TCN(x).view(-1, all_feature)
    x3 = _tcn(data, params)
    x = x3.reshape(-1, FEAT)
    # get_batch_edge_index: repeat edges per batch element, offset by i*node_num
    edge_num = org_edge_index.shape[1]
    offs = jnp.repeat(jnp.arange(BATCH, dtype=org_edge_index.dtype) * NODE_NUM, edge_num)
    batch_edge_index = jnp.tile(org_edge_index, (1, BATCH)) + offs[None, :]
    # embeddings
    idxs = jnp.arange(NODE_NUM)
    s_emb = jnp.take(emb1, idxs, axis=0)
    s_emb2 = jnp.take(emb2, idxs, axis=0)
    total_embeddings = s_emb + s_emb2
    all_embeddings = jnp.tile(total_embeddings, (BATCH, 1))
    # weights_arr = embeddings.detach().clone()
    weights = jax.lax.stop_gradient(s_emb).reshape(NODE_NUM, -1)
    weights2 = jax.lax.stop_gradient(s_emb2).reshape(NODE_NUM, -1)
    cos = jax.nn.relu(weights @ weights2.T)
    normed = jnp.linalg.norm(weights, axis=-1)[:, None] * jnp.linalg.norm(weights2, axis=-1)[None, :]
    cos = cos / normed
    # per-row top-k masking (topk_list is [topk]*node_num -> uniform k)
    vals, idx = jax.lax.top_k(cos, TOPK)
    masked = jnp.zeros((NODE_NUM, NODE_NUM), dtype=cos.dtype).at[jnp.arange(NODE_NUM)[:, None], idx].set(vals)
    return x, masked, idx, batch_edge_index

if __name__ == "__main__":
    import jax
    _d = setup_inputs()
    print(jax.jit(kernel)(*tuple(_d.values())))

</pallas_src>

<mosaic_0001>
#map = affine_map<(d0, d1) -> (0, 0)>
module attributes {stable_mosaic.version = 14 : i64} {
  func.func @_sc_body(%arg0: i32, %arg1: i32, %arg2: memref<100x112xf32, #tpu.memory_space<hbm>>, %arg3: memref<2x2000xi32, #tpu.memory_space<hbm>>, %arg4: memref<100x112xf32, #tpu.memory_space<hbm>>, %arg5: memref<100x20xi32, #tpu.memory_space<hbm>>, %arg6: memref<2x2048000xi32, #tpu.memory_space<hbm>>, %arg7: memref<2x2000xi32, #tpu.memory_space<vmem>>, %arg8: memref<16000xi32, #tpu.memory_space<vmem>>, %arg9: memref<2x112xf32, #tpu.memory_space<vmem>>, %arg10: memref<2x112xf32, #tpu.memory_space<vmem>>, %arg11: memref<2x20xi32, #tpu.memory_space<vmem>>) attributes {dimension_semantics = [#tpu.dimension_semantics<core_parallel>, #tpu.dimension_semantics<subcore_parallel>], iteration_bounds = array<i64: 2, 16>, scalar_prefetch = 0 : i64, scratch_operands = 5 : i64, tpu.core_type = #tpu.core_type<sc_vector_subcore>, window_params = [{transform_indices = #map}, {transform_indices = #map}, {transform_indices = #map}, {transform_indices = #map}, {transform_indices = #map}]} {
    %mul3A = arith.constant 2 : i32
    %mul3A_0 = arith.muli %arg1, %mul3A : i32
    %add3A = arith.addi %mul3A_0, %arg0 : i32
    "tpu.region"() ({
      %run_scoped3A = tpu.sem_alloc : memref<!tpu.dma_semaphore, #tpu.memory_space<semaphore_mem>>
      tpu.enqueue_dma source(%arg3 : memref<2x2000xi32, #tpu.memory_space<hbm>>) target(%arg7 : memref<2x2000xi32, #tpu.memory_space<vmem>>) target_semaphore(%run_scoped3A : memref<!tpu.dma_semaphore, #tpu.memory_space<semaphore_mem>>)
      tpu.wait_dma2 semaphore(%run_scoped3A : memref<!tpu.dma_semaphore, #tpu.memory_space<semaphore_mem>>) src(%arg3 : memref<2x2000xi32, #tpu.memory_space<hbm>>) dst(%arg7 : memref<2x2000xi32, #tpu.memory_space<vmem>>)
      tpu.yield
    }) : () -> ()
    %mul3A_1 = arith.constant 32 : i32
    %mul3A_2 = arith.muli %add3A, %mul3A_1 : i32
    %scan3A = arith.constant 0 : i32
    %scan3A_3 = arith.constant 0 : i32
    %scan3A_4 = arith.constant 4 : i32
    %scan3A_5 = arith.addi %scan3A_3, %scan3A_4 : i32
    %scan3A_6 = arith.constant 1 : i32
    scf.for %scan3A_293 = %scan3A_3 to %scan3A_5 step %scan3A_6  : i32 {
      %scan3A_294 = arith.constant 0 : i32
      %scan3A_295 = arith.constant 0 : i32
      %scan3A_296 = arith.constant 125 : i32
      %scan3A_297 = arith.addi %scan3A_295, %scan3A_296 : i32
      %scan3A_298 = arith.constant 1 : i32
      scf.for %scan3A_317 = %scan3A_295 to %scan3A_297 step %scan3A_298  : i32 {
        %mul3A_318 = arith.constant 16 : i32
        %mul3A_319 = arith.muli %scan3A_317, %mul3A_318 : i32
        %get3A_320 = arith.constant 0 : i32
        %get3A_321 = arith.index_cast %get3A_320 : i32 to index
        %get3A_322 = arith.index_cast %mul3A_319 : i32 to index
        %get3A_323 = tpu.vector_load %arg7[%get3A_321, %get3A_322] {strides = array<i32>} : memref<2x2000xi32, #tpu.memory_space<vmem>>, vector<1x16xi32>,
        %get3A_324 = vector.shape_cast %get3A_323 : vector<1x16xi32> to vector<16xi32>
        %mul3A_325 = arith.constant 8 : i32
        %mul3A_326 = arith.muli %scan3A_293, %mul3A_325 : i32
        %add3A_327 = arith.addi %mul3A_2, %mul3A_326 : i32
        %add3A_328 = arith.constant 0 : i32
        %add3A_329 = arith.addi %add3A_327, %add3A_328 : i32
        %mul3A_330 = arith.constant 100 : i32
        %mul3A_331 = arith.muli %add3A_329, %mul3A_330 : i32
        %add3A_332 = vector.broadcast %mul3A_331 : i32 to vector<16xi32>
        %add3A_333 = arith.addi %get3A_324, %add3A_332 : vector<16xi32>
        %mul3A_334 = arith.constant 16 : i32
        %mul3A_335 = arith.muli %scan3A_317, %mul3A_334 : i32
        %add3A_336 = arith.constant 0 : i32
        %add3A_337 = arith.addi %add3A_336, %mul3A_335 : i32
        %swap3A_338 = arith.index_cast %add3A_337 : i32 to index
        %swap3A_339 = tpu.vector_load %arg8[%swap3A_338] {strides = array<i32>} : memref<16000xi32, #tpu.memory_space<vmem>>, vector<16xi32>,
        %swap3A_340 = vector.shape_cast %swap3A_339 : vector<16xi32> to vector<16xi32>
        %swap3A_341 = vector.shape_cast %add3A_333 : vector<16xi32> to vector<16xi32>
        tpu.vector_store %arg8[%swap3A_338], %swap3A_341 {strides = array<i32>} : memref<16000xi32, #tpu.memory_space<vmem>>, vector<16xi32>,
        %mul3A_342 = arith.constant 8 : i32
        %mul3A_343 = arith.muli %scan3A_293, %mul3A_342 : i32
        %add3A_344 = arith.addi %mul3A_2, %mul3A_343 : i32
        %add3A_345 = arith.constant 1 : i32
        %add3A_346 = arith.addi %add3A_344, %add3A_345 : i32
        %mul3A_347 = arith.constant 100 : i32
        %mul3A_348 = arith.muli %add3A_346, %mul3A_347 : i32
        %add3A_349 = vector.broadcast %mul3A_348 : i32 to vector<16xi32>
        %add3A_350 = arith.addi %get3A_324, %add3A_349 : vector<16xi32>
        %mul3A_351 = arith.constant 16 : i32
        %mul3A_352 = arith.muli %scan3A_317, %mul3A_351 : i32
        %add3A_353 = arith.constant 2000 : i32
        %add3A_354 = arith.addi %add3A_353, %mul3A_352 : i32
        %swap3A_355 = arith.index_cast %add3A_354 : i32 to index
        %swap3A_356 = tpu.vector_load %arg8[%swap3A_355] {strides = array<i32>} : memref<16000xi32, #tpu.memory_space<vmem>>, vector<16xi32>,
        %swap3A_357 = vector.shape_cast %swap3A_356 : vector<16xi32> to vector<16xi32>
        %swap3A_358 = vector.shape_cast %add3A_350 : vector<16xi32> to vector<16xi32>
        tpu.vector_store %arg8[%swap3A_355], %swap3A_358 {strides = array<i32>} : memref<16000xi32, #tpu.memory_space<vmem>>, vector<16xi32>,
        %mul3A_359 = arith.constant 8 : i32
        %mul3A_360 = arith.muli %scan3A_293, %mul3A_359 : i32
        %add3A_361 = arith.addi %mul3A_2, %mul3A_360 : i32
        %add3A_362 = arith.constant 2 : i32
        %add3A_363 = arith.addi %add3A_361, %add3A_362 : i32
        %mul3A_364 = arith.constant 100 : i32
        %mul3A_365 = arith.muli %add3A_363, %mul3A_364 : i32
        %add3A_366 = vector.broadcast %mul3A_365 : i32 to vector<16xi32>
        %add3A_367 = arith.addi %get3A_324, %add3A_366 : vector<16xi32>
        %mul3A_368 = arith.constant 16 : i32
        %mul3A_369 = arith.muli %scan3A_317, %mul3A_368 : i32
        %add3A_370 = arith.constant 4000 : i32
        %add3A_371 = arith.addi %add3A_370, %mul3A_369 : i32
        %swap3A_372 = arith.index_cast %add3A_371 : i32 to index
        %swap3A_373 = tpu.vector_load %arg8[%swap3A_372] {strides = array<i32>} : memref<16000xi32, #tpu.memory_space<vmem>>, vector<16xi32>,
        %swap3A_374 = vector.shape_cast %swap3A_373 : vector<16xi32> to vector<16xi32>
        %swap3A_375 = vector.shape_cast %add3A_367 : vector<16xi32> to vector<16xi32>
        tpu.vector_store %arg8[%swap3A_372], %swap3A_375 {strides = array<i32>} : memref<16000xi32, #tpu.memory_space<vmem>>, vector<16xi32>,
        %mul3A_376 = arith.constant 8 : i32
        %mul3A_377 = arith.muli %scan3A_293, %mul3A_376 : i32
        %add3A_378 = arith.addi %mul3A_2, %mul3A_377 : i32
        %add3A_379 = arith.constant 3 : i32
        %add3A_380 = arith.addi %add3A_378, %add3A_379 : i32
        %mul3A_381 = arith.constant 100 : i32
        %mul3A_382 = arith.muli %add3A_380, %mul3A_381 : i32
        %add3A_383 = vector.broadcast %mul3A_382 : i32 to vector<16xi32>
        %add3A_384 = arith.addi %get3A_324, %add3A_383 : vector<16xi32>
        %mul3A_385 = arith.constant 16 : i32
        %mul3A_386 = arith.muli %scan3A_317, %mul3A_385 : i32
        %add3A_387 = arith.constant 6000 : i32
        %add3A_388 = arith.addi %add3A_387, %mul3A_386 : i32
        %swap3A_389 = arith.index_cast %add3A_388 : i32 to index
        %swap3A_390 = tpu.vector_load %arg8[%swap3A_389] {strides = array<i32>} : memref<16000xi32, #tpu.memory_space<vmem>>, vector<16xi32>,
        %swap3A_391 = vector.shape_cast %swap3A_390 : vector<16xi32> to vector<16xi32>
        %swap3A_392 = vector.shape_cast %add3A_384 : vector<16xi32> to vector<16xi32>
        tpu.vector_store %arg8[%swap3A_389], %swap3A_392 {strides = array<i32>} : memref<16000xi32, #tpu.memory_space<vmem>>, vector<16xi32>,
        %mul3A_393 = arith.constant 8 : i32
        %mul3A_394 = arith.muli %scan3A_293, %mul3A_393 : i32
        %add3A_395 = arith.addi %mul3A_2, %mul3A_394 : i32
        %add3A_396 = arith.constant 4 : i32
        %add3A_397 = arith.addi %add3A_395, %add3A_396 : i32
        %mul3A_398 = arith.constant 100 : i32
        %mul3A_399 = arith.muli %add3A_397, %mul3A_398 : i32
        %add3A_400 = vector.broadcast %mul3A_399 : i32 to vector<16xi32>
        %add3A_401 = arith.addi %get3A_324, %add3A_400 : vector<16xi32>
        %mul3A_402 = arith.constant 16 : i32
        %mul3A_403 = arith.muli %scan3A_317, %mul3A_402 : i32
        %add3A_404 = arith.constant 8000 : i32
        %add3A_405 = arith.addi %add3A_404, %mul3A_403 : i32
        %swap3A_406 = arith.index_cast %add3A_405 : i32 to index
        %swap3A_407 = tpu.vector_load %arg8[%swap3A_406] {strides = array<i32>} : memref<16000xi32, #tpu.memory_space<vmem>>, vector<16xi32>,
        %swap3A_408 = vector.shape_cast %swap3A_407 : vector<16xi32> to vector<16xi32>
        %swap3A_409 = vector.shape_cast %add3A_401 : vector<16xi32> to vector<16xi32>
        tpu.vector_store %arg8[%swap3A_406], %swap3A_409 {strides = array<i32>} : memref<16000xi32, #tpu.memory_space<vmem>>, vector<16xi32>,
        %mul3A_410 = arith.constant 8 : i32
        %mul3A_411 = arith.muli %scan3A_293, %mul3A_410 : i32
        %add3A_412 = arith.addi %mul3A_2, %mul3A_411 : i32
        %add3A_413 = arith.constant 5 : i32
        %add3A_414 = arith.addi %add3A_412, %add3A_413 : i32
        %mul3A_415 = arith.constant 100 : i32
        %mul3A_416 = arith.muli %add3A_414, %mul3A_415 : i32
        %add3A_417 = vector.broadcast %mul3A_416 : i32 to vector<16xi32>
        %add3A_418 = arith.addi %get3A_324, %add3A_417 : vector<16xi32>
        %mul3A_419 = arith.constant 16 : i32
        %mul3A_420 = arith.muli %scan3A_317, %mul3A_419 : i32
        %add3A_421 = arith.constant 10000 : i32
        %add3A_422 = arith.addi %add3A_421, %mul3A_420 : i32
        %swap3A_423 = arith.index_cast %add3A_422 : i32 to index
        %swap3A_424 = tpu.vector_load %arg8[%swap3A_423] {strides = array<i32>} : memref<16000xi32, #tpu.memory_space<vmem>>, vector<16xi32>,
        %swap3A_425 = vector.shape_cast %swap3A_424 : vector<16xi32> to vector<16xi32>
        %swap3A_426 = vector.shape_cast %add3A_418 : vector<16xi32> to vector<16xi32>
        tpu.vector_store %arg8[%swap3A_423], %swap3A_426 {strides = array<i32>} : memref<16000xi32, #tpu.memory_space<vmem>>, vector<16xi32>,
        %mul3A_427 = arith.constant 8 : i32
        %mul3A_428 = arith.muli %scan3A_293, %mul3A_427 : i32
        %add3A_429 = arith.addi %mul3A_2, %mul3A_428 : i32
        %add3A_430 = arith.constant 6 : i32
        %add3A_431 = arith.addi %add3A_429, %add3A_430 : i32
        %mul3A_432 = arith.constant 100 : i32
        %mul3A_433 = arith.muli %add3A_431, %mul3A_432 : i32
        %add3A_434 = vector.broadcast %mul3A_433 : i32 to vector<16xi32>
        %add3A_435 = arith.addi %get3A_324, %add3A_434 : vector<16xi32>
        %mul3A_436 = arith.constant 16 : i32
        %mul3A_437 = arith.muli %scan3A_317, %mul3A_436 : i32
        %add3A_438 = arith.constant 12000 : i32
        %add3A_439 = arith.addi %add3A_438, %mul3A_437 : i32
        %swap3A_440 = arith.index_cast %add3A_439 : i32 to index
        %swap3A_441 = tpu.vector_load %arg8[%swap3A_440] {strides = array<i32>} : memref<16000xi32, #tpu.memory_space<vmem>>, vector<16xi32>,
        %swap3A_442 = vector.shape_cast %swap3A_441 : vector<16xi32> to vector<16xi32>
        %swap3A_443 = vector.shape_cast %add3A_435 : vector<16xi32> to vector<16xi32>
        tpu.vector_store %arg8[%swap3A_440], %swap3A_443 {strides = array<i32>} : memref<16000xi32, #tpu.memory_space<vmem>>, vector<16xi32>,
        %mul3A_444 = arith.constant 8 : i32
        %mul3A_445 = arith.muli %scan3A_293, %mul3A_444 : i32
        %add3A_446 = arith.addi %mul3A_2, %mul3A_445 : i32
        %add3A_447 = arith.constant 7 : i32
        %add3A_448 = arith.addi %add3A_446, %add3A_447 : i32
        %mul3A_449 = arith.constant 100 : i32
        %mul3A_450 = arith.muli %add3A_448, %mul3A_449 : i32
        %add3A_451 = vector.broadcast %mul3A_450 : i32 to vector<16xi32>
        %add3A_452 = arith.addi %get3A_324, %add3A_451 : vector<16xi32>
        %mul3A_453 = arith.constant 16 : i32
        %mul3A_454 = arith.muli %scan3A_317, %mul3A_453 : i32
        %add3A_455 = arith.constant 14000 : i32
        %add3A_456 = arith.addi %add3A_455, %mul3A_454 : i32
        %swap3A_457 = arith.index_cast %add3A_456 : i32 to index
        %swap3A_458 = tpu.vector_load %arg8[%swap3A_457] {strides = array<i32>} : memref<16000xi32, #tpu.memory_space<vmem>>, vector<16xi32>,
        %swap3A_459 = vector.shape_cast %swap3A_458 : vector<16xi32> to vector<16xi32>
        %swap3A_460 = vector.shape_cast %add3A_452 : vector<16xi32> to vector<16xi32>
        tpu.vector_store %arg8[%swap3A_457], %swap3A_460 {strides = array<i32>} : memref<16000xi32, #tpu.memory_space<vmem>>, vector<16xi32>,
      }
      %scan3A_299 = arith.constant 125 : i32
      %mul3A_300 = arith.constant 8 : i32
      %mul3A_301 = arith.muli %scan3A_293, %mul3A_300 : i32
      %add3A_302 = arith.addi %mul3A_2, %mul3A_301 : i32
      %mul3A_303 = arith.constant 2000 : i32
      %mul3A_304 = arith.muli %add3A_302, %mul3A_303 : i32
      %run_scoped3A = arith.constant 0 : i32
      "tpu.region"() ({
        %run_scoped3A_317 = tpu.sem_alloc : memref<!tpu.dma_semaphore, #tpu.memory_space<semaphore_mem>>
        %dma_start3A = tpu.memref_slice %arg6[%run_scoped3A, %mul3A_304] : memref<2x2048000xi32, #tpu.memory_space<hbm>> -> memref<1x16000xi32, #tpu.memory_space<hbm>>
        %dma_start3A_318 = tpu.memref_squeeze %dma_start3A : memref<1x16000xi32, #tpu.memory_space<hbm>> -> memref<16000xi32, #tpu.memory_space<hbm>>
        %dma_start3A_319 = tpu.memref_slice %arg6[%run_scoped3A, %mul3A_304] : memref<2x2048000xi32, #tpu.memory_space<hbm>> -> memref<1x16000xi32, #tpu.memory_space<hbm>>
        %dma_start3A_320 = tpu.memref_squeeze %dma_start3A_319 : memref<1x16000xi32, #tpu.memory_space<hbm>> -> memref<16000xi32, #tpu.memory_space<hbm>>
        tpu.enqueue_dma source(%arg8 : memref<16000xi32, #tpu.memory_space<vmem>>) target(%dma_start3A_320 : memref<16000xi32, #tpu.memory_space<hbm>>) target_semaphore(%run_scoped3A_317 : memref<!tpu.dma_semaphore, #tpu.memory_space<semaphore_mem>>)
        %dma_wait3A = tpu.memref_slice %arg6[%run_scoped3A, %mul3A_304] : memref<2x2048000xi32, #tpu.memory_space<hbm>> -> memref<1x16000xi32, #tpu.memory_space<hbm>>
        %dma_wait3A_321 = tpu.memref_squeeze %dma_wait3A : memref<1x16000xi32, #tpu.memory_space<hbm>> -> memref<16000xi32, #tpu.memory_space<hbm>>
        %dma_wait3A_322 = tpu.memref_slice %arg6[%run_scoped3A, %mul3A_304] : memref<2x2048000xi32, #tpu.memory_space<hbm>> -> memref<1x16000xi32, #tpu.memory_space<hbm>>
        %dma_wait3A_323 = tpu.memref_squeeze %dma_wait3A_322 : memref<1x16000xi32, #tpu.memory_space<hbm>> -> memref<16000xi32, #tpu.memory_space<hbm>>
        tpu.wait_dma2 semaphore(%run_scoped3A_317 : memref<!tpu.dma_semaphore, #tpu.memory_space<semaphore_mem>>) src(%arg8 : memref<16000xi32, #tpu.memory_space<vmem>>) dst(%dma_wait3A_323 : memref<16000xi32, #tpu.memory_space<hbm>>)
        tpu.yield
      }) : () -> ()
      %scan3A_305 = arith.constant 0 : i32
      %scan3A_306 = arith.constant 0 : i32
      %scan3A_307 = arith.constant 125 : i32
      %scan3A_308 = arith.addi %scan3A_306, %scan3A_307 : i32
      %scan3A_309 = arith.constant 1 : i32
      scf.for %scan3A_317 = %scan3A_306 to %scan3A_308 step %scan3A_309  : i32 {
        %mul3A_318 = arith.constant 16 : i32
        %mul3A_319 = arith.muli %scan3A_317, %mul3A_318 : i32
        %get3A_320 = arith.constant 1 : i32
        %get3A_321 = arith.index_cast %get3A_320 : i32 to index
        %get3A_322 = arith.index_cast %mul3A_319 : i32 to index
        %get3A_323 = tpu.vector_load %arg7[%get3A_321, %get3A_322] {strides = array<i32>} : memref<2x2000xi32, #tpu.memory_space<vmem>>, vector<1x16xi32>,
        %get3A_324 = vector.shape_cast %get3A_323 : vector<1x16xi32> to vector<16xi32>
        %mul3A_325 = arith.constant 8 : i32
        %mul3A_326 = arith.muli %scan3A_293, %mul3A_325 : i32
        %add3A_327 = arith.addi %mul3A_2, %mul3A_326 : i32
        %add3A_328 = arith.constant 0 : i32
        %add3A_329 = arith.addi %add3A_327, %add3A_328 : i32
        %mul3A_330 = arith.constant 100 : i32
        %mul3A_331 = arith.muli %add3A_329, %mul3A_330 : i32
        %add3A_332 = vector.broadcast %mul3A_331 : i32 to vector<16xi32>
        %add3A_333 = arith.addi %get3A_324, %add3A_332 : vector<16xi32>
        %mul3A_334 = arith.constant 16 : i32
        %mul3A_335 = arith.muli %scan3A_317, %mul3A_334 : i32
        %add3A_336 = arith.constant 0 : i32
        %add3A_337 = arith.addi %add3A_336, %mul3A_335 : i32
        %swap3A_338 = arith.index_cast %add3A_337 : i32 to index
        %swap3A_339 = tpu.vector_load %arg8[%swap3A_338] {strides = array<i32>} : memref<16000xi32, #tpu.memory_space<vmem>>, vector<16xi32>,
        %swap3A_340 = vector.shape_cast %swap3A_339 : vector<16xi32> to vector<16xi32>
        %swap3A_341 = vector.shape_cast %add3A_333 : vector<16xi32> to vector<16xi32>
        tpu.vector_store %arg8[%swap3A_338], %swap3A_341 {strides = array<i32>} : memref<16000xi32, #tpu.memory_space<vmem>>, vector<16xi32>,
        %mul3A_342 = arith.constant 8 : i32
        %mul3A_343 = arith.muli %scan3A_293, %mul3A_342 : i32
        %add3A_344 = arith.addi %mul3A_2, %mul3A_343 : i32
        %add3A_345 = arith.constant 1 : i32
        %add3A_346 = arith.addi %add3A_344, %add3A_345 : i32
        %mul3A_347 = arith.constant 100 : i32
        %mul3A_348 = arith.muli %add3A_346, %mul3A_347 : i32
        %add3A_349 = vector.broadcast %mul3A_348 : i32 to vector<16xi32>
        %add3A_350 = arith.addi %get3A_324, %add3A_349 : vector<16xi32>
        %mul3A_351 = arith.constant 16 : i32
        %mul3A_352 = arith.muli %scan3A_317, %mul3A_351 : i32
        %add3A_353 = arith.constant 2000 : i32
        %add3A_354 = arith.addi %add3A_353, %mul3A_352 : i32
        %swap3A_355 = arith.index_cast %add3A_354 : i32 to index
        %swap3A_356 = tpu.vector_load %arg8[%swap3A_355] {strides = array<i32>} : memref<16000xi32, #tpu.memory_space<vmem>>, vector<16xi32>,
        %swap3A_357 = vector.shape_cast %swap3A_356 : vector<16xi32> to vector<16xi32>
        %swap3A_358 = vector.shape_cast %add3A_350 : vector<16xi32> to vector<16xi32>
        tpu.vector_store %arg8[%swap3A_355], %swap3A_358 {strides = array<i32>} : memref<16000xi32, #tpu.memory_space<vmem>>, vector<16xi32>,
        %mul3A_359 = arith.constant 8 : i32
        %mul3A_360 = arith.muli %scan3A_293, %mul3A_359 : i32
        %add3A_361 = arith.addi %mul3A_2, %mul3A_360 : i32
        %add3A_362 = arith.constant 2 : i32
        %add3A_363 = arith.addi %add3A_361, %add3A_362 : i32
        %mul3A_364 = arith.constant 100 : i32
        %mul3A_365 = arith.muli %add3A_363, %mul3A_364 : i32
        %add3A_366 = vector.broadcast %mul3A_365 : i32 to vector<16xi32>
        %add3A_367 = arith.addi %get3A_324, %add3A_366 : vector<16xi32>
        %mul3A_368 = arith.constant 16 : i32
        %mul3A_369 = arith.muli %scan3A_317, %mul3A_368 : i32
        %add3A_370 = arith.constant 4000 : i32
        %add3A_371 = arith.addi %add3A_370, %mul3A_369 : i32
        %swap3A_372 = arith.index_cast %add3A_371 : i32 to index
        %swap3A_373 = tpu.vector_load %arg8[%swap3A_372] {strides = array<i32>} : memref<16000xi32, #tpu.memory_space<vmem>>, vector<16xi32>,
        %swap3A_374 = vector.shape_cast %swap3A_373 : vector<16xi32> to vector<16xi32>
        %swap3A_375 = vector.shape_cast %add3A_367 : vector<16xi32> to vector<16xi32>
        tpu.vector_store %arg8[%swap3A_372], %swap3A_375 {strides = array<i32>} : memref<16000xi32, #tpu.memory_space<vmem>>, vector<16xi32>,
        %mul3A_376 = arith.constant 8 : i32
        %mul3A_377 = arith.muli %scan3A_293, %mul3A_376 : i32
        %add3A_378 = arith.addi %mul3A_2, %mul3A_377 : i32
        %add3A_379 = arith.constant 3 : i32
        %add3A_380 = arith.addi %add3A_378, %add3A_379 : i32
        %mul3A_381 = arith.constant 100 : i32
        %mul3A_382 = arith.muli %add3A_380, %mul3A_381 : i32
        %add3A_383 = vector.broadcast %mul3A_382 : i32 to vector<16xi32>
        %add3A_384 = arith.addi %get3A_324, %add3A_383 : vector<16xi32>
        %mul3A_385 = arith.constant 16 : i32
        %mul3A_386 = arith.muli %scan3A_317, %mul3A_385 : i32
        %add3A_387 = arith.constant 6000 : i32
        %add3A_388 = arith.addi %add3A_387, %mul3A_386 : i32
        %swap3A_389 = arith.index_cast %add3A_388 : i32 to index
        %swap3A_390 = tpu.vector_load %arg8[%swap3A_389] {strides = array<i32>} : memref<16000xi32, #tpu.memory_space<vmem>>, vector<16xi32>,
        %swap3A_391 = vector.shape_cast %swap3A_390 : vector<16xi32> to vector<16xi32>
        %swap3A_392 = vector.shape_cast %add3A_384 : vector<16xi32> to vector<16xi32>
        tpu.vector_store %arg8[%swap3A_389], %swap3A_392 {strides = array<i32>} : memref<16000xi32, #tpu.memory_space<vmem>>, vector<16xi32>,
        %mul3A_393 = arith.constant 8 : i32
        %mul3A_394 = arith.muli %scan3A_293, %mul3A_393 : i32
        %add3A_395 = arith.addi %mul3A_2, %mul3A_394 : i32
        %add3A_396 = arith.constant 4 : i32
        %add3A_397 = arith.addi %add3A_395, %add3A_396 : i32
        %mul3A_398 = arith.constant 100 : i32
        %mul3A_399 = arith.muli %add3A_397, %mul3A_398 : i32
        %add3A_400 = vector.broadcast %mul3A_399 : i32 to vector<16xi32>
        %add3A_401 = arith.addi %get3A_324, %add3A_400 : vector<16xi32>
        %mul3A_402 = arith.constant 16 : i32
        %mul3A_403 = arith.muli %scan3A_317, %mul3A_402 : i32
        %add3A_404 = arith.constant 8000 : i32
        %add3A_405 = arith.addi %add3A_404, %mul3A_403 : i32
        %swap3A_406 = arith.index_cast %add3A_405 : i32 to index
        %swap3A_407 = tpu.vector_load %arg8[%swap3A_406] {strides = array<i32>} : memref<16000xi32, #tpu.memory_space<vmem>>, vector<16xi32>,
        %swap3A_408 = vector.shape_cast %swap3A_407 : vector<16xi32> to vector<16xi32>
        %swap3A_409 = vector.shape_cast %add3A_401 : vector<16xi32> to vector<16xi32>
        tpu.vector_store %arg8[%swap3A_406], %swap3A_409 {strides = array<i32>} : memref<16000xi32, #tpu.memory_space<vmem>>, vector<16xi32>,
        %mul3A_410 = arith.constant 8 : i32
        %mul3A_411 = arith.muli %scan3A_293, %mul3A_410 : i32
        %add3A_412 = arith.addi %mul3A_2, %mul3A_411 : i32
        %add3A_413 = arith.constant 5 : i32
        %add3A_414 = arith.addi %add3A_412, %add3A_413 : i32
        %mul3A_415 = arith.constant 100 : i32
        %mul3A_416 = arith.muli %add3A_414, %mul3A_415 : i32
        %add3A_417 = vector.broadcast %mul3A_416 : i32 to vector<16xi32>
        %add3A_418 = arith.addi %get3A_324, %add3A_417 : vector<16xi32>
        %mul3A_419 = arith.constant 16 : i32
        %mul3A_420 = arith.muli %scan3A_317, %mul3A_419 : i32
        %add3A_421 = arith.constant 10000 : i32
        %add3A_422 = arith.addi %add3A_421, %mul3A_420 : i32
        %swap3A_423 = arith.index_cast %add3A_422 : i32 to index
        %swap3A_424 = tpu.vector_load %arg8[%swap3A_423] {strides = array<i32>} : memref<16000xi32, #tpu.memory_space<vmem>>, vector<16xi32>,
        %swap3A_425 = vector.shape_cast %swap3A_424 : vector<16xi32> to vector<16xi32>
        %swap3A_426 = vector.shape_cast %add3A_418 : vector<16xi32> to vector<16xi32>
        tpu.vector_store %arg8[%swap3A_423], %swap3A_426 {strides = array<i32>} : memref<16000xi32, #tpu.memory_space<vmem>>, vector<16xi32>,
        %mul3A_427 = arith.constant 8 : i32
        %mul3A_428 = arith.muli %scan3A_293, %mul3A_427 : i32
        %add3A_429 = arith.addi %mul3A_2, %mul3A_428 : i32
        %add3A_430 = arith.constant 6 : i32
        %add3A_431 = arith.addi %add3A_429, %add3A_430 : i32
        %mul3A_432 = arith.constant 100 : i32
        %mul3A_433 = arith.muli %add3A_431, %mul3A_432 : i32
        %add3A_434 = vector.broadcast %mul3A_433 : i32 to vector<16xi32>
        %add3A_435 = arith.addi %get3A_324, %add3A_434 : vector<16xi32>
        %mul3A_436 = arith.constant 16 : i32
        %mul3A_437 = arith.muli %scan3A_317, %mul3A_436 : i32
        %add3A_438 = arith.constant 12000 : i32
        %add3A_439 = arith.addi %add3A_438, %mul3A_437 : i32
        %swap3A_440 = arith.index_cast %add3A_439 : i32 to index
        %swap3A_441 = tpu.vector_load %arg8[%swap3A_440] {strides = array<i32>} : memref<16000xi32, #tpu.memory_space<vmem>>, vector<16xi32>,
        %swap3A_442 = vector.shape_cast %swap3A_441 : vector<16xi32> to vector<16xi32>
        %swap3A_443 = vector.shape_cast %add3A_435 : vector<16xi32> to vector<16xi32>
        tpu.vector_store %arg8[%swap3A_440], %swap3A_443 {strides = array<i32>} : memref<16000xi32, #tpu.memory_space<vmem>>, vector<16xi32>,
        %mul3A_444 = arith.constant 8 : i32
        %mul3A_445 = arith.muli %scan3A_293, %mul3A_444 : i32
        %add3A_446 = arith.addi %mul3A_2, %mul3A_445 : i32
        %add3A_447 = arith.constant 7 : i32
        %add3A_448 = arith.addi %add3A_446, %add3A_447 : i32
        %mul3A_449 = arith.constant 100 : i32
        %mul3A_450 = arith.muli %add3A_448, %mul3A_449 : i32
        %add3A_451 = vector.broadcast %mul3A_450 : i32 to vector<16xi32>
        %add3A_452 = arith.addi %get3A_324, %add3A_451 : vector<16xi32>
        %mul3A_453 = arith.constant 16 : i32
        %mul3A_454 = arith.muli %scan3A_317, %mul3A_453 : i32
        %add3A_455 = arith.constant 14000 : i32
        %add3A_456 = arith.addi %add3A_455, %mul3A_454 : i32
        %swap3A_457 = arith.index_cast %add3A_456 : i32 to index
        %swap3A_458 = tpu.vector_load %arg8[%swap3A_457] {strides = array<i32>} : memref<16000xi32, #tpu.memory_space<vmem>>, vector<16xi32>,
        %swap3A_459 = vector.shape_cast %swap3A_458 : vector<16xi32> to vector<16xi32>
        %swap3A_460 = vector.shape_cast %add3A_452 : vector<16xi32> to vector<16xi32>
        tpu.vector_store %arg8[%swap3A_457], %swap3A_460 {strides = array<i32>} : memref<16000xi32, #tpu.memory_space<vmem>>, vector<16xi32>,
      }
      %scan3A_310 = arith.constant 125 : i32
      %mul3A_311 = arith.constant 8 : i32
      %mul3A_312 = arith.muli %scan3A_293, %mul3A_311 : i32
      %add3A_313 = arith.addi %mul3A_2, %mul3A_312 : i32
      %mul3A_314 = arith.constant 2000 : i32
      %mul3A_315 = arith.muli %add3A_313, %mul3A_314 : i32
      %run_scoped3A_316 = arith.constant 1 : i32
      "tpu.region"() ({
        %run_scoped3A_317 = tpu.sem_alloc : memref<!tpu.dma_semaphore, #tpu.memory_space<semaphore_mem>>
        %dma_start3A = tpu.memref_slice %arg6[%run_scoped3A_316, %mul3A_315] : memref<2x2048000xi32, #tpu.memory_space<hbm>> -> memref<1x16000xi32, #tpu.memory_space<hbm>>
        %dma_start3A_318 = tpu.memref_squeeze %dma_start3A : memref<1x16000xi32, #tpu.memory_space<hbm>> -> memref<16000xi32, #tpu.memory_space<hbm>>
        %dma_start3A_319 = tpu.memref_slice %arg6[%run_scoped3A_316, %mul3A_315] : memref<2x2048000xi32, #tpu.memory_space<hbm>> -> memref<1x16000xi32, #tpu.memory_space<hbm>>
        %dma_start3A_320 = tpu.memref_squeeze %dma_start3A_319 : memref<1x16000xi32, #tpu.memory_space<hbm>> -> memref<16000xi32, #tpu.memory_space<hbm>>
        tpu.enqueue_dma source(%arg8 : memref<16000xi32, #tpu.memory_space<vmem>>) target(%dma_start3A_320 : memref<16000xi32, #tpu.memory_space<hbm>>) target_semaphore(%run_scoped3A_317 : memref<!tpu.dma_semaphore, #tpu.memory_space<semaphore_mem>>)
        %dma_wait3A = tpu.memref_slice %arg6[%run_scoped3A_316, %mul3A_315] : memref<2x2048000xi32, #tpu.memory_space<hbm>> -> memref<1x16000xi32, #tpu.memory_space<hbm>>
        %dma_wait3A_321 = tpu.memref_squeeze %dma_wait3A : memref<1x16000xi32, #tpu.memory_space<hbm>> -> memref<16000xi32, #tpu.memory_space<hbm>>
        %dma_wait3A_322 = tpu.memref_slice %arg6[%run_scoped3A_316, %mul3A_315] : memref<2x2048000xi32, #tpu.memory_space<hbm>> -> memref<1x16000xi32, #tpu.memory_space<hbm>>
        %dma_wait3A_323 = tpu.memref_squeeze %dma_wait3A_322 : memref<1x16000xi32, #tpu.memory_space<hbm>> -> memref<16000xi32, #tpu.memory_space<hbm>>
        tpu.wait_dma2 semaphore(%run_scoped3A_317 : memref<!tpu.dma_semaphore, #tpu.memory_space<semaphore_mem>>) src(%arg8 : memref<16000xi32, #tpu.memory_space<vmem>>) dst(%dma_wait3A_323 : memref<16000xi32, #tpu.memory_space<hbm>>)
        tpu.yield
      }) : () -> ()
    }
    %scan3A_7 = arith.constant 4 : i32
    %mul3A_8 = arith.constant 2 : i32
    %mul3A_9 = arith.muli %add3A, %mul3A_8 : i32
    "tpu.region"() ({
      %run_scoped3A = tpu.sem_alloc : memref<!tpu.dma_semaphore, #tpu.memory_space<semaphore_mem>>
      %dma_start3A = arith.constant 0 : i32
      %dma_start3A_293 = tpu.memref_slice %arg2[%mul3A_9, %dma_start3A] : memref<100x112xf32, #tpu.memory_space<hbm>> -> memref<2x112xf32, #tpu.memory_space<hbm>>
      %dma_start3A_294 = arith.constant 0 : i32
      %dma_start3A_295 = tpu.memref_slice %arg2[%mul3A_9, %dma_start3A_294] : memref<100x112xf32, #tpu.memory_space<hbm>> -> memref<2x112xf32, #tpu.memory_space<hbm>>
      tpu.enqueue_dma source(%dma_start3A_295 : memref<2x112xf32, #tpu.memory_space<hbm>>) target(%arg9 : memref<2x112xf32, #tpu.memory_space<vmem>>) target_semaphore(%run_scoped3A : memref<!tpu.dma_semaphore, #tpu.memory_space<semaphore_mem>>)
      %dma_wait3A = arith.constant 0 : i32
      %dma_wait3A_296 = tpu.memref_slice %arg2[%mul3A_9, %dma_wait3A] : memref<100x112xf32, #tpu.memory_space<hbm>> -> memref<2x112xf32, #tpu.memory_space<hbm>>
      %dma_wait3A_297 = arith.constant 0 : i32
      %dma_wait3A_298 = tpu.memref_slice %arg2[%mul3A_9, %dma_wait3A_297] : memref<100x112xf32, #tpu.memory_space<hbm>> -> memref<2x112xf32, #tpu.memory_space<hbm>>
      tpu.wait_dma2 semaphore(%run_scoped3A : memref<!tpu.dma_semaphore, #tpu.memory_space<semaphore_mem>>) src(%dma_wait3A_298 : memref<2x112xf32, #tpu.memory_space<hbm>>) dst(%arg9 : memref<2x112xf32, #tpu.memory_space<vmem>>)
      tpu.yield
    }) : () -> ()
    %iota3A = tpu.iota {dimensions = array<i32: 0>} : vector<16xi32>
    %get3A = arith.constant 0 : i32
    %get3A_10 = arith.index_cast %get3A : i32 to index
    %get3A_11 = arith.constant 0 : index
    %get3A_12 = tpu.vector_load %arg9[%get3A_10, %get3A_11] {strides = array<i32>} : memref<2x112xf32, #tpu.memory_space<vmem>>, vector<1x16xf32>,
    %get3A_13 = vector.shape_cast %get3A_12 : vector<1x16xf32> to vector<16xf32>
    %get3A_14 = arith.constant 0 : i32
    %get3A_15 = arith.index_cast %get3A_14 : i32 to index
    %get3A_16 = arith.constant 16 : index
    %get3A_17 = tpu.vector_load %arg9[%get3A_15, %get3A_16] {strides = array<i32>} : memref<2x112xf32, #tpu.memory_space<vmem>>, vector<1x16xf32>,
    %get3A_18 = vector.shape_cast %get3A_17 : vector<1x16xf32> to vector<16xf32>
    %get3A_19 = arith.constant 0 : i32
    %get3A_20 = arith.index_cast %get3A_19 : i32 to index
    %get3A_21 = arith.constant 32 : index
    %get3A_22 = tpu.vector_load %arg9[%get3A_20, %get3A_21] {strides = array<i32>} : memref<2x112xf32, #tpu.memory_space<vmem>>, vector<1x16xf32>,
    %get3A_23 = vector.shape_cast %get3A_22 : vector<1x16xf32> to vector<16xf32>
    %get3A_24 = arith.constant 0 : i32
    %get3A_25 = arith.index_cast %get3A_24 : i32 to index
    %get3A_26 = arith.constant 48 : index
    %get3A_27 = tpu.vector_load %arg9[%get3A_25, %get3A_26] {strides = array<i32>} : memref<2x112xf32, #tpu.memory_space<vmem>>, vector<1x16xf32>,
    %get3A_28 = vector.shape_cast %get3A_27 : vector<1x16xf32> to vector<16xf32>
    %get3A_29 = arith.constant 0 : i32
    %get3A_30 = arith.index_cast %get3A_29 : i32 to index
    %get3A_31 = arith.constant 64 : index
    %get3A_32 = tpu.vector_load %arg9[%get3A_30, %get3A_31] {strides = array<i32>} : memref<2x112xf32, #tpu.memory_space<vmem>>, vector<1x16xf32>,
    %get3A_33 = vector.shape_cast %get3A_32 : vector<1x16xf32> to vector<16xf32>
    %get3A_34 = arith.constant 0 : i32
    %get3A_35 = arith.index_cast %get3A_34 : i32 to index
    %get3A_36 = arith.constant 80 : index
    %get3A_37 = tpu.vector_load %arg9[%get3A_35, %get3A_36] {strides = array<i32>} : memref<2x112xf32, #tpu.memory_space<vmem>>, vector<1x16xf32>,
    %get3A_38 = vector.shape_cast %get3A_37 : vector<1x16xf32> to vector<16xf32>
    %get3A_39 = arith.constant 0 : i32
    %get3A_40 = arith.index_cast %get3A_39 : i32 to index
    %get3A_41 = arith.constant 96 : index
    %get3A_42 = tpu.vector_load %arg9[%get3A_40, %get3A_41] {strides = array<i32>} : memref<2x112xf32, #tpu.memory_space<vmem>>, vector<1x16xf32>,
    %get3A_43 = vector.shape_cast %get3A_42 : vector<1x16xf32> to vector<16xf32>
    %broadcast_in_dim3A = arith.constant 0 : i32
    %broadcast_in_dim3A_44 = vector.broadcast %broadcast_in_dim3A : i32 to vector<16xi32>
    %broadcast_in_dim3A_45 = arith.constant 0.000000e+00 : f32
    %broadcast_in_dim3A_46 = vector.broadcast %broadcast_in_dim3A_45 : f32 to vector<16xf32>
    %scan3A_47 = arith.constant 0 : i32
    %scan3A_48 = arith.constant 20 : i32
    %scan3A_49 = arith.addi %scan3A_47, %scan3A_48 : i32
    %scan3A_50 = arith.constant 1 : i32
    %scan3A_51:11 = scf.for %scan3A_293 = %scan3A_47 to %scan3A_49 step %scan3A_50 iter_args(%scan3A_294 = %get3A_13, %scan3A_295 = %get3A_18, %scan3A_296 = %get3A_23, %scan3A_297 = %get3A_28, %scan3A_298 = %get3A_33, %scan3A_299 = %get3A_38, %scan3A_300 = %get3A_43, %scan3A_301 = %broadcast_in_dim3A_44, %scan3A_302 = %broadcast_in_dim3A_44, %scan3A_303 = %broadcast_in_dim3A_46, %scan3A_304 = %broadcast_in_dim3A_46) -> (vector<16xf32>, vector<16xf32>, vector<16xf32>, vector<16xf32>, vector<16xf32>, vector<16xf32>, vector<16xf32>, vector<16xi32>, vector<16xi32>, vector<16xf32>, vector<16xf32>)  : i32 {
      %max3A = arith.maximumf %scan3A_294, %scan3A_295 : vector<16xf32>
      %max3A_305 = arith.maximumf %max3A, %scan3A_296 : vector<16xf32>
      %max3A_306 = arith.maximumf %max3A_305, %scan3A_297 : vector<16xf32>
      %max3A_307 = arith.maximumf %max3A_306, %scan3A_298 : vector<16xf32>
      %max3A_308 = arith.maximumf %max3A_307, %scan3A_299 : vector<16xf32>
      %max3A_309 = arith.maximumf %max3A_308, %scan3A_300 : vector<16xf32>
      %slice3A = vector.extract_strided_slice %max3A_309 {offsets = [0], sizes = [1], strides = [1]} : vector<16xf32> to vector<1xf32>
      %squeeze3A = vector.extract %slice3A[0] : f32 from vector<1xf32>
      %slice3A_310 = vector.extract_strided_slice %max3A_309 {offsets = [1], sizes = [1], strides = [1]} : vector<16xf32> to vector<1xf32>
      %squeeze3A_311 = vector.extract %slice3A_310[0] : f32 from vector<1xf32>
      %max3A_312 = arith.maximumf %squeeze3A, %squeeze3A_311 : f32
      %slice3A_313 = vector.extract_strided_slice %max3A_309 {offsets = [2], sizes = [1], strides = [1]} : vector<16xf32> to vector<1xf32>
      %squeeze3A_314 = vector.extract %slice3A_313[0] : f32 from vector<1xf32>
      %max3A_315 = arith.maximumf %max3A_312, %squeeze3A_314 : f32
      %slice3A_316 = vector.extract_strided_slice %max3A_309 {offsets = [3], sizes = [1], strides = [1]} : vector<16xf32> to vector<1xf32>
      %squeeze3A_317 = vector.extract %slice3A_316[0] : f32 from vector<1xf32>
      %max3A_318 = arith.maximumf %max3A_315, %squeeze3A_317 : f32
      %slice3A_319 = vector.extract_strided_slice %max3A_309 {offsets = [4], sizes = [1], strides = [1]} : vector<16xf32> to vector<1xf32>
      %squeeze3A_320 = vector.extract %slice3A_319[0] : f32 from vector<1xf32>
      %max3A_321 = arith.maximumf %max3A_318, %squeeze3A_320 : f32
      %slice3A_322 = vector.extract_strided_slice %max3A_309 {offsets = [5], sizes = [1], strides = [1]} : vector<16xf32> to vector<1xf32>
      %squeeze3A_323 = vector.extract %slice3A_322[0] : f32 from vector<1xf32>
      %max3A_324 = arith.maximumf %max3A_321, %squeeze3A_323 : f32
      %slice3A_325 = vector.extract_strided_slice %max3A_309 {offsets = [6], sizes = [1], strides = [1]} : vector<16xf32> to vector<1xf32>
      %squeeze3A_326 = vector.extract %slice3A_325[0] : f32 from vector<1xf32>
      %max3A_327 = arith.maximumf %max3A_324, %squeeze3A_326 : f32
      %slice3A_328 = vector.extract_strided_slice %max3A_309 {offsets = [7], sizes = [1], strides = [1]} : vector<16xf32> to vector<1xf32>
      %squeeze3A_329 = vector.extract %slice3A_328[0] : f32 from vector<1xf32>
      %max3A_330 = arith.maximumf %max3A_327, %squeeze3A_329 : f32
      %slice3A_331 = vector.extract_strided_slice %max3A_309 {offsets = [8], sizes = [1], strides = [1]} : vector<16xf32> to vector<1xf32>
      %squeeze3A_332 = vector.extract %slice3A_331[0] : f32 from vector<1xf32>
      %max3A_333 = arith.maximumf %max3A_330, %squeeze3A_332 : f32
      %slice3A_334 = vector.extract_strided_slice %max3A_309 {offsets = [9], sizes = [1], strides = [1]} : vector<16xf32> to vector<1xf32>
      %squeeze3A_335 = vector.extract %slice3A_334[0] : f32 from vector<1xf32>
      %max3A_336 = arith.maximumf %max3A_333, %squeeze3A_335 : f32
      %slice3A_337 = vector.extract_strided_slice %max3A_309 {offsets = [10], sizes = [1], strides = [1]} : vector<16xf32> to vector<1xf32>
      %squeeze3A_338 = vector.extract %slice3A_337[0] : f32 from vector<1xf32>
      %max3A_339 = arith.maximumf %max3A_336, %squeeze3A_338 : f32
      %slice3A_340 = vector.extract_strided_slice %max3A_309 {offsets = [11], sizes = [1], strides = [1]} : vector<16xf32> to vector<1xf32>
      %squeeze3A_341 = vector.extract %slice3A_340[0] : f32 from vector<1xf32>
      %max3A_342 = arith.maximumf %max3A_339, %squeeze3A_341 : f32
      %slice3A_343 = vector.extract_strided_slice %max3A_309 {offsets = [12], sizes = [1], strides = [1]} : vector<16xf32> to vector<1xf32>
      %squeeze3A_344 = vector.extract %slice3A_343[0] : f32 from vector<1xf32>
      %max3A_345 = arith.maximumf %max3A_342, %squeeze3A_344 : f32
      %slice3A_346 = vector.extract_strided_slice %max3A_309 {offsets = [13], sizes = [1], strides = [1]} : vector<16xf32> to vector<1xf32>
      %squeeze3A_347 = vector.extract %slice3A_346[0] : f32 from vector<1xf32>
      %max3A_348 = arith.maximumf %max3A_345, %squeeze3A_347 : f32
      %slice3A_349 = vector.extract_strided_slice %max3A_309 {offsets = [14], sizes = [1], strides = [1]} : vector<16xf32> to vector<1xf32>
      %squeeze3A_350 = vector.extract %slice3A_349[0] : f32 from vector<1xf32>
      %max3A_351 = arith.maximumf %max3A_348, %squeeze3A_350 : f32
      %slice3A_352 = vector.extract_strided_slice %max3A_309 {offsets = [15], sizes = [1], strides = [1]} : vector<16xf32> to vector<1xf32>
      %squeeze3A_353 = vector.extract %slice3A_352[0] : f32 from vector<1xf32>
      %max3A_354 = arith.maximumf %max3A_351, %squeeze3A_353 : f32
      %broadcast_in_dim3A_355 = arith.constant 9999 : i32
      %broadcast_in_dim3A_356 = vector.broadcast %broadcast_in_dim3A_355 : i32 to vector<16xi32>
      %eq3A = vector.broadcast %max3A_354 : f32 to vector<16xf32>
      %eq3A_357 = arith.cmpf oeq, %scan3A_294, %eq3A : vector<16xf32>
      %add3A_358 = arith.constant 0 : i32
      %add3A_359 = vector.broadcast %add3A_358 : i32 to vector<16xi32>
      %add3A_360 = arith.addi %iota3A, %add3A_359 : vector<16xi32>
      %jit3A_361 = arith.constant 9999 : i32
      %broadcast_in_dim3A_362 = vector.broadcast %jit3A_361 : i32 to vector<16xi32>
      %select_n3A_363 = arith.select %eq3A_357, %add3A_360, %broadcast_in_dim3A_362 : vector<16xi1>, vector<16xi32>
      %min3A = arith.minsi %broadcast_in_dim3A_356, %select_n3A_363 : vector<16xi32>
      %eq3A_364 = vector.broadcast %max3A_354 : f32 to vector<16xf32>
      %eq3A_365 = arith.cmpf oeq, %scan3A_295, %eq3A_364 : vector<16xf32>
      %add3A_366 = arith.constant 16 : i32
      %add3A_367 = vector.broadcast %add3A_366 : i32 to vector<16xi32>
      %add3A_368 = arith.addi %iota3A, %add3A_367 : vector<16xi32>
      %jit3A_369 = arith.constant 9999 : i32
      %broadcast_in_dim3A_370 = vector.broadcast %jit3A_369 : i32 to vector<16xi32>
      %select_n3A_371 = arith.select %eq3A_365, %add3A_368, %broadcast_in_dim3A_370 : vector<16xi1>, vector<16xi32>
      %min3A_372 = arith.minsi %min3A, %select_n3A_371 : vector<16xi32>
      %eq3A_373 = vector.broadcast %max3A_354 : f32 to vector<16xf32>
      %eq3A_374 = arith.cmpf oeq, %scan3A_296, %eq3A_373 : vector<16xf32>
      %add3A_375 = arith.constant 32 : i32
      %add3A_376 = vector.broadcast %add3A_375 : i32 to vector<16xi32>
      %add3A_377 = arith.addi %iota3A, %add3A_376 : vector<16xi32>
      %jit3A_378 = arith.constant 9999 : i32
      %broadcast_in_dim3A_379 = vector.broadcast %jit3A_378 : i32 to vector<16xi32>
      %select_n3A_380 = arith.select %eq3A_374, %add3A_377, %broadcast_in_dim3A_379 : vector<16xi1>, vector<16xi32>
      %min3A_381 = arith.minsi %min3A_372, %select_n3A_380 : vector<16xi32>
      %eq3A_382 = vector.broadcast %max3A_354 : f32 to vector<16xf32>
      %eq3A_383 = arith.cmpf oeq, %scan3A_297, %eq3A_382 : vector<16xf32>
      %add3A_384 = arith.constant 48 : i32
      %add3A_385 = vector.broadcast %add3A_384 : i32 to vector<16xi32>
      %add3A_386 = arith.addi %iota3A, %add3A_385 : vector<16xi32>
      %jit3A_387 = arith.constant 9999 : i32
      %broadcast_in_dim3A_388 = vector.broadcast %jit3A_387 : i32 to vector<16xi32>
      %select_n3A_389 = arith.select %eq3A_383, %add3A_386, %broadcast_in_dim3A_388 : vector<16xi1>, vector<16xi32>
      %min3A_390 = arith.minsi %min3A_381, %select_n3A_389 : vector<16xi32>
      %eq3A_391 = vector.broadcast %max3A_354 : f32 to vector<16xf32>
      %eq3A_392 = arith.cmpf oeq, %scan3A_298, %eq3A_391 : vector<16xf32>
      %add3A_393 = arith.constant 64 : i32
      %add3A_394 = vector.broadcast %add3A_393 : i32 to vector<16xi32>
      %add3A_395 = arith.addi %iota3A, %add3A_394 : vector<16xi32>
      %jit3A_396 = arith.constant 9999 : i32
      %broadcast_in_dim3A_397 = vector.broadcast %jit3A_396 : i32 to vector<16xi32>
      %select_n3A_398 = arith.select %eq3A_392, %add3A_395, %broadcast_in_dim3A_397 : vector<16xi1>, vector<16xi32>
      %min3A_399 = arith.minsi %min3A_390, %select_n3A_398 : vector<16xi32>
      %eq3A_400 = vector.broadcast %max3A_354 : f32 to vector<16xf32>
      %eq3A_401 = arith.cmpf oeq, %scan3A_299, %eq3A_400 : vector<16xf32>
      %add3A_402 = arith.constant 80 : i32
      %add3A_403 = vector.broadcast %add3A_402 : i32 to vector<16xi32>
      %add3A_404 = arith.addi %iota3A, %add3A_403 : vector<16xi32>
      %jit3A_405 = arith.constant 9999 : i32
      %broadcast_in_dim3A_406 = vector.broadcast %jit3A_405 : i32 to vector<16xi32>
      %select_n3A_407 = arith.select %eq3A_401, %add3A_404, %broadcast_in_dim3A_406 : vector<16xi1>, vector<16xi32>
      %min3A_408 = arith.minsi %min3A_399, %select_n3A_407 : vector<16xi32>
      %eq3A_409 = vector.broadcast %max3A_354 : f32 to vector<16xf32>
      %eq3A_410 = arith.cmpf oeq, %scan3A_300, %eq3A_409 : vector<16xf32>
      %add3A_411 = arith.constant 96 : i32
      %add3A_412 = vector.broadcast %add3A_411 : i32 to vector<16xi32>
      %add3A_413 = arith.addi %iota3A, %add3A_412 : vector<16xi32>
      %jit3A_414 = arith.constant 9999 : i32
      %broadcast_in_dim3A_415 = vector.broadcast %jit3A_414 : i32 to vector<16xi32>
      %select_n3A_416 = arith.select %eq3A_410, %add3A_413, %broadcast_in_dim3A_415 : vector<16xi1>, vector<16xi32>
      %min3A_417 = arith.minsi %min3A_408, %select_n3A_416 : vector<16xi32>
      %slice3A_418 = vector.extract_strided_slice %min3A_417 {offsets = [0], sizes = [1], strides = [1]} : vector<16xi32> to vector<1xi32>
      %squeeze3A_419 = vector.extract %slice3A_418[0] : i32 from vector<1xi32>
      %slice3A_420 = vector.extract_strided_slice %min3A_417 {offsets = [1], sizes = [1], strides = [1]} : vector<16xi32> to vector<1xi32>
      %squeeze3A_421 = vector.extract %slice3A_420[0] : i32 from vector<1xi32>
      %min3A_422 = arith.minsi %squeeze3A_419, %squeeze3A_421 : i32
      %slice3A_423 = vector.extract_strided_slice %min3A_417 {offsets = [2], sizes = [1], strides = [1]} : vector<16xi32> to vector<1xi32>
      %squeeze3A_424 = vector.extract %slice3A_423[0] : i32 from vector<1xi32>
      %min3A_425 = arith.minsi %min3A_422, %squeeze3A_424 : i32
      %slice3A_426 = vector.extract_strided_slice %min3A_417 {offsets = [3], sizes = [1], strides = [1]} : vector<16xi32> to vector<1xi32>
      %squeeze3A_427 = vector.extract %slice3A_426[0] : i32 from vector<1xi32>
      %min3A_428 = arith.minsi %min3A_425, %squeeze3A_427 : i32
      %slice3A_429 = vector.extract_strided_slice %min3A_417 {offsets = [4], sizes = [1], strides = [1]} : vector<16xi32> to vector<1xi32>
      %squeeze3A_430 = vector.extract %slice3A_429[0] : i32 from vector<1xi32>
      %min3A_431 = arith.minsi %min3A_428, %squeeze3A_430 : i32
      %slice3A_432 = vector.extract_strided_slice %min3A_417 {offsets = [5], sizes = [1], strides = [1]} : vector<16xi32> to vector<1xi32>
      %squeeze3A_433 = vector.extract %slice3A_432[0] : i32 from vector<1xi32>
      %min3A_434 = arith.minsi %min3A_431, %squeeze3A_433 : i32
      %slice3A_435 = vector.extract_strided_slice %min3A_417 {offsets = [6], sizes = [1], strides = [1]} : vector<16xi32> to vector<1xi32>
      %squeeze3A_436 = vector.extract %slice3A_435[0] : i32 from vector<1xi32>
      %min3A_437 = arith.minsi %min3A_434, %squeeze3A_436 : i32
      %slice3A_438 = vector.extract_strided_slice %min3A_417 {offsets = [7], sizes = [1], strides = [1]} : vector<16xi32> to vector<1xi32>
      %squeeze3A_439 = vector.extract %slice3A_438[0] : i32 from vector<1xi32>
      %min3A_440 = arith.minsi %min3A_437, %squeeze3A_439 : i32
      %slice3A_441 = vector.extract_strided_slice %min3A_417 {offsets = [8], sizes = [1], strides = [1]} : vector<16xi32> to vector<1xi32>
      %squeeze3A_442 = vector.extract %slice3A_441[0] : i32 from vector<1xi32>
      %min3A_443 = arith.minsi %min3A_440, %squeeze3A_442 : i32
      %slice3A_444 = vector.extract_strided_slice %min3A_417 {offsets = [9], sizes = [1], strides = [1]} : vector<16xi32> to vector<1xi32>
      %squeeze3A_445 = vector.extract %slice3A_444[0] : i32 from vector<1xi32>
      %min3A_446 = arith.minsi %min3A_443, %squeeze3A_445 : i32
      %slice3A_447 = vector.extract_strided_slice %min3A_417 {offsets = [10], sizes = [1], strides = [1]} : vector<16xi32> to vector<1xi32>
      %squeeze3A_448 = vector.extract %slice3A_447[0] : i32 from vector<1xi32>
      %min3A_449 = arith.minsi %min3A_446, %squeeze3A_448 : i32
      %slice3A_450 = vector.extract_strided_slice %min3A_417 {offsets = [11], sizes = [1], strides = [1]} : vector<16xi32> to vector<1xi32>
      %squeeze3A_451 = vector.extract %slice3A_450[0] : i32 from vector<1xi32>
      %min3A_452 = arith.minsi %min3A_449, %squeeze3A_451 : i32
      %slice3A_453 = vector.extract_strided_slice %min3A_417 {offsets = [12], sizes = [1], strides = [1]} : vector<16xi32> to vector<1xi32>
      %squeeze3A_454 = vector.extract %slice3A_453[0] : i32 from vector<1xi32>
      %min3A_455 = arith.minsi %min3A_452, %squeeze3A_454 : i32
      %slice3A_456 = vector.extract_strided_slice %min3A_417 {offsets = [13], sizes = [1], strides = [1]} : vector<16xi32> to vector<1xi32>
      %squeeze3A_457 = vector.extract %slice3A_456[0] : i32 from vector<1xi32>
      %min3A_458 = arith.minsi %min3A_455, %squeeze3A_457 : i32
      %slice3A_459 = vector.extract_strided_slice %min3A_417 {offsets = [14], sizes = [1], strides = [1]} : vector<16xi32> to vector<1xi32>
      %squeeze3A_460 = vector.extract %slice3A_459[0] : i32 from vector<1xi32>
      %min3A_461 = arith.minsi %min3A_458, %squeeze3A_460 : i32
      %slice3A_462 = vector.extract_strided_slice %min3A_417 {offsets = [15], sizes = [1], strides = [1]} : vector<16xi32> to vector<1xi32>
      %squeeze3A_463 = vector.extract %slice3A_462[0] : i32 from vector<1xi32>
      %min3A_464 = arith.minsi %min3A_461, %squeeze3A_463 : i32
      %add3A_465 = arith.constant 0 : i32
      %add3A_466 = vector.broadcast %add3A_465 : i32 to vector<16xi32>
      %add3A_467 = arith.addi %iota3A, %add3A_466 : vector<16xi32>
      %eq3A_468 = vector.broadcast %min3A_464 : i32 to vector<16xi32>
      %eq3A_469 = arith.cmpi eq, %add3A_467, %eq3A_468 : vector<16xi32>
      %jit3A_470 = arith.constant -1.000000e+00 : f32
      %broadcast_in_dim3A_471 = vector.broadcast %jit3A_470 : f32 to vector<16xf32>
      %select_n3A_472 = arith.select %eq3A_469, %broadcast_in_dim3A_471, %scan3A_294 : vector<16xi1>, vector<16xf32>
      %add3A_473 = arith.constant 16 : i32
      %add3A_474 = vector.broadcast %add3A_473 : i32 to vector<16xi32>
      %add3A_475 = arith.addi %iota3A, %add3A_474 : vector<16xi32>
      %eq3A_476 = vector.broadcast %min3A_464 : i32 to vector<16xi32>
      %eq3A_477 = arith.cmpi eq, %add3A_475, %eq3A_476 : vector<16xi32>
      %jit3A_478 = arith.constant -1.000000e+00 : f32
      %broadcast_in_dim3A_479 = vector.broadcast %jit3A_478 : f32 to vector<16xf32>
      %select_n3A_480 = arith.select %eq3A_477, %broadcast_in_dim3A_479, %scan3A_295 : vector<16xi1>, vector<16xf32>
      %add3A_481 = arith.constant 32 : i32
      %add3A_482 = vector.broadcast %add3A_481 : i32 to vector<16xi32>
      %add3A_483 = arith.addi %iota3A, %add3A_482 : vector<16xi32>
      %eq3A_484 = vector.broadcast %min3A_464 : i32 to vector<16xi32>
      %eq3A_485 = arith.cmpi eq, %add3A_483, %eq3A_484 : vector<16xi32>
      %jit3A_486 = arith.constant -1.000000e+00 : f32
      %broadcast_in_dim3A_487 = vector.broadcast %jit3A_486 : f32 to vector<16xf32>
      %select_n3A_488 = arith.select %eq3A_485, %broadcast_in_dim3A_487, %scan3A_296 : vector<16xi1>, vector<16xf32>
      %add3A_489 = arith.constant 48 : i32
      %add3A_490 = vector.broadcast %add3A_489 : i32 to vector<16xi32>
      %add3A_491 = arith.addi %iota3A, %add3A_490 : vector<16xi32>
      %eq3A_492 = vector.broadcast %min3A_464 : i32 to vector<16xi32>
      %eq3A_493 = arith.cmpi eq, %add3A_491, %eq3A_492 : vector<16xi32>
      %jit3A_494 = arith.constant -1.000000e+00 : f32
      %broadcast_in_dim3A_495 = vector.broadcast %jit3A_494 : f32 to vector<16xf32>
      %select_n3A_496 = arith.select %eq3A_493, %broadcast_in_dim3A_495, %scan3A_297 : vector<16xi1>, vector<16xf32>
      %add3A_497 = arith.constant 64 : i32
      %add3A_498 = vector.broadcast %add3A_497 : i32 to vector<16xi32>
      %add3A_499 = arith.addi %iota3A, %add3A_498 : vector<16xi32>
      %eq3A_500 = vector.broadcast %min3A_464 : i32 to vector<16xi32>
      %eq3A_501 = arith.cmpi eq, %add3A_499, %eq3A_500 : vector<16xi32>
      %jit3A_502 = arith.constant -1.000000e+00 : f32
      %broadcast_in_dim3A_503 = vector.broadcast %jit3A_502 : f32 to vector<16xf32>
      %select_n3A_504 = arith.select %eq3A_501, %broadcast_in_dim3A_503, %scan3A_298 : vector<16xi1>, vector<16xf32>
      %add3A_505 = arith.constant 80 : i32
      %add3A_506 = vector.broadcast %add3A_505 : i32 to vector<16xi32>
      %add3A_507 = arith.addi %iota3A, %add3A_506 : vector<16xi32>
      %eq3A_508 = vector.broadcast %min3A_464 : i32 to vector<16xi32>
      %eq3A_509 = arith.cmpi eq, %add3A_507, %eq3A_508 : vector<16xi32>
      %jit3A_510 = arith.constant -1.000000e+00 : f32
      %broadcast_in_dim3A_511 = vector.broadcast %jit3A_510 : f32 to vector<16xf32>
      %select_n3A_512 = arith.select %eq3A_509, %broadcast_in_dim3A_511, %scan3A_299 : vector<16xi1>, vector<16xf32>
      %add3A_513 = arith.constant 96 : i32
      %add3A_514 = vector.broadcast %add3A_513 : i32 to vector<16xi32>
      %add3A_515 = arith.addi %iota3A, %add3A_514 : vector<16xi32>
      %eq3A_516 = vector.broadcast %min3A_464 : i32 to vector<16xi32>
      %eq3A_517 = arith.cmpi eq, %add3A_515, %eq3A_516 : vector<16xi32>
      %jit3A_518 = arith.constant -1.000000e+00 : f32
      %broadcast_in_dim3A_519 = vector.broadcast %jit3A_518 : f32 to vector<16xf32>
      %select_n3A_520 = arith.select %eq3A_517, %broadcast_in_dim3A_519, %scan3A_300 : vector<16xi1>, vector<16xf32>
      %eq3A_521 = vector.broadcast %scan3A_293 : i32 to vector<16xi32>
      %eq3A_522 = arith.cmpi eq, %iota3A, %eq3A_521 : vector<16xi32>
      %broadcast_in_dim3A_523 = vector.broadcast %min3A_464 : i32 to vector<16xi32>
      %select_n3A_524 = arith.select %eq3A_522, %broadcast_in_dim3A_523, %scan3A_301 : vector<16xi1>, vector<16xi32>
      %sub3A = arith.constant 4 : i32
      %sub3A_525 = arith.subi %scan3A_293, %sub3A : i32
      %eq3A_526 = vector.broadcast %sub3A_525 : i32 to vector<16xi32>
      %eq3A_527 = arith.cmpi eq, %iota3A, %eq3A_526 : vector<16xi32>
      %broadcast_in_dim3A_528 = vector.broadcast %min3A_464 : i32 to vector<16xi32>
      %select_n3A_529 = arith.select %eq3A_527, %broadcast_in_dim3A_528, %scan3A_302 : vector<16xi1>, vector<16xi32>
      %eq3A_530 = vector.broadcast %scan3A_293 : i32 to vector<16xi32>
      %eq3A_531 = arith.cmpi eq, %iota3A, %eq3A_530 : vector<16xi32>
      %broadcast_in_dim3A_532 = vector.broadcast %max3A_354 : f32 to vector<16xf32>
      %select_n3A_533 = arith.select %eq3A_531, %broadcast_in_dim3A_532, %scan3A_303 : vector<16xi1>, vector<16xf32>
      %sub3A_534 = arith.constant 4 : i32
      %sub3A_535 = arith.subi %scan3A_293, %sub3A_534 : i32
      %eq3A_536 = vector.broadcast %sub3A_535 : i32 to vector<16xi32>
      %eq3A_537 = arith.cmpi eq, %iota3A, %eq3A_536 : vector<16xi32>
      %broadcast_in_dim3A_538 = vector.broadcast %max3A_354 : f32 to vector<16xf32>
      %select_n3A_539 = arith.select %eq3A_537, %broadcast_in_dim3A_538, %scan3A_304 : vector<16xi1>, vector<16xf32>
      scf.yield %select_n3A_472, %select_n3A_480, %select_n3A_488, %select_n3A_496, %select_n3A_504, %select_n3A_512, %select_n3A_520, %select_n3A_524, %select_n3A_529, %select_n3A_533, %select_n3A_539 : vector<16xf32>, vector<16xf32>, vector<16xf32>, vector<16xf32>, vector<16xf32>, vector<16xf32>, vector<16xf32>, vector<16xi32>, vector<16xi32>, vector<16xf32>, vector<16xf32>
    }
    %scan3A_52 = arith.constant 20 : i32
    %lt3A = arith.constant 0.000000e+00 : f32
    %lt3A_53 = vector.broadcast %lt3A : f32 to vector<16xf32>
    %lt3A_54 = arith.cmpf olt, %scan3A_51#0, %lt3A_53 : vector<16xf32>
    %jit3A = arith.constant 0.000000e+00 : f32
    %broadcast_in_dim3A_55 = vector.broadcast %jit3A : f32 to vector<16xf32>
    %select_n3A = arith.select %lt3A_54, %get3A_13, %broadcast_in_dim3A_55 : vector<16xi1>, vector<16xf32>
    %swap3A = arith.constant 0 : i32
    %swap3A_56 = arith.index_cast %swap3A : i32 to index
    %swap3A_57 = arith.constant 0 : index
    %swap3A_58 = tpu.vector_load %arg10[%swap3A_56, %swap3A_57] {strides = array<i32>} : memref<2x112xf32, #tpu.memory_space<vmem>>, vector<1x16xf32>,
    %swap3A_59 = vector.shape_cast %swap3A_58 : vector<1x16xf32> to vector<16xf32>
    %swap3A_60 = vector.shape_cast %select_n3A : vector<16xf32> to vector<1x16xf32>
    tpu.vector_store %arg10[%swap3A_56, %swap3A_57], %swap3A_60 {strides = array<i32>} : memref<2x112xf32, #tpu.memory_space<vmem>>, vector<1x16xf32>,
    %lt3A_61 = arith.constant 0.000000e+00 : f32
    %lt3A_62 = vector.broadcast %lt3A_61 : f32 to vector<16xf32>
    %lt3A_63 = arith.cmpf olt, %scan3A_51#1, %lt3A_62 : vector<16xf32>
    %jit3A_64 = arith.constant 0.000000e+00 : f32
    %broadcast_in_dim3A_65 = vector.broadcast %jit3A_64 : f32 to vector<16xf32>
    %select_n3A_66 = arith.select %lt3A_63, %get3A_18, %broadcast_in_dim3A_65 : vector<16xi1>, vector<16xf32>
    %swap3A_67 = arith.constant 0 : i32
    %swap3A_68 = arith.index_cast %swap3A_67 : i32 to index
    %swap3A_69 = arith.constant 16 : index
    %swap3A_70 = tpu.vector_load %arg10[%swap3A_68, %swap3A_69] {strides = array<i32>} : memref<2x112xf32, #tpu.memory_space<vmem>>, vector<1x16xf32>,
    %swap3A_71 = vector.shape_cast %swap3A_70 : vector<1x16xf32> to vector<16xf32>
    %swap3A_72 = vector.shape_cast %select_n3A_66 : vector<16xf32> to vector<1x16xf32>
    tpu.vector_store %arg10[%swap3A_68, %swap3A_69], %swap3A_72 {strides = array<i32>} : memref<2x112xf32, #tpu.memory_space<vmem>>, vector<1x16xf32>,
    %lt3A_73 = arith.constant 0.000000e+00 : f32
    %lt3A_74 = vector.broadcast %lt3A_73 : f32 to vector<16xf32>
    %lt3A_75 = arith.cmpf olt, %scan3A_51#2, %lt3A_74 : vector<16xf32>
    %jit3A_76 = arith.constant 0.000000e+00 : f32
    %broadcast_in_dim3A_77 = vector.broadcast %jit3A_76 : f32 to vector<16xf32>
    %select_n3A_78 = arith.select %lt3A_75, %get3A_23, %broadcast_in_dim3A_77 : vector<16xi1>, vector<16xf32>
    %swap3A_79 = arith.constant 0 : i32
    %swap3A_80 = arith.index_cast %swap3A_79 : i32 to index
    %swap3A_81 = arith.constant 32 : index
    %swap3A_82 = tpu.vector_load %arg10[%swap3A_80, %swap3A_81] {strides = array<i32>} : memref<2x112xf32, #tpu.memory_space<vmem>>, vector<1x16xf32>,
    %swap3A_83 = vector.shape_cast %swap3A_82 : vector<1x16xf32> to vector<16xf32>
    %swap3A_84 = vector.shape_cast %select_n3A_78 : vector<16xf32> to vector<1x16xf32>
    tpu.vector_store %arg10[%swap3A_80, %swap3A_81], %swap3A_84 {strides = array<i32>} : memref<2x112xf32, #tpu.memory_space<vmem>>, vector<1x16xf32>,
    %lt3A_85 = arith.constant 0.000000e+00 : f32
    %lt3A_86 = vector.broadcast %lt3A_85 : f32 to vector<16xf32>
    %lt3A_87 = arith.cmpf olt, %scan3A_51#3, %lt3A_86 : vector<16xf32>
    %jit3A_88 = arith.constant 0.000000e+00 : f32
    %broadcast_in_dim3A_89 = vector.broadcast %jit3A_88 : f32 to vector<16xf32>
    %select_n3A_90 = arith.select %lt3A_87, %get3A_28, %broadcast_in_dim3A_89 : vector<16xi1>, vector<16xf32>
    %swap3A_91 = arith.constant 0 : i32
    %swap3A_92 = arith.index_cast %swap3A_91 : i32 to index
    %swap3A_93 = arith.constant 48 : index
    %swap3A_94 = tpu.vector_load %arg10[%swap3A_92, %swap3A_93] {strides = array<i32>} : memref<2x112xf32, #tpu.memory_space<vmem>>, vector<1x16xf32>,
    %swap3A_95 = vector.shape_cast %swap3A_94 : vector<1x16xf32> to vector<16xf32>
    %swap3A_96 = vector.shape_cast %select_n3A_90 : vector<16xf32> to vector<1x16xf32>
    tpu.vector_store %arg10[%swap3A_92, %swap3A_93], %swap3A_96 {strides = array<i32>} : memref<2x112xf32, #tpu.memory_space<vmem>>, vector<1x16xf32>,
    %lt3A_97 = arith.constant 0.000000e+00 : f32
    %lt3A_98 = vector.broadcast %lt3A_97 : f32 to vector<16xf32>
    %lt3A_99 = arith.cmpf olt, %scan3A_51#4, %lt3A_98 : vector<16xf32>
    %jit3A_100 = arith.constant 0.000000e+00 : f32
    %broadcast_in_dim3A_101 = vector.broadcast %jit3A_100 : f32 to vector<16xf32>
    %select_n3A_102 = arith.select %lt3A_99, %get3A_33, %broadcast_in_dim3A_101 : vector<16xi1>, vector<16xf32>
    %swap3A_103 = arith.constant 0 : i32
    %swap3A_104 = arith.index_cast %swap3A_103 : i32 to index
    %swap3A_105 = arith.constant 64 : index
    %swap3A_106 = tpu.vector_load %arg10[%swap3A_104, %swap3A_105] {strides = array<i32>} : memref<2x112xf32, #tpu.memory_space<vmem>>, vector<1x16xf32>,
    %swap3A_107 = vector.shape_cast %swap3A_106 : vector<1x16xf32> to vector<16xf32>
    %swap3A_108 = vector.shape_cast %select_n3A_102 : vector<16xf32> to vector<1x16xf32>
    tpu.vector_store %arg10[%swap3A_104, %swap3A_105], %swap3A_108 {strides = array<i32>} : memref<2x112xf32, #tpu.memory_space<vmem>>, vector<1x16xf32>,
    %lt3A_109 = arith.constant 0.000000e+00 : f32
    %lt3A_110 = vector.broadcast %lt3A_109 : f32 to vector<16xf32>
    %lt3A_111 = arith.cmpf olt, %scan3A_51#5, %lt3A_110 : vector<16xf32>
    %jit3A_112 = arith.constant 0.000000e+00 : f32
    %broadcast_in_dim3A_113 = vector.broadcast %jit3A_112 : f32 to vector<16xf32>
    %select_n3A_114 = arith.select %lt3A_111, %get3A_38, %broadcast_in_dim3A_113 : vector<16xi1>, vector<16xf32>
    %swap3A_115 = arith.constant 0 : i32
    %swap3A_116 = arith.index_cast %swap3A_115 : i32 to index
    %swap3A_117 = arith.constant 80 : index
    %swap3A_118 = tpu.vector_load %arg10[%swap3A_116, %swap3A_117] {strides = array<i32>} : memref<2x112xf32, #tpu.memory_space<vmem>>, vector<1x16xf32>,
    %swap3A_119 = vector.shape_cast %swap3A_118 : vector<1x16xf32> to vector<16xf32>
    %swap3A_120 = vector.shape_cast %select_n3A_114 : vector<16xf32> to vector<1x16xf32>
    tpu.vector_store %arg10[%swap3A_116, %swap3A_117], %swap3A_120 {strides = array<i32>} : memref<2x112xf32, #tpu.memory_space<vmem>>, vector<1x16xf32>,
    %lt3A_121 = arith.constant 0.000000e+00 : f32
    %lt3A_122 = vector.broadcast %lt3A_121 : f32 to vector<16xf32>
    %lt3A_123 = arith.cmpf olt, %scan3A_51#6, %lt3A_122 : vector<16xf32>
    %jit3A_124 = arith.constant 0.000000e+00 : f32
    %broadcast_in_dim3A_125 = vector.broadcast %jit3A_124 : f32 to vector<16xf32>
    %select_n3A_126 = arith.select %lt3A_123, %get3A_43, %broadcast_in_dim3A_125 : vector<16xi1>, vector<16xf32>
    %swap3A_127 = arith.constant 0 : i32
    %swap3A_128 = arith.index_cast %swap3A_127 : i32 to index
    %swap3A_129 = arith.constant 96 : index
    %swap3A_130 = tpu.vector_load %arg10[%swap3A_128, %swap3A_129] {strides = array<i32>} : memref<2x112xf32, #tpu.memory_space<vmem>>, vector<1x16xf32>,
    %swap3A_131 = vector.shape_cast %swap3A_130 : vector<1x16xf32> to vector<16xf32>
    %swap3A_132 = vector.shape_cast %select_n3A_126 : vector<16xf32> to vector<1x16xf32>
    tpu.vector_store %arg10[%swap3A_128, %swap3A_129], %swap3A_132 {strides = array<i32>} : memref<2x112xf32, #tpu.memory_space<vmem>>, vector<1x16xf32>,
    %swap3A_133 = arith.constant 0 : i32
    %swap3A_134 = arith.index_cast %swap3A_133 : i32 to index
    %swap3A_135 = arith.constant 0 : index
    %swap3A_136 = tpu.vector_load %arg11[%swap3A_134, %swap3A_135] {strides = array<i32>} : memref<2x20xi32, #tpu.memory_space<vmem>>, vector<1x16xi32>,
    %swap3A_137 = vector.shape_cast %swap3A_136 : vector<1x16xi32> to vector<16xi32>
    %swap3A_138 = vector.shape_cast %scan3A_51#7 : vector<16xi32> to vector<1x16xi32>
    tpu.vector_store %arg11[%swap3A_134, %swap3A_135], %swap3A_138 {strides = array<i32>} : memref<2x20xi32, #tpu.memory_space<vmem>>, vector<1x16xi32>,
    %swap3A_139 = arith.constant 0 : i32
    %swap3A_140 = arith.index_cast %swap3A_139 : i32 to index
    %swap3A_141 = arith.constant 4 : index
    %swap3A_142 = tpu.vector_load %arg11[%swap3A_140, %swap3A_141] {strides = array<i32>} : memref<2x20xi32, #tpu.memory_space<vmem>>, vector<1x16xi32>,
    %swap3A_143 = vector.shape_cast %swap3A_142 : vector<1x16xi32> to vector<16xi32>
    %swap3A_144 = vector.shape_cast %scan3A_51#8 : vector<16xi32> to vector<1x16xi32>
    tpu.vector_store %arg11[%swap3A_140, %swap3A_141], %swap3A_144 {strides = array<i32>} : memref<2x20xi32, #tpu.memory_space<vmem>>, vector<1x16xi32>,
    %get3A_145 = arith.constant 1 : i32
    %get3A_146 = arith.index_cast %get3A_145 : i32 to index
    %get3A_147 = arith.constant 0 : index
    %get3A_148 = tpu.vector_load %arg9[%get3A_146, %get3A_147] {strides = array<i32>} : memref<2x112xf32, #tpu.memory_space<vmem>>, vector<1x16xf32>,
    %get3A_149 = vector.shape_cast %get3A_148 : vector<1x16xf32> to vector<16xf32>
    %get3A_150 = arith.constant 1 : i32
    %get3A_151 = arith.index_cast %get3A_150 : i32 to index
    %get3A_152 = arith.constant 16 : index
    %get3A_153 = tpu.vector_load %arg9[%get3A_151, %get3A_152] {strides = array<i32>} : memref<2x112xf32, #tpu.memory_space<vmem>>, vector<1x16xf32>,
    %get3A_154 = vector.shape_cast %get3A_153 : vector<1x16xf32> to vector<16xf32>
    %get3A_155 = arith.constant 1 : i32
    %get3A_156 = arith.index_cast %get3A_155 : i32 to index
    %get3A_157 = arith.constant 32 : index
    %get3A_158 = tpu.vector_load %arg9[%get3A_156, %get3A_157] {strides = array<i32>} : memref<2x112xf32, #tpu.memory_space<vmem>>, vector<1x16xf32>,
    %get3A_159 = vector.shape_cast %get3A_158 : vector<1x16xf32> to vector<16xf32>
    %get3A_160 = arith.constant 1 : i32
    %get3A_161 = arith.index_cast %get3A_160 : i32 to index
    %get3A_162 = arith.constant 48 : index
    %get3A_163 = tpu.vector_load %arg9[%get3A_161, %get3A_162] {strides = array<i32>} : memref<2x112xf32, #tpu.memory_space<vmem>>, vector<1x16xf32>,
    %get3A_164 = vector.shape_cast %get3A_163 : vector<1x16xf32> to vector<16xf32>
    %get3A_165 = arith.constant 1 : i32
    %get3A_166 = arith.index_cast %get3A_165 : i32 to index
    %get3A_167 = arith.constant 64 : index
    %get3A_168 = tpu.vector_load %arg9[%get3A_166, %get3A_167] {strides = array<i32>} : memref<2x112xf32, #tpu.memory_space<vmem>>, vector<1x16xf32>,
    %get3A_169 = vector.shape_cast %get3A_168 : vector<1x16xf32> to vector<16xf32>
    %get3A_170 = arith.constant 1 : i32
    %get3A_171 = arith.index_cast %get3A_170 : i32 to index
    %get3A_172 = arith.constant 80 : index
    %get3A_173 = tpu.vector_load %arg9[%get3A_171, %get3A_172] {strides = array<i32>} : memref<2x112xf32, #tpu.memory_space<vmem>>, vector<1x16xf32>,
    %get3A_174 = vector.shape_cast %get3A_173 : vector<1x16xf32> to vector<16xf32>
    %get3A_175 = arith.constant 1 : i32
    %get3A_176 = arith.index_cast %get3A_175 : i32 to index
    %get3A_177 = arith.constant 96 : index
    %get3A_178 = tpu.vector_load %arg9[%get3A_176, %get3A_177] {strides = array<i32>} : memref<2x112xf32, #tpu.memory_space<vmem>>, vector<1x16xf32>,
    %get3A_179 = vector.shape_cast %get3A_178 : vector<1x16xf32> to vector<16xf32>
    %broadcast_in_dim3A_180 = arith.constant 0 : i32
    %broadcast_in_dim3A_181 = vector.broadcast %broadcast_in_dim3A_180 : i32 to vector<16xi32>
    %broadcast_in_dim3A_182 = arith.constant 0.000000e+00 : f32
    %broadcast_in_dim3A_183 = vector.broadcast %broadcast_in_dim3A_182 : f32 to vector<16xf32>
    %scan3A_184 = arith.constant 0 : i32
    %scan3A_185 = arith.constant 20 : i32
    %scan3A_186 = arith.addi %scan3A_184, %scan3A_185 : i32
    %scan3A_187 = arith.constant 1 : i32
    %scan3A_188:11 = scf.for %scan3A_293 = %scan3A_184 to %scan3A_186 step %scan3A_187 iter_args(%scan3A_294 = %get3A_149, %scan3A_295 = %get3A_154, %scan3A_296 = %get3A_159, %scan3A_297 = %get3A_164, %scan3A_298 = %get3A_169, %scan3A_299 = %get3A_174, %scan3A_300 = %get3A_179, %scan3A_301 = %broadcast_in_dim3A_181, %scan3A_302 = %broadcast_in_dim3A_181, %scan3A_303 = %broadcast_in_dim3A_183, %scan3A_304 = %broadcast_in_dim3A_183) -> (vector<16xf32>, vector<16xf32>, vector<16xf32>, vector<16xf32>, vector<16xf32>, vector<16xf32>, vector<16xf32>, vector<16xi32>, vector<16xi32>, vector<16xf32>, vector<16xf32>)  : i32 {
      %max3A = arith.maximumf %scan3A_294, %scan3A_295 : vector<16xf32>
      %max3A_305 = arith.maximumf %max3A, %scan3A_296 : vector<16xf32>
      %max3A_306 = arith.maximumf %max3A_305, %scan3A_297 : vector<16xf32>
      %max3A_307 = arith.maximumf %max3A_306, %scan3A_298 : vector<16xf32>
      %max3A_308 = arith.maximumf %max3A_307, %scan3A_299 : vector<16xf32>
      %max3A_309 = arith.maximumf %max3A_308, %scan3A_300 : vector<16xf32>
      %slice3A = vector.extract_strided_slice %max3A_309 {offsets = [0], sizes = [1], strides = [1]} : vector<16xf32> to vector<1xf32>
      %squeeze3A = vector.extract %slice3A[0] : f32 from vector<1xf32>
      %slice3A_310 = vector.extract_strided_slice %max3A_309 {offsets = [1], sizes = [1], strides = [1]} : vector<16xf32> to vector<1xf32>
      %squeeze3A_311 = vector.extract %slice3A_310[0] : f32 from vector<1xf32>
      %max3A_312 = arith.maximumf %squeeze3A, %squeeze3A_311 : f32
      %slice3A_313 = vector.extract_strided_slice %max3A_309 {offsets = [2], sizes = [1], strides = [1]} : vector<16xf32> to vector<1xf32>
      %squeeze3A_314 = vector.extract %slice3A_313[0] : f32 from vector<1xf32>
      %max3A_315 = arith.maximumf %max3A_312, %squeeze3A_314 : f32
      %slice3A_316 = vector.extract_strided_slice %max3A_309 {offsets = [3], sizes = [1], strides = [1]} : vector<16xf32> to vector<1xf32>
      %squeeze3A_317 = vector.extract %slice3A_316[0] : f32 from vector<1xf32>
      %max3A_318 = arith.maximumf %max3A_315, %squeeze3A_317 : f32
      %slice3A_319 = vector.extract_strided_slice %max3A_309 {offsets = [4], sizes = [1], strides = [1]} : vector<16xf32> to vector<1xf32>
      %squeeze3A_320 = vector.extract %slice3A_319[0] : f32 from vector<1xf32>
      %max3A_321 = arith.maximumf %max3A_318, %squeeze3A_320 : f32
      %slice3A_322 = vector.extract_strided_slice %max3A_309 {offsets = [5], sizes = [1], strides = [1]} : vector<16xf32> to vector<1xf32>
      %squeeze3A_323 = vector.extract %slice3A_322[0] : f32 from vector<1xf32>
      %max3A_324 = arith.maximumf %max3A_321, %squeeze3A_323 : f32
      %slice3A_325 = vector.extract_strided_slice %max3A_309 {offsets = [6], sizes = [1], strides = [1]} : vector<16xf32> to vector<1xf32>
      %squeeze3A_326 = vector.extract %slice3A_325[0] : f32 from vector<1xf32>
      %max3A_327 = arith.maximumf %max3A_324, %squeeze3A_326 : f32
      %slice3A_328 = vector.extract_strided_slice %max3A_309 {offsets = [7], sizes = [1], strides = [1]} : vector<16xf32> to vector<1xf32>
      %squeeze3A_329 = vector.extract %slice3A_328[0] : f32 from vector<1xf32>
      %max3A_330 = arith.maximumf %max3A_327, %squeeze3A_329 : f32
      %slice3A_331 = vector.extract_strided_slice %max3A_309 {offsets = [8], sizes = [1], strides = [1]} : vector<16xf32> to vector<1xf32>
      %squeeze3A_332 = vector.extract %slice3A_331[0] : f32 from vector<1xf32>
      %max3A_333 = arith.maximumf %max3A_330, %squeeze3A_332 : f32
      %slice3A_334 = vector.extract_strided_slice %max3A_309 {offsets = [9], sizes = [1], strides = [1]} : vector<16xf32> to vector<1xf32>
      %squeeze3A_335 = vector.extract %slice3A_334[0] : f32 from vector<1xf32>
      %max3A_336 = arith.maximumf %max3A_333, %squeeze3A_335 : f32
      %slice3A_337 = vector.extract_strided_slice %max3A_309 {offsets = [10], sizes = [1], strides = [1]} : vector<16xf32> to vector<1xf32>
      %squeeze3A_338 = vector.extract %slice3A_337[0] : f32 from vector<1xf32>
      %max3A_339 = arith.maximumf %max3A_336, %squeeze3A_338 : f32
      %slice3A_340 = vector.extract_strided_slice %max3A_309 {offsets = [11], sizes = [1], strides = [1]} : vector<16xf32> to vector<1xf32>
      %squeeze3A_341 = vector.extract %slice3A_340[0] : f32 from vector<1xf32>
      %max3A_342 = arith.maximumf %max3A_339, %squeeze3A_341 : f32
      %slice3A_343 = vector.extract_strided_slice %max3A_309 {offsets = [12], sizes = [1], strides = [1]} : vector<16xf32> to vector<1xf32>
      %squeeze3A_344 = vector.extract %slice3A_343[0] : f32 from vector<1xf32>
      %max3A_345 = arith.maximumf %max3A_342, %squeeze3A_344 : f32
      %slice3A_346 = vector.extract_strided_slice %max3A_309 {offsets = [13], sizes = [1], strides = [1]} : vector<16xf32> to vector<1xf32>
      %squeeze3A_347 = vector.extract %slice3A_346[0] : f32 from vector<1xf32>
      %max3A_348 = arith.maximumf %max3A_345, %squeeze3A_347 : f32
      %slice3A_349 = vector.extract_strided_slice %max3A_309 {offsets = [14], sizes = [1], strides = [1]} : vector<16xf32> to vector<1xf32>
      %squeeze3A_350 = vector.extract %slice3A_349[0] : f32 from vector<1xf32>
      %max3A_351 = arith.maximumf %max3A_348, %squeeze3A_350 : f32
      %slice3A_352 = vector.extract_strided_slice %max3A_309 {offsets = [15], sizes = [1], strides = [1]} : vector<16xf32> to vector<1xf32>
      %squeeze3A_353 = vector.extract %slice3A_352[0] : f32 from vector<1xf32>
      %max3A_354 = arith.maximumf %max3A_351, %squeeze3A_353 : f32
      %broadcast_in_dim3A_355 = arith.constant 9999 : i32
      %broadcast_in_dim3A_356 = vector.broadcast %broadcast_in_dim3A_355 : i32 to vector<16xi32>
      %eq3A = vector.broadcast %max3A_354 : f32 to vector<16xf32>
      %eq3A_357 = arith.cmpf oeq, %scan3A_294, %eq3A : vector<16xf32>
      %add3A_358 = arith.constant 0 : i32
      %add3A_359 = vector.broadcast %add3A_358 : i32 to vector<16xi32>
      %add3A_360 = arith.addi %iota3A, %add3A_359 : vector<16xi32>
      %jit3A_361 = arith.constant 9999 : i32
      %broadcast_in_dim3A_362 = vector.broadcast %jit3A_361 : i32 to vector<16xi32>
      %select_n3A_363 = arith.select %eq3A_357, %add3A_360, %broadcast_in_dim3A_362 : vector<16xi1>, vector<16xi32>
      %min3A = arith.minsi %broadcast_in_dim3A_356, %select_n3A_363 : vector<16xi32>
      %eq3A_364 = vector.broadcast %max3A_354 : f32 to vector<16xf32>
      %eq3A_365 = arith.cmpf oeq, %scan3A_295, %eq3A_364 : vector<16xf32>
      %add3A_366 = arith.constant 16 : i32
      %add3A_367 = vector.broadcast %add3A_366 : i32 to vector<16xi32>
      %add3A_368 = arith.addi %iota3A, %add3A_367 : vector<16xi32>
      %jit3A_369 = arith.constant 9999 : i32
      %broadcast_in_dim3A_370 = vector.broadcast %jit3A_369 : i32 to vector<16xi32>
      %select_n3A_371 = arith.select %eq3A_365, %add3A_368, %broadcast_in_dim3A_370 : vector<16xi1>, vector<16xi32>
      %min3A_372 = arith.minsi %min3A, %select_n3A_371 : vector<16xi32>
      %eq3A_373 = vector.broadcast %max3A_354 : f32 to vector<16xf32>
      %eq3A_374 = arith.cmpf oeq, %scan3A_296, %eq3A_373 : vector<16xf32>
      %add3A_375 = arith.constant 32 : i32
      %add3A_376 = vector.broadcast %add3A_375 : i32 to vector<16xi32>
      %add3A_377 = arith.addi %iota3A, %add3A_376 : vector<16xi32>
      %jit3A_378 = arith.constant 9999 : i32
      %broadcast_in_dim3A_379 = vector.broadcast %jit3A_378 : i32 to vector<16xi32>
      %select_n3A_380 = arith.select %eq3A_374, %add3A_377, %broadcast_in_dim3A_379 : vector<16xi1>, vector<16xi32>
      %min3A_381 = arith.minsi %min3A_372, %select_n3A_380 : vector<16xi32>
      %eq3A_382 = vector.broadcast %max3A_354 : f32 to vector<16xf32>
      %eq3A_383 = arith.cmpf oeq, %scan3A_297, %eq3A_382 : vector<16xf32>
      %add3A_384 = arith.constant 48 : i32
      %add3A_385 = vector.broadcast %add3A_384 : i32 to vector<16xi32>
      %add3A_386 = arith.addi %iota3A, %add3A_385 : vector<16xi32>
      %jit3A_387 = arith.constant 9999 : i32
      %broadcast_in_dim3A_388 = vector.broadcast %jit3A_387 : i32 to vector<16xi32>
      %select_n3A_389 = arith.select %eq3A_383, %add3A_386, %broadcast_in_dim3A_388 : vector<16xi1>, vector<16xi32>
      %min3A_390 = arith.minsi %min3A_381, %select_n3A_389 : vector<16xi32>
      %eq3A_391 = vector.broadcast %max3A_354 : f32 to vector<16xf32>
      %eq3A_392 = arith.cmpf oeq, %scan3A_298, %eq3A_391 : vector<16xf32>
      %add3A_393 = arith.constant 64 : i32
      %add3A_394 = vector.broadcast %add3A_393 : i32 to vector<16xi32>
      %add3A_395 = arith.addi %iota3A, %add3A_394 : vector<16xi32>
      %jit3A_396 = arith.constant 9999 : i32
      %broadcast_in_dim3A_397 = vector.broadcast %jit3A_396 : i32 to vector<16xi32>
      %select_n3A_398 = arith.select %eq3A_392, %add3A_395, %broadcast_in_dim3A_397 : vector<16xi1>, vector<16xi32>
      %min3A_399 = arith.minsi %min3A_390, %select_n3A_398 : vector<16xi32>
      %eq3A_400 = vector.broadcast %max3A_354 : f32 to vector<16xf32>
      %eq3A_401 = arith.cmpf oeq, %scan3A_299, %eq3A_400 : vector<16xf32>
      %add3A_402 = arith.constant 80 : i32
      %add3A_403 = vector.broadcast %add3A_402 : i32 to vector<16xi32>
      %add3A_404 = arith.addi %iota3A, %add3A_403 : vector<16xi32>
      %jit3A_405 = arith.constant 9999 : i32
      %broadcast_in_dim3A_406 = vector.broadcast %jit3A_405 : i32 to vector<16xi32>
      %select_n3A_407 = arith.select %eq3A_401, %add3A_404, %broadcast_in_dim3A_406 : vector<16xi1>, vector<16xi32>
      %min3A_408 = arith.minsi %min3A_399, %select_n3A_407 : vector<16xi32>
      %eq3A_409 = vector.broadcast %max3A_354 : f32 to vector<16xf32>
      %eq3A_410 = arith.cmpf oeq, %scan3A_300, %eq3A_409 : vector<16xf32>
      %add3A_411 = arith.constant 96 : i32
      %add3A_412 = vector.broadcast %add3A_411 : i32 to vector<16xi32>
      %add3A_413 = arith.addi %iota3A, %add3A_412 : vector<16xi32>
      %jit3A_414 = arith.constant 9999 : i32
      %broadcast_in_dim3A_415 = vector.broadcast %jit3A_414 : i32 to vector<16xi32>
      %select_n3A_416 = arith.select %eq3A_410, %add3A_413, %broadcast_in_dim3A_415 : vector<16xi1>, vector<16xi32>
      %min3A_417 = arith.minsi %min3A_408, %select_n3A_416 : vector<16xi32>
      %slice3A_418 = vector.extract_strided_slice %min3A_417 {offsets = [0], sizes = [1], strides = [1]} : vector<16xi32> to vector<1xi32>
      %squeeze3A_419 = vector.extract %slice3A_418[0] : i32 from vector<1xi32>
      %slice3A_420 = vector.extract_strided_slice %min3A_417 {offsets = [1], sizes = [1], strides = [1]} : vector<16xi32> to vector<1xi32>
      %squeeze3A_421 = vector.extract %slice3A_420[0] : i32 from vector<1xi32>
      %min3A_422 = arith.minsi %squeeze3A_419, %squeeze3A_421 : i32
      %slice3A_423 = vector.extract_strided_slice %min3A_417 {offsets = [2], sizes = [1], strides = [1]} : vector<16xi32> to vector<1xi32>
      %squeeze3A_424 = vector.extract %slice3A_423[0] : i32 from vector<1xi32>
      %min3A_425 = arith.minsi %min3A_422, %squeeze3A_424 : i32
      %slice3A_426 = vector.extract_strided_slice %min3A_417 {offsets = [3], sizes = [1], strides = [1]} : vector<16xi32> to vector<1xi32>
      %squeeze3A_427 = vector.extract %slice3A_426[0] : i32 from vector<1xi32>
      %min3A_428 = arith.minsi %min3A_425, %squeeze3A_427 : i32
      %slice3A_429 = vector.extract_strided_slice %min3A_417 {offsets = [4], sizes = [1], strides = [1]} : vector<16xi32> to vector<1xi32>
      %squeeze3A_430 = vector.extract %slice3A_429[0] : i32 from vector<1xi32>
      %min3A_431 = arith.minsi %min3A_428, %squeeze3A_430 : i32
      %slice3A_432 = vector.extract_strided_slice %min3A_417 {offsets = [5], sizes = [1], strides = [1]} : vector<16xi32> to vector<1xi32>
      %squeeze3A_433 = vector.extract %slice3A_432[0] : i32 from vector<1xi32>
      %min3A_434 = arith.minsi %min3A_431, %squeeze3A_433 : i32
      %slice3A_435 = vector.extract_strided_slice %min3A_417 {offsets = [6], sizes = [1], strides = [1]} : vector<16xi32> to vector<1xi32>
      %squeeze3A_436 = vector.extract %slice3A_435[0] : i32 from vector<1xi32>
      %min3A_437 = arith.minsi %min3A_434, %squeeze3A_436 : i32
      %slice3A_438 = vector.extract_strided_slice %min3A_417 {offsets = [7], sizes = [1], strides = [1]} : vector<16xi32> to vector<1xi32>
      %squeeze3A_439 = vector.extract %slice3A_438[0] : i32 from vector<1xi32>
      %min3A_440 = arith.minsi %min3A_437, %squeeze3A_439 : i32
      %slice3A_441 = vector.extract_strided_slice %min3A_417 {offsets = [8], sizes = [1], strides = [1]} : vector<16xi32> to vector<1xi32>
      %squeeze3A_442 = vector.extract %slice3A_441[0] : i32 from vector<1xi32>
      %min3A_443 = arith.minsi %min3A_440, %squeeze3A_442 : i32
      %slice3A_444 = vector.extract_strided_slice %min3A_417 {offsets = [9], sizes = [1], strides = [1]} : vector<16xi32> to vector<1xi32>
      %squeeze3A_445 = vector.extract %slice3A_444[0] : i32 from vector<1xi32>
      %min3A_446 = arith.minsi %min3A_443, %squeeze3A_445 : i32
      %slice3A_447 = vector.extract_strided_slice %min3A_417 {offsets = [10], sizes = [1], strides = [1]} : vector<16xi32> to vector<1xi32>
      %squeeze3A_448 = vector.extract %slice3A_447[0] : i32 from vector<1xi32>
      %min3A_449 = arith.minsi %min3A_446, %squeeze3A_448 : i32
      %slice3A_450 = vector.extract_strided_slice %min3A_417 {offsets = [11], sizes = [1], strides = [1]} : vector<16xi32> to vector<1xi32>
      %squeeze3A_451 = vector.extract %slice3A_450[0] : i32 from vector<1xi32>
      %min3A_452 = arith.minsi %min3A_449, %squeeze3A_451 : i32
      %slice3A_453 = vector.extract_strided_slice %min3A_417 {offsets = [12], sizes = [1], strides = [1]} : vector<16xi32> to vector<1xi32>
      %squeeze3A_454 = vector.extract %slice3A_453[0] : i32 from vector<1xi32>
      %min3A_455 = arith.minsi %min3A_452, %squeeze3A_454 : i32
      %slice3A_456 = vector.extract_strided_slice %min3A_417 {offsets = [13], sizes = [1], strides = [1]} : vector<16xi32> to vector<1xi32>
      %squeeze3A_457 = vector.extract %slice3A_456[0] : i32 from vector<1xi32>
      %min3A_458 = arith.minsi %min3A_455, %squeeze3A_457 : i32
      %slice3A_459 = vector.extract_strided_slice %min3A_417 {offsets = [14], sizes = [1], strides = [1]} : vector<16xi32> to vector<1xi32>
      %squeeze3A_460 = vector.extract %slice3A_459[0] : i32 from vector<1xi32>
      %min3A_461 = arith.minsi %min3A_458, %squeeze3A_460 : i32
      %slice3A_462 = vector.extract_strided_slice %min3A_417 {offsets = [15], sizes = [1], strides = [1]} : vector<16xi32> to vector<1xi32>
      %squeeze3A_463 = vector.extract %slice3A_462[0] : i32 from vector<1xi32>
      %min3A_464 = arith.minsi %min3A_461, %squeeze3A_463 : i32
      %add3A_465 = arith.constant 0 : i32
      %add3A_466 = vector.broadcast %add3A_465 : i32 to vector<16xi32>
      %add3A_467 = arith.addi %iota3A, %add3A_466 : vector<16xi32>
      %eq3A_468 = vector.broadcast %min3A_464 : i32 to vector<16xi32>
      %eq3A_469 = arith.cmpi eq, %add3A_467, %eq3A_468 : vector<16xi32>
      %jit3A_470 = arith.constant -1.000000e+00 : f32
      %broadcast_in_dim3A_471 = vector.broadcast %jit3A_470 : f32 to vector<16xf32>
      %select_n3A_472 = arith.select %eq3A_469, %broadcast_in_dim3A_471, %scan3A_294 : vector<16xi1>, vector<16xf32>
      %add3A_473 = arith.constant 16 : i32
      %add3A_474 = vector.broadcast %add3A_473 : i32 to vector<16xi32>
      %add3A_475 = arith.addi %iota3A, %add3A_474 : vector<16xi32>
      %eq3A_476 = vector.broadcast %min3A_464 : i32 to vector<16xi32>
      %eq3A_477 = arith.cmpi eq, %add3A_475, %eq3A_476 : vector<16xi32>
      %jit3A_478 = arith.constant -1.000000e+00 : f32
      %broadcast_in_dim3A_479 = vector.broadcast %jit3A_478 : f32 to vector<16xf32>
      %select_n3A_480 = arith.select %eq3A_477, %broadcast_in_dim3A_479, %scan3A_295 : vector<16xi1>, vector<16xf32>
      %add3A_481 = arith.constant 32 : i32
      %add3A_482 = vector.broadcast %add3A_481 : i32 to vector<16xi32>
      %add3A_483 = arith.addi %iota3A, %add3A_482 : vector<16xi32>
      %eq3A_484 = vector.broadcast %min3A_464 : i32 to vector<16xi32>
      %eq3A_485 = arith.cmpi eq, %add3A_483, %eq3A_484 : vector<16xi32>
      %jit3A_486 = arith.constant -1.000000e+00 : f32
      %broadcast_in_dim3A_487 = vector.broadcast %jit3A_486 : f32 to vector<16xf32>
      %select_n3A_488 = arith.select %eq3A_485, %broadcast_in_dim3A_487, %scan3A_296 : vector<16xi1>, vector<16xf32>
      %add3A_489 = arith.constant 48 : i32
      %add3A_490 = vector.broadcast %add3A_489 : i32 to vector<16xi32>
      %add3A_491 = arith.addi %iota3A, %add3A_490 : vector<16xi32>
      %eq3A_492 = vector.broadcast %min3A_464 : i32 to vector<16xi32>
      %eq3A_493 = arith.cmpi eq, %add3A_491, %eq3A_492 : vector<16xi32>
      %jit3A_494 = arith.constant -1.000000e+00 : f32
      %broadcast_in_dim3A_495 = vector.broadcast %jit3A_494 : f32 to vector<16xf32>
      %select_n3A_496 = arith.select %eq3A_493, %broadcast_in_dim3A_495, %scan3A_297 : vector<16xi1>, vector<16xf32>
      %add3A_497 = arith.constant 64 : i32
      %add3A_498 = vector.broadcast %add3A_497 : i32 to vector<16xi32>
      %add3A_499 = arith.addi %iota3A, %add3A_498 : vector<16xi32>
      %eq3A_500 = vector.broadcast %min3A_464 : i32 to vector<16xi32>
      %eq3A_501 = arith.cmpi eq, %add3A_499, %eq3A_500 : vector<16xi32>
      %jit3A_502 = arith.constant -1.000000e+00 : f32
      %broadcast_in_dim3A_503 = vector.broadcast %jit3A_502 : f32 to vector<16xf32>
      %select_n3A_504 = arith.select %eq3A_501, %broadcast_in_dim3A_503, %scan3A_298 : vector<16xi1>, vector<16xf32>
      %add3A_505 = arith.constant 80 : i32
      %add3A_506 = vector.broadcast %add3A_505 : i32 to vector<16xi32>
      %add3A_507 = arith.addi %iota3A, %add3A_506 : vector<16xi32>
      %eq3A_508 = vector.broadcast %min3A_464 : i32 to vector<16xi32>
      %eq3A_509 = arith.cmpi eq, %add3A_507, %eq3A_508 : vector<16xi32>
      %jit3A_510 = arith.constant -1.000000e+00 : f32
      %broadcast_in_dim3A_511 = vector.broadcast %jit3A_510 : f32 to vector<16xf32>
      %select_n3A_512 = arith.select %eq3A_509, %broadcast_in_dim3A_511, %scan3A_299 : vector<16xi1>, vector<16xf32>
      %add3A_513 = arith.constant 96 : i32
      %add3A_514 = vector.broadcast %add3A_513 : i32 to vector<16xi32>
      %add3A_515 = arith.addi %iota3A, %add3A_514 : vector<16xi32>
      %eq3A_516 = vector.broadcast %min3A_464 : i32 to vector<16xi32>
      %eq3A_517 = arith.cmpi eq, %add3A_515, %eq3A_516 : vector<16xi32>
      %jit3A_518 = arith.constant -1.000000e+00 : f32
      %broadcast_in_dim3A_519 = vector.broadcast %jit3A_518 : f32 to vector<16xf32>
      %select_n3A_520 = arith.select %eq3A_517, %broadcast_in_dim3A_519, %scan3A_300 : vector<16xi1>, vector<16xf32>
      %eq3A_521 = vector.broadcast %scan3A_293 : i32 to vector<16xi32>
      %eq3A_522 = arith.cmpi eq, %iota3A, %eq3A_521 : vector<16xi32>
      %broadcast_in_dim3A_523 = vector.broadcast %min3A_464 : i32 to vector<16xi32>
      %select_n3A_524 = arith.select %eq3A_522, %broadcast_in_dim3A_523, %scan3A_301 : vector<16xi1>, vector<16xi32>
      %sub3A = arith.constant 4 : i32
      %sub3A_525 = arith.subi %scan3A_293, %sub3A : i32
      %eq3A_526 = vector.broadcast %sub3A_525 : i32 to vector<16xi32>
      %eq3A_527 = arith.cmpi eq, %iota3A, %eq3A_526 : vector<16xi32>
      %broadcast_in_dim3A_528 = vector.broadcast %min3A_464 : i32 to vector<16xi32>
      %select_n3A_529 = arith.select %eq3A_527, %broadcast_in_dim3A_528, %scan3A_302 : vector<16xi1>, vector<16xi32>
      %eq3A_530 = vector.broadcast %scan3A_293 : i32 to vector<16xi32>
      %eq3A_531 = arith.cmpi eq, %iota3A, %eq3A_530 : vector<16xi32>
      %broadcast_in_dim3A_532 = vector.broadcast %max3A_354 : f32 to vector<16xf32>
      %select_n3A_533 = arith.select %eq3A_531, %broadcast_in_dim3A_532, %scan3A_303 : vector<16xi1>, vector<16xf32>
      %sub3A_534 = arith.constant 4 : i32
      %sub3A_535 = arith.subi %scan3A_293, %sub3A_534 : i32
      %eq3A_536 = vector.broadcast %sub3A_535 : i32 to vector<16xi32>
      %eq3A_537 = arith.cmpi eq, %iota3A, %eq3A_536 : vector<16xi32>
      %broadcast_in_dim3A_538 = vector.broadcast %max3A_354 : f32 to vector<16xf32>
      %select_n3A_539 = arith.select %eq3A_537, %broadcast_in_dim3A_538, %scan3A_304 : vector<16xi1>, vector<16xf32>
      scf.yield %select_n3A_472, %select_n3A_480, %select_n3A_488, %select_n3A_496, %select_n3A_504, %select_n3A_512, %select_n3A_520, %select_n3A_524, %select_n3A_529, %select_n3A_533, %select_n3A_539 : vector<16xf32>, vector<16xf32>, vector<16xf32>, vector<16xf32>, vector<16xf32>, vector<16xf32>, vector<16xf32>, vector<16xi32>, vector<16xi32>, vector<16xf32>, vector<16xf32>
    }
    %scan3A_189 = arith.constant 20 : i32
    %lt3A_190 = arith.constant 0.000000e+00 : f32
    %lt3A_191 = vector.broadcast %lt3A_190 : f32 to vector<16xf32>
    %lt3A_192 = arith.cmpf olt, %scan3A_188#0, %lt3A_191 : vector<16xf32>
    %jit3A_193 = arith.constant 0.000000e+00 : f32
    %broadcast_in_dim3A_194 = vector.broadcast %jit3A_193 : f32 to vector<16xf32>
    %select_n3A_195 = arith.select %lt3A_192, %get3A_149, %broadcast_in_dim3A_194 : vector<16xi1>, vector<16xf32>
    %swap3A_196 = arith.constant 1 : i32
    %swap3A_197 = arith.index_cast %swap3A_196 : i32 to index
    %swap3A_198 = arith.constant 0 : index
    %swap3A_199 = tpu.vector_load %arg10[%swap3A_197, %swap3A_198] {strides = array<i32>} : memref<2x112xf32, #tpu.memory_space<vmem>>, vector<1x16xf32>,
    %swap3A_200 = vector.shape_cast %swap3A_199 : vector<1x16xf32> to vector<16xf32>
    %swap3A_201 = vector.shape_cast %select_n3A_195 : vector<16xf32> to vector<1x16xf32>
    tpu.vector_store %arg10[%swap3A_197, %swap3A_198], %swap3A_201 {strides = array<i32>} : memref<2x112xf32, #tpu.memory_space<vmem>>, vector<1x16xf32>,
    %lt3A_202 = arith.constant 0.000000e+00 : f32
    %lt3A_203 = vector.broadcast %lt3A_202 : f32 to vector<16xf32>
    %lt3A_204 = arith.cmpf olt, %scan3A_188#1, %lt3A_203 : vector<16xf32>
    %jit3A_205 = arith.constant 0.000000e+00 : f32
    %broadcast_in_dim3A_206 = vector.broadcast %jit3A_205 : f32 to vector<16xf32>
    %select_n3A_207 = arith.select %lt3A_204, %get3A_154, %broadcast_in_dim3A_206 : vector<16xi1>, vector<16xf32>
    %swap3A_208 = arith.constant 1 : i32
    %swap3A_209 = arith.index_cast %swap3A_208 : i32 to index
    %swap3A_210 = arith.constant 16 : index
    %swap3A_211 = tpu.vector_load %arg10[%swap3A_209, %swap3A_210] {strides = array<i32>} : memref<2x112xf32, #tpu.memory_space<vmem>>, vector<1x16xf32>,
    %swap3A_212 = vector.shape_cast %swap3A_211 : vector<1x16xf32> to vector<16xf32>
    %swap3A_213 = vector.shape_cast %select_n3A_207 : vector<16xf32> to vector<1x16xf32>
    tpu.vector_store %arg10[%swap3A_209, %swap3A_210], %swap3A_213 {strides = array<i32>} : memref<2x112xf32, #tpu.memory_space<vmem>>, vector<1x16xf32>,
    %lt3A_214 = arith.constant 0.000000e+00 : f32
    %lt3A_215 = vector.broadcast %lt3A_214 : f32 to vector<16xf32>
    %lt3A_216 = arith.cmpf olt, %scan3A_188#2, %lt3A_215 : vector<16xf32>
    %jit3A_217 = arith.constant 0.000000e+00 : f32
    %broadcast_in_dim3A_218 = vector.broadcast %jit3A_217 : f32 to vector<16xf32>
    %select_n3A_219 = arith.select %lt3A_216, %get3A_159, %broadcast_in_dim3A_218 : vector<16xi1>, vector<16xf32>
    %swap3A_220 = arith.constant 1 : i32
    %swap3A_221 = arith.index_cast %swap3A_220 : i32 to index
    %swap3A_222 = arith.constant 32 : index
    %swap3A_223 = tpu.vector_load %arg10[%swap3A_221, %swap3A_222] {strides = array<i32>} : memref<2x112xf32, #tpu.memory_space<vmem>>, vector<1x16xf32>,
    %swap3A_224 = vector.shape_cast %swap3A_223 : vector<1x16xf32> to vector<16xf32>
    %swap3A_225 = vector.shape_cast %select_n3A_219 : vector<16xf32> to vector<1x16xf32>
    tpu.vector_store %arg10[%swap3A_221, %swap3A_222], %swap3A_225 {strides = array<i32>} : memref<2x112xf32, #tpu.memory_space<vmem>>, vector<1x16xf32>,
    %lt3A_226 = arith.constant 0.000000e+00 : f32
    %lt3A_227 = vector.broadcast %lt3A_226 : f32 to vector<16xf32>
    %lt3A_228 = arith.cmpf olt, %scan3A_188#3, %lt3A_227 : vector<16xf32>
    %jit3A_229 = arith.constant 0.000000e+00 : f32
    %broadcast_in_dim3A_230 = vector.broadcast %jit3A_229 : f32 to vector<16xf32>
    %select_n3A_231 = arith.select %lt3A_228, %get3A_164, %broadcast_in_dim3A_230 : vector<16xi1>, vector<16xf32>
    %swap3A_232 = arith.constant 1 : i32
    %swap3A_233 = arith.index_cast %swap3A_232 : i32 to index
    %swap3A_234 = arith.constant 48 : index
    %swap3A_235 = tpu.vector_load %arg10[%swap3A_233, %swap3A_234] {strides = array<i32>} : memref<2x112xf32, #tpu.memory_space<vmem>>, vector<1x16xf32>,
    %swap3A_236 = vector.shape_cast %swap3A_235 : vector<1x16xf32> to vector<16xf32>
    %swap3A_237 = vector.shape_cast %select_n3A_231 : vector<16xf32> to vector<1x16xf32>
    tpu.vector_store %arg10[%swap3A_233, %swap3A_234], %swap3A_237 {strides = array<i32>} : memref<2x112xf32, #tpu.memory_space<vmem>>, vector<1x16xf32>,
    %lt3A_238 = arith.constant 0.000000e+00 : f32
    %lt3A_239 = vector.broadcast %lt3A_238 : f32 to vector<16xf32>
    %lt3A_240 = arith.cmpf olt, %scan3A_188#4, %lt3A_239 : vector<16xf32>
    %jit3A_241 = arith.constant 0.000000e+00 : f32
    %broadcast_in_dim3A_242 = vector.broadcast %jit3A_241 : f32 to vector<16xf32>
    %select_n3A_243 = arith.select %lt3A_240, %get3A_169, %broadcast_in_dim3A_242 : vector<16xi1>, vector<16xf32>
    %swap3A_244 = arith.constant 1 : i32
    %swap3A_245 = arith.index_cast %swap3A_244 : i32 to index
    %swap3A_246 = arith.constant 64 : index
    %swap3A_247 = tpu.vector_load %arg10[%swap3A_245, %swap3A_246] {strides = array<i32>} : memref<2x112xf32, #tpu.memory_space<vmem>>, vector<1x16xf32>,
    %swap3A_248 = vector.shape_cast %swap3A_247 : vector<1x16xf32> to vector<16xf32>
    %swap3A_249 = vector.shape_cast %select_n3A_243 : vector<16xf32> to vector<1x16xf32>
    tpu.vector_store %arg10[%swap3A_245, %swap3A_246], %swap3A_249 {strides = array<i32>} : memref<2x112xf32, #tpu.memory_space<vmem>>, vector<1x16xf32>,
    %lt3A_250 = arith.constant 0.000000e+00 : f32
    %lt3A_251 = vector.broadcast %lt3A_250 : f32 to vector<16xf32>
    %lt3A_252 = arith.cmpf olt, %scan3A_188#5, %lt3A_251 : vector<16xf32>
    %jit3A_253 = arith.constant 0.000000e+00 : f32
    %broadcast_in_dim3A_254 = vector.broadcast %jit3A_253 : f32 to vector<16xf32>
    %select_n3A_255 = arith.select %lt3A_252, %get3A_174, %broadcast_in_dim3A_254 : vector<16xi1>, vector<16xf32>
    %swap3A_256 = arith.constant 1 : i32
    %swap3A_257 = arith.index_cast %swap3A_256 : i32 to index
    %swap3A_258 = arith.constant 80 : index
    %swap3A_259 = tpu.vector_load %arg10[%swap3A_257, %swap3A_258] {strides = array<i32>} : memref<2x112xf32, #tpu.memory_space<vmem>>, vector<1x16xf32>,
    %swap3A_260 = vector.shape_cast %swap3A_259 : vector<1x16xf32> to vector<16xf32>
    %swap3A_261 = vector.shape_cast %select_n3A_255 : vector<16xf32> to vector<1x16xf32>
    tpu.vector_store %arg10[%swap3A_257, %swap3A_258], %swap3A_261 {strides = array<i32>} : memref<2x112xf32, #tpu.memory_space<vmem>>, vector<1x16xf32>,
    %lt3A_262 = arith.constant 0.000000e+00 : f32
    %lt3A_263 = vector.broadcast %lt3A_262 : f32 to vector<16xf32>
    %lt3A_264 = arith.cmpf olt, %scan3A_188#6, %lt3A_263 : vector<16xf32>
    %jit3A_265 = arith.constant 0.000000e+00 : f32
    %broadcast_in_dim3A_266 = vector.broadcast %jit3A_265 : f32 to vector<16xf32>
    %select_n3A_267 = arith.select %lt3A_264, %get3A_179, %broadcast_in_dim3A_266 : vector<16xi1>, vector<16xf32>
    %swap3A_268 = arith.constant 1 : i32
    %swap3A_269 = arith.index_cast %swap3A_268 : i32 to index
    %swap3A_270 = arith.constant 96 : index
    %swap3A_271 = tpu.vector_load %arg10[%swap3A_269, %swap3A_270] {strides = array<i32>} : memref<2x112xf32, #tpu.memory_space<vmem>>, vector<1x16xf32>,
    %swap3A_272 = vector.shape_cast %swap3A_271 : vector<1x16xf32> to vector<16xf32>
    %swap3A_273 = vector.shape_cast %select_n3A_267 : vector<16xf32> to vector<1x16xf32>
    tpu.vector_store %arg10[%swap3A_269, %swap3A_270], %swap3A_273 {strides = array<i32>} : memref<2x112xf32, #tpu.memory_space<vmem>>, vector<1x16xf32>,
    %swap3A_274 = arith.constant 1 : i32
    %swap3A_275 = arith.index_cast %swap3A_274 : i32 to index
    %swap3A_276 = arith.constant 0 : index
    %swap3A_277 = tpu.vector_load %arg11[%swap3A_275, %swap3A_276] {strides = array<i32>} : memref<2x20xi32, #tpu.memory_space<vmem>>, vector<1x16xi32>,
    %swap3A_278 = vector.shape_cast %swap3A_277 : vector<1x16xi32> to vector<16xi32>
    %swap3A_279 = vector.shape_cast %scan3A_188#7 : vector<16xi32> to vector<1x16xi32>
    tpu.vector_store %arg11[%swap3A_275, %swap3A_276], %swap3A_279 {strides = array<i32>} : memref<2x20xi32, #tpu.memory_space<vmem>>, vector<1x16xi32>,
    %swap3A_280 = arith.constant 1 : i32
    %swap3A_281 = arith.index_cast %swap3A_280 : i32 to index
    %swap3A_282 = arith.constant 4 : index
    %swap3A_283 = tpu.vector_load %arg11[%swap3A_281, %swap3A_282] {strides = array<i32>} : memref<2x20xi32, #tpu.memory_space<vmem>>, vector<1x16xi32>,
    %swap3A_284 = vector.shape_cast %swap3A_283 : vector<1x16xi32> to vector<16xi32>
    %swap3A_285 = vector.shape_cast %scan3A_188#8 : vector<16xi32> to vector<1x16xi32>
    tpu.vector_store %arg11[%swap3A_281, %swap3A_282], %swap3A_285 {strides = array<i32>} : memref<2x20xi32, #tpu.memory_space<vmem>>, vector<1x16xi32>,
    %mul3A_286 = arith.constant 2 : i32
    %mul3A_287 = arith.muli %add3A, %mul3A_286 : i32
    "tpu.region"() ({
      %run_scoped3A = tpu.sem_alloc : memref<!tpu.dma_semaphore, #tpu.memory_space<semaphore_mem>>
      %dma_start3A = arith.constant 0 : i32
      %dma_start3A_293 = tpu.memref_slice %arg4[%mul3A_287, %dma_start3A] : memref<100x112xf32, #tpu.memory_space<hbm>> -> memref<2x112xf32, #tpu.memory_space<hbm>>
      %dma_start3A_294 = arith.constant 0 : i32
      %dma_start3A_295 = tpu.memref_slice %arg4[%mul3A_287, %dma_start3A_294] : memref<100x112xf32, #tpu.memory_space<hbm>> -> memref<2x112xf32, #tpu.memory_space<hbm>>
      tpu.enqueue_dma source(%arg10 : memref<2x112xf32, #tpu.memory_space<vmem>>) target(%dma_start3A_295 : memref<2x112xf32, #tpu.memory_space<hbm>>) target_semaphore(%run_scoped3A : memref<!tpu.dma_semaphore, #tpu.memory_space<semaphore_mem>>)
      %dma_wait3A = arith.constant 0 : i32
      %dma_wait3A_296 = tpu.memref_slice %arg4[%mul3A_287, %dma_wait3A] : memref<100x112xf32, #tpu.memory_space<hbm>> -> memref<2x112xf32, #tpu.memory_space<hbm>>
      %dma_wait3A_297 = arith.constant 0 : i32
      %dma_wait3A_298 = tpu.memref_slice %arg4[%mul3A_287, %dma_wait3A_297] : memref<100x112xf32, #tpu.memory_space<hbm>> -> memref<2x112xf32, #tpu.memory_space<hbm>>
      tpu.wait_dma2 semaphore(%run_scoped3A : memref<!tpu.dma_semaphore, #tpu.memory_space<semaphore_mem>>) src(%arg10 : memref<2x112xf32, #tpu.memory_space<vmem>>) dst(%dma_wait3A_298 : memref<2x112xf32, #tpu.memory_space<hbm>>)
      tpu.yield
    }) : () -> ()
    %mul3A_288 = arith.constant 2 : i32
    %mul3A_289 = arith.muli %add3A, %mul3A_288 : i32
    "tpu.region"() ({
      %run_scoped3A = tpu.sem_alloc : memref<!tpu.dma_semaphore, #tpu.memory_space<semaphore_mem>>
      %dma_start3A = arith.constant 0 : i32
      %dma_start3A_293 = tpu.memref_slice %arg5[%mul3A_289, %dma_start3A] : memref<100x20xi32, #tpu.memory_space<hbm>> -> memref<2x20xi32, #tpu.memory_space<hbm>>
      %dma_start3A_294 = arith.constant 0 : i32
      %dma_start3A_295 = tpu.memref_slice %arg5[%mul3A_289, %dma_start3A_294] : memref<100x20xi32, #tpu.memory_space<hbm>> -> memref<2x20xi32, #tpu.memory_space<hbm>>
      tpu.enqueue_dma source(%arg11 : memref<2x20xi32, #tpu.memory_space<vmem>>) target(%dma_start3A_295 : memref<2x20xi32, #tpu.memory_space<hbm>>) target_semaphore(%run_scoped3A : memref<!tpu.dma_semaphore, #tpu.memory_space<semaphore_mem>>)
      %dma_wait3A = arith.constant 0 : i32
      %dma_wait3A_296 = tpu.memref_slice %arg5[%mul3A_289, %dma_wait3A] : memref<100x20xi32, #tpu.memory_space<hbm>> -> memref<2x20xi32, #tpu.memory_space<hbm>>
      %dma_wait3A_297 = arith.constant 0 : i32
      %dma_wait3A_298 = tpu.memref_slice %arg5[%mul3A_289, %dma_wait3A_297] : memref<100x20xi32, #tpu.memory_space<hbm>> -> memref<2x20xi32, #tpu.memory_space<hbm>>
      tpu.wait_dma2 semaphore(%run_scoped3A : memref<!tpu.dma_semaphore, #tpu.memory_space<semaphore_mem>>) src(%arg11 : memref<2x20xi32, #tpu.memory_space<vmem>>) dst(%dma_wait3A_298 : memref<2x20xi32, #tpu.memory_space<hbm>>)
      tpu.yield
    }) : () -> ()
    %lt3A_290 = arith.constant 18 : i32
    %lt3A_291 = arith.cmpi slt, %add3A, %lt3A_290 : i32
    %convert_element_type3A = arith.extui %lt3A_291 : i1 to i32
    %cond3A = arith.constant 0 : i32
    %cond3A_292 = arith.cmpi ne, %convert_element_type3A, %cond3A : i32
    scf.if %cond3A_292 {
      %add3A_293 = arith.constant 32 : i32
      %add3A_294 = arith.addi %add3A, %add3A_293 : i32
      %mul3A_295 = arith.constant 2 : i32
      %mul3A_296 = arith.muli %add3A_294, %mul3A_295 : i32
      "tpu.region"() ({
        %run_scoped3A = tpu.sem_alloc : memref<!tpu.dma_semaphore, #tpu.memory_space<semaphore_mem>>
        %dma_start3A = arith.constant 0 : i32
        %dma_start3A_584 = tpu.memref_slice %arg2[%mul3A_296, %dma_start3A] : memref<100x112xf32, #tpu.memory_space<hbm>> -> memref<2x112xf32, #tpu.memory_space<hbm>>
        %dma_start3A_585 = arith.constant 0 : i32
        %dma_start3A_586 = tpu.memref_slice %arg2[%mul3A_296, %dma_start3A_585] : memref<100x112xf32, #tpu.memory_space<hbm>> -> memref<2x112xf32, #tpu.memory_space<hbm>>
        tpu.enqueue_dma source(%dma_start3A_586 : memref<2x112xf32, #tpu.memory_space<hbm>>) target(%arg9 : memref<2x112xf32, #tpu.memory_space<vmem>>) target_semaphore(%run_scoped3A : memref<!tpu.dma_semaphore, #tpu.memory_space<semaphore_mem>>)
        %dma_wait3A = arith.constant 0 : i32
        %dma_wait3A_587 = tpu.memref_slice %arg2[%mul3A_296, %dma_wait3A] : memref<100x112xf32, #tpu.memory_space<hbm>> -> memref<2x112xf32, #tpu.memory_space<hbm>>
        %dma_wait3A_588 = arith.constant 0 : i32
        %dma_wait3A_589 = tpu.memref_slice %arg2[%mul3A_296, %dma_wait3A_588] : memref<100x112xf32, #tpu.memory_space<hbm>> -> memref<2x112xf32, #tpu.memory_space<hbm>>
        tpu.wait_dma2 semaphore(%run_scoped3A : memref<!tpu.dma_semaphore, #tpu.memory_space<semaphore_mem>>) src(%dma_wait3A_589 : memref<2x112xf32, #tpu.memory_space<hbm>>) dst(%arg9 : memref<2x112xf32, #tpu.memory_space<vmem>>)
        tpu.yield
      }) : () -> ()
      %iota3A_297 = tpu.iota {dimensions = array<i32: 0>} : vector<16xi32>
      %get3A_298 = arith.constant 0 : i32
      %get3A_299 = arith.index_cast %get3A_298 : i32 to index
      %get3A_300 = arith.constant 0 : index
      %get3A_301 = tpu.vector_load %arg9[%get3A_299, %get3A_300] {strides = array<i32>} : memref<2x112xf32, #tpu.memory_space<vmem>>, vector<1x16xf32>,
      %get3A_302 = vector.shape_cast %get3A_301 : vector<1x16xf32> to vector<16xf32>
      %get3A_303 = arith.constant 0 : i32
      %get3A_304 = arith.index_cast %get3A_303 : i32 to index
      %get3A_305 = arith.constant 16 : index
      %get3A_306 = tpu.vector_load %arg9[%get3A_304, %get3A_305] {strides = array<i32>} : memref<2x112xf32, #tpu.memory_space<vmem>>, vector<1x16xf32>,
      %get3A_307 = vector.shape_cast %get3A_306 : vector<1x16xf32> to vector<16xf32>
      %get3A_308 = arith.constant 0 : i32
      %get3A_309 = arith.index_cast %get3A_308 : i32 to index
      %get3A_310 = arith.constant 32 : index
      %get3A_311 = tpu.vector_load %arg9[%get3A_309, %get3A_310] {strides = array<i32>} : memref<2x112xf32, #tpu.memory_space<vmem>>, vector<1x16xf32>,
      %get3A_312 = vector.shape_cast %get3A_311 : vector<1x16xf32> to vector<16xf32>
      %get3A_313 = arith.constant 0 : i32
      %get3A_314 = arith.index_cast %get3A_313 : i32 to index
      %get3A_315 = arith.constant 48 : index
      %get3A_316 = tpu.vector_load %arg9[%get3A_314, %get3A_315] {strides = array<i32>} : memref<2x112xf32, #tpu.memory_space<vmem>>, vector<1x16xf32>,
      %get3A_317 = vector.shape_cast %get3A_316 : vector<1x16xf32> to vector<16xf32>
      %get3A_318 = arith.constant 0 : i32
      %get3A_319 = arith.index_cast %get3A_318 : i32 to index
      %get3A_320 = arith.constant 64 : index
      %get3A_321 = tpu.vector_load %arg9[%get3A_319, %get3A_320] {strides = array<i32>} : memref<2x112xf32, #tpu.memory_space<vmem>>, vector<1x16xf32>,
      %get3A_322 = vector.shape_cast %get3A_321 : vector<1x16xf32> to vector<16xf32>
      %get3A_323 = arith.constant 0 : i32
      %get3A_324 = arith.index_cast %get3A_323 : i32 to index
      %get3A_325 = arith.constant 80 : index
      %get3A_326 = tpu.vector_load %arg9[%get3A_324, %get3A_325] {strides = array<i32>} : memref<2x112xf32, #tpu.memory_space<vmem>>, vector<1x16xf32>,
      %get3A_327 = vector.shape_cast %get3A_326 : vector<1x16xf32> to vector<16xf32>
      %get3A_328 = arith.constant 0 : i32
      %get3A_329 = arith.index_cast %get3A_328 : i32 to index
      %get3A_330 = arith.constant 96 : index
      %get3A_331 = tpu.vector_load %arg9[%get3A_329, %get3A_330] {strides = array<i32>} : memref<2x112xf32, #tpu.memory_space<vmem>>, vector<1x16xf32>,
      %get3A_332 = vector.shape_cast %get3A_331 : vector<1x16xf32> to vector<16xf32>
      %broadcast_in_dim3A_333 = arith.constant 0 : i32
      %broadcast_in_dim3A_334 = vector.broadcast %broadcast_in_dim3A_333 : i32 to vector<16xi32>
      %broadcast_in_dim3A_335 = arith.constant 0.000000e+00 : f32
      %broadcast_in_dim3A_336 = vector.broadcast %broadcast_in_dim3A_335 : f32 to vector<16xf32>
      %scan3A_337 = arith.constant 0 : i32
      %scan3A_338 = arith.constant 20 : i32
      %scan3A_339 = arith.addi %scan3A_337, %scan3A_338 : i32
      %scan3A_340 = arith.constant 1 : i32
      %scan3A_341:11 = scf.for %scan3A_584 = %scan3A_337 to %scan3A_339 step %scan3A_340 iter_args(%scan3A_585 = %get3A_302, %scan3A_586 = %get3A_307, %scan3A_587 = %get3A_312, %scan3A_588 = %get3A_317, %scan3A_589 = %get3A_322, %scan3A_590 = %get3A_327, %scan3A_591 = %get3A_332, %scan3A_592 = %broadcast_in_dim3A_334, %scan3A_593 = %broadcast_in_dim3A_334, %scan3A_594 = %broadcast_in_dim3A_336, %scan3A_595 = %broadcast_in_dim3A_336) -> (vector<16xf32>, vector<16xf32>, vector<16xf32>, vector<16xf32>, vector<16xf32>, vector<16xf32>, vector<16xf32>, vector<16xi32>, vector<16xi32>, vector<16xf32>, vector<16xf32>)  : i32 {
        %max3A = arith.maximumf %scan3A_585, %scan3A_586 : vector<16xf32>
        %max3A_596 = arith.maximumf %max3A, %scan3A_587 : vector<16xf32>
        %max3A_597 = arith.maximumf %max3A_596, %scan3A_588 : vector<16xf32>
        %max3A_598 = arith.maximumf %max3A_597, %scan3A_589 : vector<16xf32>
        %max3A_599 = arith.maximumf %max3A_598, %scan3A_590 : vector<16xf32>
        %max3A_600 = arith.maximumf %max3A_599, %scan3A_591 : vector<16xf32>
        %slice3A = vector.extract_strided_slice %max3A_600 {offsets = [0], sizes = [1], strides = [1]} : vector<16xf32> to vector<1xf32>
        %squeeze3A = vector.extract %slice3A[0] : f32 from vector<1xf32>
        %slice3A_601 = vector.extract_strided_slice %max3A_600 {offsets = [1], sizes = [1], strides = [1]} : vector<16xf32> to vector<1xf32>
        %squeeze3A_602 = vector.extract %slice3A_601[0] : f32 from vector<1xf32>
        %max3A_603 = arith.maximumf %squeeze3A, %squeeze3A_602 : f32
        %slice3A_604 = vector.extract_strided_slice %max3A_600 {offsets = [2], sizes = [1], strides = [1]} : vector<16xf32> to vector<1xf32>
        %squeeze3A_605 = vector.extract %slice3A_604[0] : f32 from vector<1xf32>
        %max3A_606 = arith.maximumf %max3A_603, %squeeze3A_605 : f32
        %slice3A_607 = vector.extract_strided_slice %max3A_600 {offsets = [3], sizes = [1], strides = [1]} : vector<16xf32> to vector<1xf32>
        %squeeze3A_608 = vector.extract %slice3A_607[0] : f32 from vector<1xf32>
        %max3A_609 = arith.maximumf %max3A_606, %squeeze3A_608 : f32
        %slice3A_610 = vector.extract_strided_slice %max3A_600 {offsets = [4], sizes = [1], strides = [1]} : vector<16xf32> to vector<1xf32>
        %squeeze3A_611 = vector.extract %slice3A_610[0] : f32 from vector<1xf32>
        %max3A_612 = arith.maximumf %max3A_609, %squeeze3A_611 : f32
        %slice3A_613 = vector.extract_strided_slice %max3A_600 {offsets = [5], sizes = [1], strides = [1]} : vector<16xf32> to vector<1xf32>
        %squeeze3A_614 = vector.extract %slice3A_613[0] : f32 from vector<1xf32>
        %max3A_615 = arith.maximumf %max3A_612, %squeeze3A_614 : f32
        %slice3A_616 = vector.extract_strided_slice %max3A_600 {offsets = [6], sizes = [1], strides = [1]} : vector<16xf32> to vector<1xf32>
        %squeeze3A_617 = vector.extract %slice3A_616[0] : f32 from vector<1xf32>
        %max3A_618 = arith.maximumf %max3A_615, %squeeze3A_617 : f32
        %slice3A_619 = vector.extract_strided_slice %max3A_600 {offsets = [7], sizes = [1], strides = [1]} : vector<16xf32> to vector<1xf32>
        %squeeze3A_620 = vector.extract %slice3A_619[0] : f32 from vector<1xf32>
        %max3A_621 = arith.maximumf %max3A_618, %squeeze3A_620 : f32
        %slice3A_622 = vector.extract_strided_slice %max3A_600 {offsets = [8], sizes = [1], strides = [1]} : vector<16xf32> to vector<1xf32>
        %squeeze3A_623 = vector.extract %slice3A_622[0] : f32 from vector<1xf32>
        %max3A_624 = arith.maximumf %max3A_621, %squeeze3A_623 : f32
        %slice3A_625 = vector.extract_strided_slice %max3A_600 {offsets = [9], sizes = [1], strides = [1]} : vector<16xf32> to vector<1xf32>
        %squeeze3A_626 = vector.extract %slice3A_625[0] : f32 from vector<1xf32>
        %max3A_627 = arith.maximumf %max3A_624, %squeeze3A_626 : f32
        %slice3A_628 = vector.extract_strided_slice %max3A_600 {offsets = [10], sizes = [1], strides = [1]} : vector<16xf32> to vector<1xf32>
        %squeeze3A_629 = vector.extract %slice3A_628[0] : f32 from vector<1xf32>
        %max3A_630 = arith.maximumf %max3A_627, %squeeze3A_629 : f32
        %slice3A_631 = vector.extract_strided_slice %max3A_600 {offsets = [11], sizes = [1], strides = [1]} : vector<16xf32> to vector<1xf32>
        %squeeze3A_632 = vector.extract %slice3A_631[0] : f32 from vector<1xf32>
        %max3A_633 = arith.maximumf %max3A_630, %squeeze3A_632 : f32
        %slice3A_634 = vector.extract_strided_slice %max3A_600 {offsets = [12], sizes = [1], strides = [1]} : vector<16xf32> to vector<1xf32>
        %squeeze3A_635 = vector.extract %slice3A_634[0] : f32 from vector<1xf32>
        %max3A_636 = arith.maximumf %max3A_633, %squeeze3A_635 : f32
        %slice3A_637 = vector.extract_strided_slice %max3A_600 {offsets = [13], sizes = [1], strides = [1]} : vector<16xf32> to vector<1xf32>
        %squeeze3A_638 = vector.extract %slice3A_637[0] : f32 from vector<1xf32>
        %max3A_639 = arith.maximumf %max3A_636, %squeeze3A_638 : f32
        %slice3A_640 = vector.extract_strided_slice %max3A_600 {offsets = [14], sizes = [1], strides = [1]} : vector<16xf32> to vector<1xf32>
        %squeeze3A_641 = vector.extract %slice3A_640[0] : f32 from vector<1xf32>
        %max3A_642 = arith.maximumf %max3A_639, %squeeze3A_641 : f32
        %slice3A_643 = vector.extract_strided_slice %max3A_600 {offsets = [15], sizes = [1], strides = [1]} : vector<16xf32> to vector<1xf32>
        %squeeze3A_644 = vector.extract %slice3A_643[0] : f32 from vector<1xf32>
        %max3A_645 = arith.maximumf %max3A_642, %squeeze3A_644 : f32
        %broadcast_in_dim3A_646 = arith.constant 9999 : i32
        %broadcast_in_dim3A_647 = vector.broadcast %broadcast_in_dim3A_646 : i32 to vector<16xi32>
        %eq3A = vector.broadcast %max3A_645 : f32 to vector<16xf32>
        %eq3A_648 = arith.cmpf oeq, %scan3A_585, %eq3A : vector<16xf32>
        %add3A_649 = arith.constant 0 : i32
        %add3A_650 = vector.broadcast %add3A_649 : i32 to vector<16xi32>
        %add3A_651 = arith.addi %iota3A_297, %add3A_650 : vector<16xi32>
        %jit3A_652 = arith.constant 9999 : i32
        %broadcast_in_dim3A_653 = vector.broadcast %jit3A_652 : i32 to vector<16xi32>
        %select_n3A_654 = arith.select %eq3A_648, %add3A_651, %broadcast_in_dim3A_653 : vector<16xi1>, vector<16xi32>
        %min3A = arith.minsi %broadcast_in_dim3A_647, %select_n3A_654 : vector<16xi32>
        %eq3A_655 = vector.broadcast %max3A_645 : f32 to vector<16xf32>
        %eq3A_656 = arith.cmpf oeq, %scan3A_586, %eq3A_655 : vector<16xf32>
        %add3A_657 = arith.constant 16 : i32
        %add3A_658 = vector.broadcast %add3A_657 : i32 to vector<16xi32>
        %add3A_659 = arith.addi %iota3A_297, %add3A_658 : vector<16xi32>
        %jit3A_660 = arith.constant 9999 : i32
        %broadcast_in_dim3A_661 = vector.broadcast %jit3A_660 : i32 to vector<16xi32>
        %select_n3A_662 = arith.select %eq3A_656, %add3A_659, %broadcast_in_dim3A_661 : vector<16xi1>, vector<16xi32>
        %min3A_663 = arith.minsi %min3A, %select_n3A_662 : vector<16xi32>
        %eq3A_664 = vector.broadcast %max3A_645 : f32 to vector<16xf32>
        %eq3A_665 = arith.cmpf oeq, %scan3A_587, %eq3A_664 : vector<16xf32>
        %add3A_666 = arith.constant 32 : i32
        %add3A_667 = vector.broadcast %add3A_666 : i32 to vector<16xi32>
        %add3A_668 = arith.addi %iota3A_297, %add3A_667 : vector<16xi32>
        %jit3A_669 = arith.constant 9999 : i32
        %broadcast_in_dim3A_670 = vector.broadcast %jit3A_669 : i32 to vector<16xi32>
        %select_n3A_671 = arith.select %eq3A_665, %add3A_668, %broadcast_in_dim3A_670 : vector<16xi1>, vector<16xi32>
        %min3A_672 = arith.minsi %min3A_663, %select_n3A_671 : vector<16xi32>
        %eq3A_673 = vector.broadcast %max3A_645 : f32 to vector<16xf32>
        %eq3A_674 = arith.cmpf oeq, %scan3A_588, %eq3A_673 : vector<16xf32>
        %add3A_675 = arith.constant 48 : i32
        %add3A_676 = vector.broadcast %add3A_675 : i32 to vector<16xi32>
        %add3A_677 = arith.addi %iota3A_297, %add3A_676 : vector<16xi32>
        %jit3A_678 = arith.constant 9999 : i32
        %broadcast_in_dim3A_679 = vector.broadcast %jit3A_678 : i32 to vector<16xi32>
        %select_n3A_680 = arith.select %eq3A_674, %add3A_677, %broadcast_in_dim3A_679 : vector<16xi1>, vector<16xi32>
        %min3A_681 = arith.minsi %min3A_672, %select_n3A_680 : vector<16xi32>
        %eq3A_682 = vector.broadcast %max3A_645 : f32 to vector<16xf32>
        %eq3A_683 = arith.cmpf oeq, %scan3A_589, %eq3A_682 : vector<16xf32>
        %add3A_684 = arith.constant 64 : i32
        %add3A_685 = vector.broadcast %add3A_684 : i32 to vector<16xi32>
        %add3A_686 = arith.addi %iota3A_297, %add3A_685 : vector<16xi32>
        %jit3A_687 = arith.constant 9999 : i32
        %broadcast_in_dim3A_688 = vector.broadcast %jit3A_687 : i32 to vector<16xi32>
        %select_n3A_689 = arith.select %eq3A_683, %add3A_686, %broadcast_in_dim3A_688 : vector<16xi1>, vector<16xi32>
        %min3A_690 = arith.minsi %min3A_681, %select_n3A_689 : vector<16xi32>
        %eq3A_691 = vector.broadcast %max3A_645 : f32 to vector<16xf32>
        %eq3A_692 = arith.cmpf oeq, %scan3A_590, %eq3A_691 : vector<16xf32>
        %add3A_693 = arith.constant 80 : i32
        %add3A_694 = vector.broadcast %add3A_693 : i32 to vector<16xi32>
        %add3A_695 = arith.addi %iota3A_297, %add3A_694 : vector<16xi32>
        %jit3A_696 = arith.constant 9999 : i32
        %broadcast_in_dim3A_697 = vector.broadcast %jit3A_696 : i32 to vector<16xi32>
        %select_n3A_698 = arith.select %eq3A_692, %add3A_695, %broadcast_in_dim3A_697 : vector<16xi1>, vector<16xi32>
        %min3A_699 = arith.minsi %min3A_690, %select_n3A_698 : vector<16xi32>
        %eq3A_700 = vector.broadcast %max3A_645 : f32 to vector<16xf32>
        %eq3A_701 = arith.cmpf oeq, %scan3A_591, %eq3A_700 : vector<16xf32>
        %add3A_702 = arith.constant 96 : i32
        %add3A_703 = vector.broadcast %add3A_702 : i32 to vector<16xi32>
        %add3A_704 = arith.addi %iota3A_297, %add3A_703 : vector<16xi32>
        %jit3A_705 = arith.constant 9999 : i32
        %broadcast_in_dim3A_706 = vector.broadcast %jit3A_705 : i32 to vector<16xi32>
        %select_n3A_707 = arith.select %eq3A_701, %add3A_704, %broadcast_in_dim3A_706 : vector<16xi1>, vector<16xi32>
        %min3A_708 = arith.minsi %min3A_699, %select_n3A_707 : vector<16xi32>
        %slice3A_709 = vector.extract_strided_slice %min3A_708 {offsets = [0], sizes = [1], strides = [1]} : vector<16xi32> to vector<1xi32>
        %squeeze3A_710 = vector.extract %slice3A_709[0] : i32 from vector<1xi32>
        %slice3A_711 = vector.extract_strided_slice %min3A_708 {offsets = [1], sizes = [1], strides = [1]} : vector<16xi32> to vector<1xi32>
        %squeeze3A_712 = vector.extract %slice3A_711[0] : i32 from vector<1xi32>
        %min3A_713 = arith.minsi %squeeze3A_710, %squeeze3A_712 : i32
        %slice3A_714 = vector.extract_strided_slice %min3A_708 {offsets = [2], sizes = [1], strides = [1]} : vector<16xi32> to vector<1xi32>
        %squeeze3A_715 = vector.extract %slice3A_714[0] : i32 from vector<1xi32>
        %min3A_716 = arith.minsi %min3A_713, %squeeze3A_715 : i32
        %slice3A_717 = vector.extract_strided_slice %min3A_708 {offsets = [3], sizes = [1], strides = [1]} : vector<16xi32> to vector<1xi32>
        %squeeze3A_718 = vector.extract %slice3A_717[0] : i32 from vector<1xi32>
        %min3A_719 = arith.minsi %min3A_716, %squeeze3A_718 : i32
        %slice3A_720 = vector.extract_strided_slice %min3A_708 {offsets = [4], sizes = [1], strides = [1]} : vector<16xi32> to vector<1xi32>
        %squeeze3A_721 = vector.extract %slice3A_720[0] : i32 from vector<1xi32>
        %min3A_722 = arith.minsi %min3A_719, %squeeze3A_721 : i32
        %slice3A_723 = vector.extract_strided_slice %min3A_708 {offsets = [5], sizes = [1], strides = [1]} : vector<16xi32> to vector<1xi32>
        %squeeze3A_724 = vector.extract %slice3A_723[0] : i32 from vector<1xi32>
        %min3A_725 = arith.minsi %min3A_722, %squeeze3A_724 : i32
        %slice3A_726 = vector.extract_strided_slice %min3A_708 {offsets = [6], sizes = [1], strides = [1]} : vector<16xi32> to vector<1xi32>
        %squeeze3A_727 = vector.extract %slice3A_726[0] : i32 from vector<1xi32>
        %min3A_728 = arith.minsi %min3A_725, %squeeze3A_727 : i32
        %slice3A_729 = vector.extract_strided_slice %min3A_708 {offsets = [7], sizes = [1], strides = [1]} : vector<16xi32> to vector<1xi32>
        %squeeze3A_730 = vector.extract %slice3A_729[0] : i32 from vector<1xi32>
        %min3A_731 = arith.minsi %min3A_728, %squeeze3A_730 : i32
        %slice3A_732 = vector.extract_strided_slice %min3A_708 {offsets = [8], sizes = [1], strides = [1]} : vector<16xi32> to vector<1xi32>
        %squeeze3A_733 = vector.extract %slice3A_732[0] : i32 from vector<1xi32>
        %min3A_734 = arith.minsi %min3A_731, %squeeze3A_733 : i32
        %slice3A_735 = vector.extract_strided_slice %min3A_708 {offsets = [9], sizes = [1], strides = [1]} : vector<16xi32> to vector<1xi32>
        %squeeze3A_736 = vector.extract %slice3A_735[0] : i32 from vector<1xi32>
        %min3A_737 = arith.minsi %min3A_734, %squeeze3A_736 : i32
        %slice3A_738 = vector.extract_strided_slice %min3A_708 {offsets = [10], sizes = [1], strides = [1]} : vector<16xi32> to vector<1xi32>
        %squeeze3A_739 = vector.extract %slice3A_738[0] : i32 from vector<1xi32>
        %min3A_740 = arith.minsi %min3A_737, %squeeze3A_739 : i32
        %slice3A_741 = vector.extract_strided_slice %min3A_708 {offsets = [11], sizes = [1], strides = [1]} : vector<16xi32> to vector<1xi32>
        %squeeze3A_742 = vector.extract %slice3A_741[0] : i32 from vector<1xi32>
        %min3A_743 = arith.minsi %min3A_740, %squeeze3A_742 : i32
        %slice3A_744 = vector.extract_strided_slice %min3A_708 {offsets = [12], sizes = [1], strides = [1]} : vector<16xi32> to vector<1xi32>
        %squeeze3A_745 = vector.extract %slice3A_744[0] : i32 from vector<1xi32>
        %min3A_746 = arith.minsi %min3A_743, %squeeze3A_745 : i32
        %slice3A_747 = vector.extract_strided_slice %min3A_708 {offsets = [13], sizes = [1], strides = [1]} : vector<16xi32> to vector<1xi32>
        %squeeze3A_748 = vector.extract %slice3A_747[0] : i32 from vector<1xi32>
        %min3A_749 = arith.minsi %min3A_746, %squeeze3A_748 : i32
        %slice3A_750 = vector.extract_strided_slice %min3A_708 {offsets = [14], sizes = [1], strides = [1]} : vector<16xi32> to vector<1xi32>
        %squeeze3A_751 = vector.extract %slice3A_750[0] : i32 from vector<1xi32>
        %min3A_752 = arith.minsi %min3A_749, %squeeze3A_751 : i32
        %slice3A_753 = vector.extract_strided_slice %min3A_708 {offsets = [15], sizes = [1], strides = [1]} : vector<16xi32> to vector<1xi32>
        %squeeze3A_754 = vector.extract %slice3A_753[0] : i32 from vector<1xi32>
        %min3A_755 = arith.minsi %min3A_752, %squeeze3A_754 : i32
        %add3A_756 = arith.constant 0 : i32
        %add3A_757 = vector.broadcast %add3A_756 : i32 to vector<16xi32>
        %add3A_758 = arith.addi %iota3A_297, %add3A_757 : vector<16xi32>
        %eq3A_759 = vector.broadcast %min3A_755 : i32 to vector<16xi32>
        %eq3A_760 = arith.cmpi eq, %add3A_758, %eq3A_759 : vector<16xi32>
        %jit3A_761 = arith.constant -1.000000e+00 : f32
        %broadcast_in_dim3A_762 = vector.broadcast %jit3A_761 : f32 to vector<16xf32>
        %select_n3A_763 = arith.select %eq3A_760, %broadcast_in_dim3A_762, %scan3A_585 : vector<16xi1>, vector<16xf32>
        %add3A_764 = arith.constant 16 : i32
        %add3A_765 = vector.broadcast %add3A_764 : i32 to vector<16xi32>
        %add3A_766 = arith.addi %iota3A_297, %add3A_765 : vector<16xi32>
        %eq3A_767 = vector.broadcast %min3A_755 : i32 to vector<16xi32>
        %eq3A_768 = arith.cmpi eq, %add3A_766, %eq3A_767 : vector<16xi32>
        %jit3A_769 = arith.constant -1.000000e+00 : f32
        %broadcast_in_dim3A_770 = vector.broadcast %jit3A_769 : f32 to vector<16xf32>
        %select_n3A_771 = arith.select %eq3A_768, %broadcast_in_dim3A_770, %scan3A_586 : vector<16xi1>, vector<16xf32>
        %add3A_772 = arith.constant 32 : i32
        %add3A_773 = vector.broadcast %add3A_772 : i32 to vector<16xi32>
        %add3A_774 = arith.addi %iota3A_297, %add3A_773 : vector<16xi32>
        %eq3A_775 = vector.broadcast %min3A_755 : i32 to vector<16xi32>
        %eq3A_776 = arith.cmpi eq, %add3A_774, %eq3A_775 : vector<16xi32>
        %jit3A_777 = arith.constant -1.000000e+00 : f32
        %broadcast_in_dim3A_778 = vector.broadcast %jit3A_777 : f32 to vector<16xf32>
        %select_n3A_779 = arith.select %eq3A_776, %broadcast_in_dim3A_778, %scan3A_587 : vector<16xi1>, vector<16xf32>
        %add3A_780 = arith.constant 48 : i32
        %add3A_781 = vector.broadcast %add3A_780 : i32 to vector<16xi32>
        %add3A_782 = arith.addi %iota3A_297, %add3A_781 : vector<16xi32>
        %eq3A_783 = vector.broadcast %min3A_755 : i32 to vector<16xi32>
        %eq3A_784 = arith.cmpi eq, %add3A_782, %eq3A_783 : vector<16xi32>
        %jit3A_785 = arith.constant -1.000000e+00 : f32
        %broadcast_in_dim3A_786 = vector.broadcast %jit3A_785 : f32 to vector<16xf32>
        %select_n3A_787 = arith.select %eq3A_784, %broadcast_in_dim3A_786, %scan3A_588 : vector<16xi1>, vector<16xf32>
        %add3A_788 = arith.constant 64 : i32
        %add3A_789 = vector.broadcast %add3A_788 : i32 to vector<16xi32>
        %add3A_790 = arith.addi %iota3A_297, %add3A_789 : vector<16xi32>
        %eq3A_791 = vector.broadcast %min3A_755 : i32 to vector<16xi32>
        %eq3A_792 = arith.cmpi eq, %add3A_790, %eq3A_791 : vector<16xi32>
        %jit3A_793 = arith.constant -1.000000e+00 : f32
        %broadcast_in_dim3A_794 = vector.broadcast %jit3A_793 : f32 to vector<16xf32>
        %select_n3A_795 = arith.select %eq3A_792, %broadcast_in_dim3A_794, %scan3A_589 : vector<16xi1>, vector<16xf32>
        %add3A_796 = arith.constant 80 : i32
        %add3A_797 = vector.broadcast %add3A_796 : i32 to vector<16xi32>
        %add3A_798 = arith.addi %iota3A_297, %add3A_797 : vector<16xi32>
        %eq3A_799 = vector.broadcast %min3A_755 : i32 to vector<16xi32>
        %eq3A_800 = arith.cmpi eq, %add3A_798, %eq3A_799 : vector<16xi32>
        %jit3A_801 = arith.constant -1.000000e+00 : f32
        %broadcast_in_dim3A_802 = vector.broadcast %jit3A_801 : f32 to vector<16xf32>
        %select_n3A_803 = arith.select %eq3A_800, %broadcast_in_dim3A_802, %scan3A_590 : vector<16xi1>, vector<16xf32>
        %add3A_804 = arith.constant 96 : i32
        %add3A_805 = vector.broadcast %add3A_804 : i32 to vector<16xi32>
        %add3A_806 = arith.addi %iota3A_297, %add3A_805 : vector<16xi32>
        %eq3A_807 = vector.broadcast %min3A_755 : i32 to vector<16xi32>
        %eq3A_808 = arith.cmpi eq, %add3A_806, %eq3A_807 : vector<16xi32>
        %jit3A_809 = arith.constant -1.000000e+00 : f32
        %broadcast_in_dim3A_810 = vector.broadcast %jit3A_809 : f32 to vector<16xf32>
        %select_n3A_811 = arith.select %eq3A_808, %broadcast_in_dim3A_810, %scan3A_591 : vector<16xi1>, vector<16xf32>
        %eq3A_812 = vector.broadcast %scan3A_584 : i32 to vector<16xi32>
        %eq3A_813 = arith.cmpi eq, %iota3A_297, %eq3A_812 : vector<16xi32>
        %broadcast_in_dim3A_814 = vector.broadcast %min3A_755 : i32 to vector<16xi32>
        %select_n3A_815 = arith.select %eq3A_813, %broadcast_in_dim3A_814, %scan3A_592 : vector<16xi1>, vector<16xi32>
        %sub3A = arith.constant 4 : i32
        %sub3A_816 = arith.subi %scan3A_584, %sub3A : i32
        %eq3A_817 = vector.broadcast %sub3A_816 : i32 to vector<16xi32>
        %eq3A_818 = arith.cmpi eq, %iota3A_297, %eq3A_817 : vector<16xi32>
        %broadcast_in_dim3A_819 = vector.broadcast %min3A_755 : i32 to vector<16xi32>
        %select_n3A_820 = arith.select %eq3A_818, %broadcast_in_dim3A_819, %scan3A_593 : vector<16xi1>, vector<16xi32>
        %eq3A_821 = vector.broadcast %scan3A_584 : i32 to vector<16xi32>
        %eq3A_822 = arith.cmpi eq, %iota3A_297, %eq3A_821 : vector<16xi32>
        %broadcast_in_dim3A_823 = vector.broadcast %max3A_645 : f32 to vector<16xf32>
        %select_n3A_824 = arith.select %eq3A_822, %broadcast_in_dim3A_823, %scan3A_594 : vector<16xi1>, vector<16xf32>
        %sub3A_825 = arith.constant 4 : i32
        %sub3A_826 = arith.subi %scan3A_584, %sub3A_825 : i32
        %eq3A_827 = vector.broadcast %sub3A_826 : i32 to vector<16xi32>
        %eq3A_828 = arith.cmpi eq, %iota3A_297, %eq3A_827 : vector<16xi32>
        %broadcast_in_dim3A_829 = vector.broadcast %max3A_645 : f32 to vector<16xf32>
        %select_n3A_830 = arith.select %eq3A_828, %broadcast_in_dim3A_829, %scan3A_595 : vector<16xi1>, vector<16xf32>
        scf.yield %select_n3A_763, %select_n3A_771, %select_n3A_779, %select_n3A_787, %select_n3A_795, %select_n3A_803, %select_n3A_811, %select_n3A_815, %select_n3A_820, %select_n3A_824, %select_n3A_830 : vector<16xf32>, vector<16xf32>, vector<16xf32>, vector<16xf32>, vector<16xf32>, vector<16xf32>, vector<16xf32>, vector<16xi32>, vector<16xi32>, vector<16xf32>, vector<16xf32>
      }
      %scan3A_342 = arith.constant 20 : i32
      %lt3A_343 = arith.constant 0.000000e+00 : f32
      %lt3A_344 = vector.broadcast %lt3A_343 : f32 to vector<16xf32>
      %lt3A_345 = arith.cmpf olt, %scan3A_341#0, %lt3A_344 : vector<16xf32>
      %jit3A_346 = arith.constant 0.000000e+00 : f32
      %broadcast_in_dim3A_347 = vector.broadcast %jit3A_346 : f32 to vector<16xf32>
      %select_n3A_348 = arith.select %lt3A_345, %get3A_302, %broadcast_in_dim3A_347 : vector<16xi1>, vector<16xf32>
      %swap3A_349 = arith.constant 0 : i32
      %swap3A_350 = arith.index_cast %swap3A_349 : i32 to index
      %swap3A_351 = arith.constant 0 : index
      %swap3A_352 = tpu.vector_load %arg10[%swap3A_350, %swap3A_351] {strides = array<i32>} : memref<2x112xf32, #tpu.memory_space<vmem>>, vector<1x16xf32>,
      %swap3A_353 = vector.shape_cast %swap3A_352 : vector<1x16xf32> to vector<16xf32>
      %swap3A_354 = vector.shape_cast %select_n3A_348 : vector<16xf32> to vector<1x16xf32>
      tpu.vector_store %arg10[%swap3A_350, %swap3A_351], %swap3A_354 {strides = array<i32>} : memref<2x112xf32, #tpu.memory_space<vmem>>, vector<1x16xf32>,
      %lt3A_355 = arith.constant 0.000000e+00 : f32
      %lt3A_356 = vector.broadcast %lt3A_355 : f32 to vector<16xf32>
      %lt3A_357 = arith.cmpf olt, %scan3A_341#1, %lt3A_356 : vector<16xf32>
      %jit3A_358 = arith.constant 0.000000e+00 : f32
      %broadcast_in_dim3A_359 = vector.broadcast %jit3A_358 : f32 to vector<16xf32>
      %select_n3A_360 = arith.select %lt3A_357, %get3A_307, %broadcast_in_dim3A_359 : vector<16xi1>, vector<16xf32>
      %swap3A_361 = arith.constant 0 : i32
      %swap3A_362 = arith.index_cast %swap3A_361 : i32 to index
      %swap3A_363 = arith.constant 16 : index
      %swap3A_364 = tpu.vector_load %arg10[%swap3A_362, %swap3A_363] {strides = array<i32>} : memref<2x112xf32, #tpu.memory_space<vmem>>, vector<1x16xf32>,
      %swap3A_365 = vector.shape_cast %swap3A_364 : vector<1x16xf32> to vector<16xf32>
      %swap3A_366 = vector.shape_cast %select_n3A_360 : vector<16xf32> to vector<1x16xf32>
      tpu.vector_store %arg10[%swap3A_362, %swap3A_363], %swap3A_366 {strides = array<i32>} : memref<2x112xf32, #tpu.memory_space<vmem>>, vector<1x16xf32>,
      %lt3A_367 = arith.constant 0.000000e+00 : f32
      %lt3A_368 = vector.broadcast %lt3A_367 : f32 to vector<16xf32>
      %lt3A_369 = arith.cmpf olt, %scan3A_341#2, %lt3A_368 : vector<16xf32>
      %jit3A_370 = arith.constant 0.000000e+00 : f32
      %broadcast_in_dim3A_371 = vector.broadcast %jit3A_370 : f32 to vector<16xf32>
      %select_n3A_372 = arith.select %lt3A_369, %get3A_312, %broadcast_in_dim3A_371 : vector<16xi1>, vector<16xf32>
      %swap3A_373 = arith.constant 0 : i32
      %swap3A_374 = arith.index_cast %swap3A_373 : i32 to index
      %swap3A_375 = arith.constant 32 : index
      %swap3A_376 = tpu.vector_load %arg10[%swap3A_374, %swap3A_375] {strides = array<i32>} : memref<2x112xf32, #tpu.memory_space<vmem>>, vector<1x16xf32>,
      %swap3A_377 = vector.shape_cast %swap3A_376 : vector<1x16xf32> to vector<16xf32>
      %swap3A_378 = vector.shape_cast %select_n3A_372 : vector<16xf32> to vector<1x16xf32>
      tpu.vector_store %arg10[%swap3A_374, %swap3A_375], %swap3A_378 {strides = array<i32>} : memref<2x112xf32, #tpu.memory_space<vmem>>, vector<1x16xf32>,
      %lt3A_379 = arith.constant 0.000000e+00 : f32
      %lt3A_380 = vector.broadcast %lt3A_379 : f32 to vector<16xf32>
      %lt3A_381 = arith.cmpf olt, %scan3A_341#3, %lt3A_380 : vector<16xf32>
      %jit3A_382 = arith.constant 0.000000e+00 : f32
      %broadcast_in_dim3A_383 = vector.broadcast %jit3A_382 : f32 to vector<16xf32>
      %select_n3A_384 = arith.select %lt3A_381, %get3A_317, %broadcast_in_dim3A_383 : vector<16xi1>, vector<16xf32>
      %swap3A_385 = arith.constant 0 : i32
      %swap3A_386 = arith.index_cast %swap3A_385 : i32 to index
      %swap3A_387 = arith.constant 48 : index
      %swap3A_388 = tpu.vector_load %arg10[%swap3A_386, %swap3A_387] {strides = array<i32>} : memref<2x112xf32, #tpu.memory_space<vmem>>, vector<1x16xf32>,
      %swap3A_389 = vector.shape_cast %swap3A_388 : vector<1x16xf32> to vector<16xf32>
      %swap3A_390 = vector.shape_cast %select_n3A_384 : vector<16xf32> to vector<1x16xf32>
      tpu.vector_store %arg10[%swap3A_386, %swap3A_387], %swap3A_390 {strides = array<i32>} : memref<2x112xf32, #tpu.memory_space<vmem>>, vector<1x16xf32>,
      %lt3A_391 = arith.constant 0.000000e+00 : f32
      %lt3A_392 = vector.broadcast %lt3A_391 : f32 to vector<16xf32>
      %lt3A_393 = arith.cmpf olt, %scan3A_341#4, %lt3A_392 : vector<16xf32>
      %jit3A_394 = arith.constant 0.000000e+00 : f32
      %broadcast_in_dim3A_395 = vector.broadcast %jit3A_394 : f32 to vector<16xf32>
      %select_n3A_396 = arith.select %lt3A_393, %get3A_322, %broadcast_in_dim3A_395 : vector<16xi1>, vector<16xf32>
      %swap3A_397 = arith.constant 0 : i32
      %swap3A_398 = arith.index_cast %swap3A_397 : i32 to index
      %swap3A_399 = arith.constant 64 : index
      %swap3A_400 = tpu.vector_load %arg10[%swap3A_398, %swap3A_399] {strides = array<i32>} : memref<2x112xf32, #tpu.memory_space<vmem>>, vector<1x16xf32>,
      %swap3A_401 = vector.shape_cast %swap3A_400 : vector<1x16xf32> to vector<16xf32>
      %swap3A_402 = vector.shape_cast %select_n3A_396 : vector<16xf32> to vector<1x16xf32>
      tpu.vector_store %arg10[%swap3A_398, %swap3A_399], %swap3A_402 {strides = array<i32>} : memref<2x112xf32, #tpu.memory_space<vmem>>, vector<1x16xf32>,
      %lt3A_403 = arith.constant 0.000000e+00 : f32
      %lt3A_404 = vector.broadcast %lt3A_403 : f32 to vector<16xf32>
      %lt3A_405 = arith.cmpf olt, %scan3A_341#5, %lt3A_404 : vector<16xf32>
      %jit3A_406 = arith.constant 0.000000e+00 : f32
      %broadcast_in_dim3A_407 = vector.broadcast %jit3A_406 : f32 to vector<16xf32>
      %select_n3A_408 = arith.select %lt3A_405, %get3A_327, %broadcast_in_dim3A_407 : vector<16xi1>, vector<16xf32>
      %swap3A_409 = arith.constant 0 : i32
      %swap3A_410 = arith.index_cast %swap3A_409 : i32 to index
      %swap3A_411 = arith.constant 80 : index
      %swap3A_412 = tpu.vector_load %arg10[%swap3A_410, %swap3A_411] {strides = array<i32>} : memref<2x112xf32, #tpu.memory_space<vmem>>, vector<1x16xf32>,
      %swap3A_413 = vector.shape_cast %swap3A_412 : vector<1x16xf32> to vector<16xf32>
      %swap3A_414 = vector.shape_cast %select_n3A_408 : vector<16xf32> to vector<1x16xf32>
      tpu.vector_store %arg10[%swap3A_410, %swap3A_411], %swap3A_414 {strides = array<i32>} : memref<2x112xf32, #tpu.memory_space<vmem>>, vector<1x16xf32>,
      %lt3A_415 = arith.constant 0.000000e+00 : f32
      %lt3A_416 = vector.broadcast %lt3A_415 : f32 to vector<16xf32>
      %lt3A_417 = arith.cmpf olt, %scan3A_341#6, %lt3A_416 : vector<16xf32>
      %jit3A_418 = arith.constant 0.000000e+00 : f32
      %broadcast_in_dim3A_419 = vector.broadcast %jit3A_418 : f32 to vector<16xf32>
      %select_n3A_420 = arith.select %lt3A_417, %get3A_332, %broadcast_in_dim3A_419 : vector<16xi1>, vector<16xf32>
      %swap3A_421 = arith.constant 0 : i32
      %swap3A_422 = arith.index_cast %swap3A_421 : i32 to index
      %swap3A_423 = arith.constant 96 : index
      %swap3A_424 = tpu.vector_load %arg10[%swap3A_422, %swap3A_423] {strides = array<i32>} : memref<2x112xf32, #tpu.memory_space<vmem>>, vector<1x16xf32>,
      %swap3A_425 = vector.shape_cast %swap3A_424 : vector<1x16xf32> to vector<16xf32>
      %swap3A_426 = vector.shape_cast %select_n3A_420 : vector<16xf32> to vector<1x16xf32>
      tpu.vector_store %arg10[%swap3A_422, %swap3A_423], %swap3A_426 {strides = array<i32>} : memref<2x112xf32, #tpu.memory_space<vmem>>, vector<1x16xf32>,
      %swap3A_427 = arith.constant 0 : i32
      %swap3A_428 = arith.index_cast %swap3A_427 : i32 to index
      %swap3A_429 = arith.constant 0 : index
      %swap3A_430 = tpu.vector_load %arg11[%swap3A_428, %swap3A_429] {strides = array<i32>} : memref<2x20xi32, #tpu.memory_space<vmem>>, vector<1x16xi32>,
      %swap3A_431 = vector.shape_cast %swap3A_430 : vector<1x16xi32> to vector<16xi32>
      %swap3A_432 = vector.shape_cast %scan3A_341#7 : vector<16xi32> to vector<1x16xi32>
      tpu.vector_store %arg11[%swap3A_428, %swap3A_429], %swap3A_432 {strides = array<i32>} : memref<2x20xi32, #tpu.memory_space<vmem>>, vector<1x16xi32>,
      %swap3A_433 = arith.constant 0 : i32
      %swap3A_434 = arith.index_cast %swap3A_433 : i32 to index
      %swap3A_435 = arith.constant 4 : index
      %swap3A_436 = tpu.vector_load %arg11[%swap3A_434, %swap3A_435] {strides = array<i32>} : memref<2x20xi32, #tpu.memory_space<vmem>>, vector<1x16xi32>,
      %swap3A_437 = vector.shape_cast %swap3A_436 : vector<1x16xi32> to vector<16xi32>
      %swap3A_438 = vector.shape_cast %scan3A_341#8 : vector<16xi32> to vector<1x16xi32>
      tpu.vector_store %arg11[%swap3A_434, %swap3A_435], %swap3A_438 {strides = array<i32>} : memref<2x20xi32, #tpu.memory_space<vmem>>, vector<1x16xi32>,
      %get3A_439 = arith.constant 1 : i32
      %get3A_440 = arith.index_cast %get3A_439 : i32 to index
      %get3A_441 = arith.constant 0 : index
      %get3A_442 = tpu.vector_load %arg9[%get3A_440, %get3A_441] {strides = array<i32>} : memref<2x112xf32, #tpu.memory_space<vmem>>, vector<1x16xf32>,
      %get3A_443 = vector.shape_cast %get3A_442 : vector<1x16xf32> to vector<16xf32>
      %get3A_444 = arith.constant 1 : i32
      %get3A_445 = arith.index_cast %get3A_444 : i32 to index
      %get3A_446 = arith.constant 16 : index
      %get3A_447 = tpu.vector_load %arg9[%get3A_445, %get3A_446] {strides = array<i32>} : memref<2x112xf32, #tpu.memory_space<vmem>>, vector<1x16xf32>,
      %get3A_448 = vector.shape_cast %get3A_447 : vector<1x16xf32> to vector<16xf32>
      %get3A_449 = arith.constant 1 : i32
      %get3A_450 = arith.index_cast %get3A_449 : i32 to index
      %get3A_451 = arith.constant 32 : index
      %get3A_452 = tpu.vector_load %arg9[%get3A_450, %get3A_451] {strides = array<i32>} : memref<2x112xf32, #tpu.memory_space<vmem>>, vector<1x16xf32>,
      %get3A_453 = vector.shape_cast %get3A_452 : vector<1x16xf32> to vector<16xf32>
      %get3A_454 = arith.constant 1 : i32
      %get3A_455 = arith.index_cast %get3A_454 : i32 to index
      %get3A_456 = arith.constant 48 : index
      %get3A_457 = tpu.vector_load %arg9[%get3A_455, %get3A_456] {strides = array<i32>} : memref<2x112xf32, #tpu.memory_space<vmem>>, vector<1x16xf32>,
      %get3A_458 = vector.shape_cast %get3A_457 : vector<1x16xf32> to vector<16xf32>
      %get3A_459 = arith.constant 1 : i32
      %get3A_460 = arith.index_cast %get3A_459 : i32 to index
      %get3A_461 = arith.constant 64 : index
      %get3A_462 = tpu.vector_load %arg9[%get3A_460, %get3A_461] {strides = array<i32>} : memref<2x112xf32, #tpu.memory_space<vmem>>, vector<1x16xf32>,
      %get3A_463 = vector.shape_cast %get3A_462 : vector<1x16xf32> to vector<16xf32>
      %get3A_464 = arith.constant 1 : i32
      %get3A_465 = arith.index_cast %get3A_464 : i32 to index
      %get3A_466 = arith.constant 80 : index
      %get3A_467 = tpu.vector_load %arg9[%get3A_465, %get3A_466] {strides = array<i32>} : memref<2x112xf32, #tpu.memory_space<vmem>>, vector<1x16xf32>,
      %get3A_468 = vector.shape_cast %get3A_467 : vector<1x16xf32> to vector<16xf32>
      %get3A_469 = arith.constant 1 : i32
      %get3A_470 = arith.index_cast %get3A_469 : i32 to index
      %get3A_471 = arith.constant 96 : index
      %get3A_472 = tpu.vector_load %arg9[%get3A_470, %get3A_471] {strides = array<i32>} : memref<2x112xf32, #tpu.memory_space<vmem>>, vector<1x16xf32>,
      %get3A_473 = vector.shape_cast %get3A_472 : vector<1x16xf32> to vector<16xf32>
      %broadcast_in_dim3A_474 = arith.constant 0 : i32
      %broadcast_in_dim3A_475 = vector.broadcast %broadcast_in_dim3A_474 : i32 to vector<16xi32>
      %broadcast_in_dim3A_476 = arith.constant 0.000000e+00 : f32
      %broadcast_in_dim3A_477 = vector.broadcast %broadcast_in_dim3A_476 : f32 to vector<16xf32>
      %scan3A_478 = arith.constant 0 : i32
      %scan3A_479 = arith.constant 20 : i32
      %scan3A_480 = arith.addi %scan3A_478, %scan3A_479 : i32
      %scan3A_481 = arith.constant 1 : i32
      %scan3A_482:11 = scf.for %scan3A_584 = %scan3A_478 to %scan3A_480 step %scan3A_481 iter_args(%scan3A_585 = %get3A_443, %scan3A_586 = %get3A_448, %scan3A_587 = %get3A_453, %scan3A_588 = %get3A_458, %scan3A_589 = %get3A_463, %scan3A_590 = %get3A_468, %scan3A_591 = %get3A_473, %scan3A_592 = %broadcast_in_dim3A_475, %scan3A_593 = %broadcast_in_dim3A_475, %scan3A_594 = %broadcast_in_dim3A_477, %scan3A_595 = %broadcast_in_dim3A_477) -> (vector<16xf32>, vector<16xf32>, vector<16xf32>, vector<16xf32>, vector<16xf32>, vector<16xf32>, vector<16xf32>, vector<16xi32>, vector<16xi32>, vector<16xf32>, vector<16xf32>)  : i32 {
        %max3A = arith.maximumf %scan3A_585, %scan3A_586 : vector<16xf32>
        %max3A_596 = arith.maximumf %max3A, %scan3A_587 : vector<16xf32>
        %max3A_597 = arith.maximumf %max3A_596, %scan3A_588 : vector<16xf32>
        %max3A_598 = arith.maximumf %max3A_597, %scan3A_589 : vector<16xf32>
        %max3A_599 = arith.maximumf %max3A_598, %scan3A_590 : vector<16xf32>
        %max3A_600 = arith.maximumf %max3A_599, %scan3A_591 : vector<16xf32>
        %slice3A = vector.extract_strided_slice %max3A_600 {offsets = [0], sizes = [1], strides = [1]} : vector<16xf32> to vector<1xf32>
        %squeeze3A = vector.extract %slice3A[0] : f32 from vector<1xf32>
        %slice3A_601 = vector.extract_strided_slice %max3A_600 {offsets = [1], sizes = [1], strides = [1]} : vector<16xf32> to vector<1xf32>
        %squeeze3A_602 = vector.extract %slice3A_601[0] : f32 from vector<1xf32>
        %max3A_603 = arith.maximumf %squeeze3A, %squeeze3A_602 : f32
        %slice3A_604 = vector.extract_strided_slice %max3A_600 {offsets = [2], sizes = [1], strides = [1]} : vector<16xf32> to vector<1xf32>
        %squeeze3A_605 = vector.extract %slice3A_604[0] : f32 from vector<1xf32>
        %max3A_606 = arith.maximumf %max3A_603, %squeeze3A_605 : f32
        %slice3A_607 = vector.extract_strided_slice %max3A_600 {offsets = [3], sizes = [1], strides = [1]} : vector<16xf32> to vector<1xf32>
        %squeeze3A_608 = vector.extract %slice3A_607[0] : f32 from vector<1xf32>
        %max3A_609 = arith.maximumf %max3A_606, %squeeze3A_608 : f32
        %slice3A_610 = vector.extract_strided_slice %max3A_600 {offsets = [4], sizes = [1], strides = [1]} : vector<16xf32> to vector<1xf32>
        %squeeze3A_611 = vector.extract %slice3A_610[0] : f32 from vector<1xf32>
        %max3A_612 = arith.maximumf %max3A_609, %squeeze3A_611 : f32
        %slice3A_613 = vector.extract_strided_slice %max3A_600 {offsets = [5], sizes = [1], strides = [1]} : vector<16xf32> to vector<1xf32>
        %squeeze3A_614 = vector.extract %slice3A_613[0] : f32 from vector<1xf32>
        %max3A_615 = arith.maximumf %max3A_612, %squeeze3A_614 : f32
        %slice3A_616 = vector.extract_strided_slice %max3A_600 {offsets = [6], sizes = [1], strides = [1]} : vector<16xf32> to vector<1xf32>
        %squeeze3A_617 = vector.extract %slice3A_616[0] : f32 from vector<1xf32>
        %max3A_618 = arith.maximumf %max3A_615, %squeeze3A_617 : f32
        %slice3A_619 = vector.extract_strided_slice %max3A_600 {offsets = [7], sizes = [1], strides = [1]} : vector<16xf32> to vector<1xf32>
        %squeeze3A_620 = vector.extract %slice3A_619[0] : f32 from vector<1xf32>
        %max3A_621 = arith.maximumf %max3A_618, %squeeze3A_620 : f32
        %slice3A_622 = vector.extract_strided_slice %max3A_600 {offsets = [8], sizes = [1], strides = [1]} : vector<16xf32> to vector<1xf32>
        %squeeze3A_623 = vector.extract %slice3A_622[0] : f32 from vector<1xf32>
        %max3A_624 = arith.maximumf %max3A_621, %squeeze3A_623 : f32
        %slice3A_625 = vector.extract_strided_slice %max3A_600 {offsets = [9], sizes = [1], strides = [1]} : vector<16xf32> to vector<1xf32>
        %squeeze3A_626 = vector.extract %slice3A_625[0] : f32 from vector<1xf32>
        %max3A_627 = arith.maximumf %max3A_624, %squeeze3A_626 : f32
        %slice3A_628 = vector.extract_strided_slice %max3A_600 {offsets = [10], sizes = [1], strides = [1]} : vector<16xf32> to vector<1xf32>
        %squeeze3A_629 = vector.extract %slice3A_628[0] : f32 from vector<1xf32>
        %max3A_630 = arith.maximumf %max3A_627, %squeeze3A_629 : f32
        %slice3A_631 = vector.extract_strided_slice %max3A_600 {offsets = [11], sizes = [1], strides = [1]} : vector<16xf32> to vector<1xf32>
        %squeeze3A_632 = vector.extract %slice3A_631[0] : f32 from vector<1xf32>
        %max3A_633 = arith.maximumf %max3A_630, %squeeze3A_632 : f32
        %slice3A_634 = vector.extract_strided_slice %max3A_600 {offsets = [12], sizes = [1], strides = [1]} : vector<16xf32> to vector<1xf32>
        %squeeze3A_635 = vector.extract %slice3A_634[0] : f32 from vector<1xf32>
        %max3A_636 = arith.maximumf %max3A_633, %squeeze3A_635 : f32
        %slice3A_637 = vector.extract_strided_slice %max3A_600 {offsets = [13], sizes = [1], strides = [1]} : vector<16xf32> to vector<1xf32>
        %squeeze3A_638 = vector.extract %slice3A_637[0] : f32 from vector<1xf32>
        %max3A_639 = arith.maximumf %max3A_636, %squeeze3A_638 : f32
        %slice3A_640 = vector.extract_strided_slice %max3A_600 {offsets = [14], sizes = [1], strides = [1]} : vector<16xf32> to vector<1xf32>
        %squeeze3A_641 = vector.extract %slice3A_640[0] : f32 from vector<1xf32>
        %max3A_642 = arith.maximumf %max3A_639, %squeeze3A_641 : f32
        %slice3A_643 = vector.extract_strided_slice %max3A_600 {offsets = [15], sizes = [1], strides = [1]} : vector<16xf32> to vector<1xf32>
        %squeeze3A_644 = vector.extract %slice3A_643[0] : f32 from vector<1xf32>
        %max3A_645 = arith.maximumf %max3A_642, %squeeze3A_644 : f32
        %broadcast_in_dim3A_646 = arith.constant 9999 : i32
        %broadcast_in_dim3A_647 = vector.broadcast %broadcast_in_dim3A_646 : i32 to vector<16xi32>
        %eq3A = vector.broadcast %max3A_645 : f32 to vector<16xf32>
        %eq3A_648 = arith.cmpf oeq, %scan3A_585, %eq3A : vector<16xf32>
        %add3A_649 = arith.constant 0 : i32
        %add3A_650 = vector.broadcast %add3A_649 : i32 to vector<16xi32>
        %add3A_651 = arith.addi %iota3A_297, %add3A_650 : vector<16xi32>
        %jit3A_652 = arith.constant 9999 : i32
        %broadcast_in_dim3A_653 = vector.broadcast %jit3A_652 : i32 to vector<16xi32>
        %select_n3A_654 = arith.select %eq3A_648, %add3A_651, %broadcast_in_dim3A_653 : vector<16xi1>, vector<16xi32>
        %min3A = arith.minsi %broadcast_in_dim3A_647, %select_n3A_654 : vector<16xi32>
        %eq3A_655 = vector.broadcast %max3A_645 : f32 to vector<16xf32>
        %eq3A_656 = arith.cmpf oeq, %scan3A_586, %eq3A_655 : vector<16xf32>
        %add3A_657 = arith.constant 16 : i32
        %add3A_658 = vector.broadcast %add3A_657 : i32 to vector<16xi32>
        %add3A_659 = arith.addi %iota3A_297, %add3A_658 : vector<16xi32>
        %jit3A_660 = arith.constant 9999 : i32
        %broadcast_in_dim3A_661 = vector.broadcast %jit3A_660 : i32 to vector<16xi32>
        %select_n3A_662 = arith.select %eq3A_656, %add3A_659, %broadcast_in_dim3A_661 : vector<16xi1>, vector<16xi32>
        %min3A_663 = arith.minsi %min3A, %select_n3A_662 : vector<16xi32>
        %eq3A_664 = vector.broadcast %max3A_645 : f32 to vector<16xf32>
        %eq3A_665 = arith.cmpf oeq, %scan3A_587, %eq3A_664 : vector<16xf32>
        %add3A_666 = arith.constant 32 : i32
        %add3A_667 = vector.broadcast %add3A_666 : i32 to vector<16xi32>
        %add3A_668 = arith.addi %iota3A_297, %add3A_667 : vector<16xi32>
        %jit3A_669 = arith.constant 9999 : i32
        %broadcast_in_dim3A_670 = vector.broadcast %jit3A_669 : i32 to vector<16xi32>
        %select_n3A_671 = arith.select %eq3A_665, %add3A_668, %broadcast_in_dim3A_670 : vector<16xi1>, vector<16xi32>
        %min3A_672 = arith.minsi %min3A_663, %select_n3A_671 : vector<16xi32>
        %eq3A_673 = vector.broadcast %max3A_645 : f32 to vector<16xf32>
        %eq3A_674 = arith.cmpf oeq, %scan3A_588, %eq3A_673 : vector<16xf32>
        %add3A_675 = arith.constant 48 : i32
        %add3A_676 = vector.broadcast %add3A_675 : i32 to vector<16xi32>
        %add3A_677 = arith.addi %iota3A_297, %add3A_676 : vector<16xi32>
        %jit3A_678 = arith.constant 9999 : i32
        %broadcast_in_dim3A_679 = vector.broadcast %jit3A_678 : i32 to vector<16xi32>
        %select_n3A_680 = arith.select %eq3A_674, %add3A_677, %broadcast_in_dim3A_679 : vector<16xi1>, vector<16xi32>
        %min3A_681 = arith.minsi %min3A_672, %select_n3A_680 : vector<16xi32>
        %eq3A_682 = vector.broadcast %max3A_645 : f32 to vector<16xf32>
        %eq3A_683 = arith.cmpf oeq, %scan3A_589, %eq3A_682 : vector<16xf32>
        %add3A_684 = arith.constant 64 : i32
        %add3A_685 = vector.broadcast %add3A_684 : i32 to vector<16xi32>
        %add3A_686 = arith.addi %iota3A_297, %add3A_685 : vector<16xi32>
        %jit3A_687 = arith.constant 9999 : i32
        %broadcast_in_dim3A_688 = vector.broadcast %jit3A_687 : i32 to vector<16xi32>
        %select_n3A_689 = arith.select %eq3A_683, %add3A_686, %broadcast_in_dim3A_688 : vector<16xi1>, vector<16xi32>
        %min3A_690 = arith.minsi %min3A_681, %select_n3A_689 : vector<16xi32>
        %eq3A_691 = vector.broadcast %max3A_645 : f32 to vector<16xf32>
        %eq3A_692 = arith.cmpf oeq, %scan3A_590, %eq3A_691 : vector<16xf32>
        %add3A_693 = arith.constant 80 : i32
        %add3A_694 = vector.broadcast %add3A_693 : i32 to vector<16xi32>
        %add3A_695 = arith.addi %iota3A_297, %add3A_694 : vector<16xi32>
        %jit3A_696 = arith.constant 9999 : i32
        %broadcast_in_dim3A_697 = vector.broadcast %jit3A_696 : i32 to vector<16xi32>
        %select_n3A_698 = arith.select %eq3A_692, %add3A_695, %broadcast_in_dim3A_697 : vector<16xi1>, vector<16xi32>
        %min3A_699 = arith.minsi %min3A_690, %select_n3A_698 : vector<16xi32>
        %eq3A_700 = vector.broadcast %max3A_645 : f32 to vector<16xf32>
        %eq3A_701 = arith.cmpf oeq, %scan3A_591, %eq3A_700 : vector<16xf32>
        %add3A_702 = arith.constant 96 : i32
        %add3A_703 = vector.broadcast %add3A_702 : i32 to vector<16xi32>
        %add3A_704 = arith.addi %iota3A_297, %add3A_703 : vector<16xi32>
        %jit3A_705 = arith.constant 9999 : i32
        %broadcast_in_dim3A_706 = vector.broadcast %jit3A_705 : i32 to vector<16xi32>
        %select_n3A_707 = arith.select %eq3A_701, %add3A_704, %broadcast_in_dim3A_706 : vector<16xi1>, vector<16xi32>
        %min3A_708 = arith.minsi %min3A_699, %select_n3A_707 : vector<16xi32>
        %slice3A_709 = vector.extract_strided_slice %min3A_708 {offsets = [0], sizes = [1], strides = [1]} : vector<16xi32> to vector<1xi32>
        %squeeze3A_710 = vector.extract %slice3A_709[0] : i32 from vector<1xi32>
        %slice3A_711 = vector.extract_strided_slice %min3A_708 {offsets = [1], sizes = [1], strides = [1]} : vector<16xi32> to vector<1xi32>
        %squeeze3A_712 = vector.extract %slice3A_711[0] : i32 from vector<1xi32>
        %min3A_713 = arith.minsi %squeeze3A_710, %squeeze3A_712 : i32
        %slice3A_714 = vector.extract_strided_slice %min3A_708 {offsets = [2], sizes = [1], strides = [1]} : vector<16xi32> to vector<1xi32>
        %squeeze3A_715 = vector.extract %slice3A_714[0] : i32 from vector<1xi32>
        %min3A_716 = arith.minsi %min3A_713, %squeeze3A_715 : i32
        %slice3A_717 = vector.extract_strided_slice %min3A_708 {offsets = [3], sizes = [1], strides = [1]} : vector<16xi32> to vector<1xi32>
        %squeeze3A_718 = vector.extract %slice3A_717[0] : i32 from vector<1xi32>
        %min3A_719 = arith.minsi %min3A_716, %squeeze3A_718 : i32
        %slice3A_720 = vector.extract_strided_slice %min3A_708 {offsets = [4], sizes = [1], strides = [1]} : vector<16xi32> to vector<1xi32>
        %squeeze3A_721 = vector.extract %slice3A_720[0] : i32 from vector<1xi32>
        %min3A_722 = arith.minsi %min3A_719, %squeeze3A_721 : i32
        %slice3A_723 = vector.extract_strided_slice %min3A_708 {offsets = [5], sizes = [1], strides = [1]} : vector<16xi32> to vector<1xi32>
        %squeeze3A_724 = vector.extract %slice3A_723[0] : i32 from vector<1xi32>
        %min3A_725 = arith.minsi %min3A_722, %squeeze3A_724 : i32
        %slice3A_726 = vector.extract_strided_slice %min3A_708 {offsets = [6], sizes = [1], strides = [1]} : vector<16xi32> to vector<1xi32>
        %squeeze3A_727 = vector.extract %slice3A_726[0] : i32 from vector<1xi32>
        %min3A_728 = arith.minsi %min3A_725, %squeeze3A_727 : i32
        %slice3A_729 = vector.extract_strided_slice %min3A_708 {offsets = [7], sizes = [1], strides = [1]} : vector<16xi32> to vector<1xi32>
        %squeeze3A_730 = vector.extract %slice3A_729[0] : i32 from vector<1xi32>
        %min3A_731 = arith.minsi %min3A_728, %squeeze3A_730 : i32
        %slice3A_732 = vector.extract_strided_slice %min3A_708 {offsets = [8], sizes = [1], strides = [1]} : vector<16xi32> to vector<1xi32>
        %squeeze3A_733 = vector.extract %slice3A_732[0] : i32 from vector<1xi32>
        %min3A_734 = arith.minsi %min3A_731, %squeeze3A_733 : i32
        %slice3A_735 = vector.extract_strided_slice %min3A_708 {offsets = [9], sizes = [1], strides = [1]} : vector<16xi32> to vector<1xi32>
        %squeeze3A_736 = vector.extract %slice3A_735[0] : i32 from vector<1xi32>
        %min3A_737 = arith.minsi %min3A_734, %squeeze3A_736 : i32
        %slice3A_738 = vector.extract_strided_slice %min3A_708 {offsets = [10], sizes = [1], strides = [1]} : vector<16xi32> to vector<1xi32>
        %squeeze3A_739 = vector.extract %slice3A_738[0] : i32 from vector<1xi32>
        %min3A_740 = arith.minsi %min3A_737, %squeeze3A_739 : i32
        %slice3A_741 = vector.extract_strided_slice %min3A_708 {offsets = [11], sizes = [1], strides = [1]} : vector<16xi32> to vector<1xi32>
        %squeeze3A_742 = vector.extract %slice3A_741[0] : i32 from vector<1xi32>
        %min3A_743 = arith.minsi %min3A_740, %squeeze3A_742 : i32
        %slice3A_744 = vector.extract_strided_slice %min3A_708 {offsets = [12], sizes = [1], strides = [1]} : vector<16xi32> to vector<1xi32>
        %squeeze3A_745 = vector.extract %slice3A_744[0] : i32 from vector<1xi32>
        %min3A_746 = arith.minsi %min3A_743, %squeeze3A_745 : i32
        %slice3A_747 = vector.extract_strided_slice %min3A_708 {offsets = [13], sizes = [1], strides = [1]} : vector<16xi32> to vector<1xi32>
        %squeeze3A_748 = vector.extract %slice3A_747[0] : i32 from vector<1xi32>
        %min3A_749 = arith.minsi %min3A_746, %squeeze3A_748 : i32
        %slice3A_750 = vector.extract_strided_slice %min3A_708 {offsets = [14], sizes = [1], strides = [1]} : vector<16xi32> to vector<1xi32>
        %squeeze3A_751 = vector.extract %slice3A_750[0] : i32 from vector<1xi32>
        %min3A_752 = arith.minsi %min3A_749, %squeeze3A_751 : i32
        %slice3A_753 = vector.extract_strided_slice %min3A_708 {offsets = [15], sizes = [1], strides = [1]} : vector<16xi32> to vector<1xi32>
        %squeeze3A_754 = vector.extract %slice3A_753[0] : i32 from vector<1xi32>
        %min3A_755 = arith.minsi %min3A_752, %squeeze3A_754 : i32
        %add3A_756 = arith.constant 0 : i32
        %add3A_757 = vector.broadcast %add3A_756 : i32 to vector<16xi32>
        %add3A_758 = arith.addi %iota3A_297, %add3A_757 : vector<16xi32>
        %eq3A_759 = vector.broadcast %min3A_755 : i32 to vector<16xi32>
        %eq3A_760 = arith.cmpi eq, %add3A_758, %eq3A_759 : vector<16xi32>
        %jit3A_761 = arith.constant -1.000000e+00 : f32
        %broadcast_in_dim3A_762 = vector.broadcast %jit3A_761 : f32 to vector<16xf32>
        %select_n3A_763 = arith.select %eq3A_760, %broadcast_in_dim3A_762, %scan3A_585 : vector<16xi1>, vector<16xf32>
        %add3A_764 = arith.constant 16 : i32
        %add3A_765 = vector.broadcast %add3A_764 : i32 to vector<16xi32>
        %add3A_766 = arith.addi %iota3A_297, %add3A_765 : vector<16xi32>
        %eq3A_767 = vector.broadcast %min3A_755 : i32 to vector<16xi32>
        %eq3A_768 = arith.cmpi eq, %add3A_766, %eq3A_767 : vector<16xi32>
        %jit3A_769 = arith.constant -1.000000e+00 : f32
        %broadcast_in_dim3A_770 = vector.broadcast %jit3A_769 : f32 to vector<16xf32>
        %select_n3A_771 = arith.select %eq3A_768, %broadcast_in_dim3A_770, %scan3A_586 : vector<16xi1>, vector<16xf32>
        %add3A_772 = arith.constant 32 : i32
        %add3A_773 = vector.broadcast %add3A_772 : i32 to vector<16xi32>
        %add3A_774 = arith.addi %iota3A_297, %add3A_773 : vector<16xi32>
        %eq3A_775 = vector.broadcast %min3A_755 : i32 to vector<16xi32>
        %eq3A_776 = arith.cmpi eq, %add3A_774, %eq3A_775 : vector<16xi32>
        %jit3A_777 = arith.constant -1.000000e+00 : f32
        %broadcast_in_dim3A_778 = vector.broadcast %jit3A_777 : f32 to vector<16xf32>
        %select_n3A_779 = arith.select %eq3A_776, %broadcast_in_dim3A_778, %scan3A_587 : vector<16xi1>, vector<16xf32>
        %add3A_780 = arith.constant 48 : i32
        %add3A_781 = vector.broadcast %add3A_780 : i32 to vector<16xi32>
        %add3A_782 = arith.addi %iota3A_297, %add3A_781 : vector<16xi32>
        %eq3A_783 = vector.broadcast %min3A_755 : i32 to vector<16xi32>
        %eq3A_784 = arith.cmpi eq, %add3A_782, %eq3A_783 : vector<16xi32>
        %jit3A_785 = arith.constant -1.000000e+00 : f32
        %broadcast_in_dim3A_786 = vector.broadcast %jit3A_785 : f32 to vector<16xf32>
        %select_n3A_787 = arith.select %eq3A_784, %broadcast_in_dim3A_786, %scan3A_588 : vector<16xi1>, vector<16xf32>
        %add3A_788 = arith.constant 64 : i32
        %add3A_789 = vector.broadcast %add3A_788 : i32 to vector<16xi32>
        %add3A_790 = arith.addi %iota3A_297, %add3A_789 : vector<16xi32>
        %eq3A_791 = vector.broadcast %min3A_755 : i32 to vector<16xi32>
        %eq3A_792 = arith.cmpi eq, %add3A_790, %eq3A_791 : vector<16xi32>
        %jit3A_793 = arith.constant -1.000000e+00 : f32
        %broadcast_in_dim3A_794 = vector.broadcast %jit3A_793 : f32 to vector<16xf32>
        %select_n3A_795 = arith.select %eq3A_792, %broadcast_in_dim3A_794, %scan3A_589 : vector<16xi1>, vector<16xf32>
        %add3A_796 = arith.constant 80 : i32
        %add3A_797 = vector.broadcast %add3A_796 : i32 to vector<16xi32>
        %add3A_798 = arith.addi %iota3A_297, %add3A_797 : vector<16xi32>
        %eq3A_799 = vector.broadcast %min3A_755 : i32 to vector<16xi32>
        %eq3A_800 = arith.cmpi eq, %add3A_798, %eq3A_799 : vector<16xi32>
        %jit3A_801 = arith.constant -1.000000e+00 : f32
        %broadcast_in_dim3A_802 = vector.broadcast %jit3A_801 : f32 to vector<16xf32>
        %select_n3A_803 = arith.select %eq3A_800, %broadcast_in_dim3A_802, %scan3A_590 : vector<16xi1>, vector<16xf32>
        %add3A_804 = arith.constant 96 : i32
        %add3A_805 = vector.broadcast %add3A_804 : i32 to vector<16xi32>
        %add3A_806 = arith.addi %iota3A_297, %add3A_805 : vector<16xi32>
        %eq3A_807 = vector.broadcast %min3A_755 : i32 to vector<16xi32>
        %eq3A_808 = arith.cmpi eq, %add3A_806, %eq3A_807 : vector<16xi32>
        %jit3A_809 = arith.constant -1.000000e+00 : f32
        %broadcast_in_dim3A_810 = vector.broadcast %jit3A_809 : f32 to vector<16xf32>
        %select_n3A_811 = arith.select %eq3A_808, %broadcast_in_dim3A_810, %scan3A_591 : vector<16xi1>, vector<16xf32>
        %eq3A_812 = vector.broadcast %scan3A_584 : i32 to vector<16xi32>
        %eq3A_813 = arith.cmpi eq, %iota3A_297, %eq3A_812 : vector<16xi32>
        %broadcast_in_dim3A_814 = vector.broadcast %min3A_755 : i32 to vector<16xi32>
        %select_n3A_815 = arith.select %eq3A_813, %broadcast_in_dim3A_814, %scan3A_592 : vector<16xi1>, vector<16xi32>
        %sub3A = arith.constant 4 : i32
        %sub3A_816 = arith.subi %scan3A_584, %sub3A : i32
        %eq3A_817 = vector.broadcast %sub3A_816 : i32 to vector<16xi32>
        %eq3A_818 = arith.cmpi eq, %iota3A_297, %eq3A_817 : vector<16xi32>
        %broadcast_in_dim3A_819 = vector.broadcast %min3A_755 : i32 to vector<16xi32>
        %select_n3A_820 = arith.select %eq3A_818, %broadcast_in_dim3A_819, %scan3A_593 : vector<16xi1>, vector<16xi32>
        %eq3A_821 = vector.broadcast %scan3A_584 : i32 to vector<16xi32>
        %eq3A_822 = arith.cmpi eq, %iota3A_297, %eq3A_821 : vector<16xi32>
        %broadcast_in_dim3A_823 = vector.broadcast %max3A_645 : f32 to vector<16xf32>
        %select_n3A_824 = arith.select %eq3A_822, %broadcast_in_dim3A_823, %scan3A_594 : vector<16xi1>, vector<16xf32>
        %sub3A_825 = arith.constant 4 : i32
        %sub3A_826 = arith.subi %scan3A_584, %sub3A_825 : i32
        %eq3A_827 = vector.broadcast %sub3A_826 : i32 to vector<16xi32>
        %eq3A_828 = arith.cmpi eq, %iota3A_297, %eq3A_827 : vector<16xi32>
        %broadcast_in_dim3A_829 = vector.broadcast %max3A_645 : f32 to vector<16xf32>
        %select_n3A_830 = arith.select %eq3A_828, %broadcast_in_dim3A_829, %scan3A_595 : vector<16xi1>, vector<16xf32>
        scf.yield %select_n3A_763, %select_n3A_771, %select_n3A_779, %select_n3A_787, %select_n3A_795, %select_n3A_803, %select_n3A_811, %select_n3A_815, %select_n3A_820, %select_n3A_824, %select_n3A_830 : vector<16xf32>, vector<16xf32>, vector<16xf32>, vector<16xf32>, vector<16xf32>, vector<16xf32>, vector<16xf32>, vector<16xi32>, vector<16xi32>, vector<16xf32>, vector<16xf32>
      }
      %scan3A_483 = arith.constant 20 : i32
      %lt3A_484 = arith.constant 0.000000e+00 : f32
      %lt3A_485 = vector.broadcast %lt3A_484 : f32 to vector<16xf32>
      %lt3A_486 = arith.cmpf olt, %scan3A_482#0, %lt3A_485 : vector<16xf32>
      %jit3A_487 = arith.constant 0.000000e+00 : f32
      %broadcast_in_dim3A_488 = vector.broadcast %jit3A_487 : f32 to vector<16xf32>
      %select_n3A_489 = arith.select %lt3A_486, %get3A_443, %broadcast_in_dim3A_488 : vector<16xi1>, vector<16xf32>
      %swap3A_490 = arith.constant 1 : i32
      %swap3A_491 = arith.index_cast %swap3A_490 : i32 to index
      %swap3A_492 = arith.constant 0 : index
      %swap3A_493 = tpu.vector_load %arg10[%swap3A_491, %swap3A_492] {strides = array<i32>} : memref<2x112xf32, #tpu.memory_space<vmem>>, vector<1x16xf32>,
      %swap3A_494 = vector.shape_cast %swap3A_493 : vector<1x16xf32> to vector<16xf32>
      %swap3A_495 = vector.shape_cast %select_n3A_489 : vector<16xf32> to vector<1x16xf32>
      tpu.vector_store %arg10[%swap3A_491, %swap3A_492], %swap3A_495 {strides = array<i32>} : memref<2x112xf32, #tpu.memory_space<vmem>>, vector<1x16xf32>,
      %lt3A_496 = arith.constant 0.000000e+00 : f32
      %lt3A_497 = vector.broadcast %lt3A_496 : f32 to vector<16xf32>
      %lt3A_498 = arith.cmpf olt, %scan3A_482#1, %lt3A_497 : vector<16xf32>
      %jit3A_499 = arith.constant 0.000000e+00 : f32
      %broadcast_in_dim3A_500 = vector.broadcast %jit3A_499 : f32 to vector<16xf32>
      %select_n3A_501 = arith.select %lt3A_498, %get3A_448, %broadcast_in_dim3A_500 : vector<16xi1>, vector<16xf32>
      %swap3A_502 = arith.constant 1 : i32
      %swap3A_503 = arith.index_cast %swap3A_502 : i32 to index
      %swap3A_504 = arith.constant 16 : index
      %swap3A_505 = tpu.vector_load %arg10[%swap3A_503, %swap3A_504] {strides = array<i32>} : memref<2x112xf32, #tpu.memory_space<vmem>>, vector<1x16xf32>,
      %swap3A_506 = vector.shape_cast %swap3A_505 : vector<1x16xf32> to vector<16xf32>
      %swap3A_507 = vector.shape_cast %select_n3A_501 : vector<16xf32> to vector<1x16xf32>
      tpu.vector_store %arg10[%swap3A_503, %swap3A_504], %swap3A_507 {strides = array<i32>} : memref<2x112xf32, #tpu.memory_space<vmem>>, vector<1x16xf32>,
      %lt3A_508 = arith.constant 0.000000e+00 : f32
      %lt3A_509 = vector.broadcast %lt3A_508 : f32 to vector<16xf32>
      %lt3A_510 = arith.cmpf olt, %scan3A_482#2, %lt3A_509 : vector<16xf32>
      %jit3A_511 = arith.constant 0.000000e+00 : f32
      %broadcast_in_dim3A_512 = vector.broadcast %jit3A_511 : f32 to vector<16xf32>
      %select_n3A_513 = arith.select %lt3A_510, %get3A_453, %broadcast_in_dim3A_512 : vector<16xi1>, vector<16xf32>
      %swap3A_514 = arith.constant 1 : i32
      %swap3A_515 = arith.index_cast %swap3A_514 : i32 to index
      %swap3A_516 = arith.constant 32 : index
      %swap3A_517 = tpu.vector_load %arg10[%swap3A_515, %swap3A_516] {strides = array<i32>} : memref<2x112xf32, #tpu.memory_space<vmem>>, vector<1x16xf32>,
      %swap3A_518 = vector.shape_cast %swap3A_517 : vector<1x16xf32> to vector<16xf32>
      %swap3A_519 = vector.shape_cast %select_n3A_513 : vector<16xf32> to vector<1x16xf32>
      tpu.vector_store %arg10[%swap3A_515, %swap3A_516], %swap3A_519 {strides = array<i32>} : memref<2x112xf32, #tpu.memory_space<vmem>>, vector<1x16xf32>,
      %lt3A_520 = arith.constant 0.000000e+00 : f32
      %lt3A_521 = vector.broadcast %lt3A_520 : f32 to vector<16xf32>
      %lt3A_522 = arith.cmpf olt, %scan3A_482#3, %lt3A_521 : vector<16xf32>
      %jit3A_523 = arith.constant 0.000000e+00 : f32
      %broadcast_in_dim3A_524 = vector.broadcast %jit3A_523 : f32 to vector<16xf32>
      %select_n3A_525 = arith.select %lt3A_522, %get3A_458, %broadcast_in_dim3A_524 : vector<16xi1>, vector<16xf32>
      %swap3A_526 = arith.constant 1 : i32
      %swap3A_527 = arith.index_cast %swap3A_526 : i32 to index
      %swap3A_528 = arith.constant 48 : index
      %swap3A_529 = tpu.vector_load %arg10[%swap3A_527, %swap3A_528] {strides = array<i32>} : memref<2x112xf32, #tpu.memory_space<vmem>>, vector<1x16xf32>,
      %swap3A_530 = vector.shape_cast %swap3A_529 : vector<1x16xf32> to vector<16xf32>
      %swap3A_531 = vector.shape_cast %select_n3A_525 : vector<16xf32> to vector<1x16xf32>
      tpu.vector_store %arg10[%swap3A_527, %swap3A_528], %swap3A_531 {strides = array<i32>} : memref<2x112xf32, #tpu.memory_space<vmem>>, vector<1x16xf32>,
      %lt3A_532 = arith.constant 0.000000e+00 : f32
      %lt3A_533 = vector.broadcast %lt3A_532 : f32 to vector<16xf32>
      %lt3A_534 = arith.cmpf olt, %scan3A_482#4, %lt3A_533 : vector<16xf32>
      %jit3A_535 = arith.constant 0.000000e+00 : f32
      %broadcast_in_dim3A_536 = vector.broadcast %jit3A_535 : f32 to vector<16xf32>
      %select_n3A_537 = arith.select %lt3A_534, %get3A_463, %broadcast_in_dim3A_536 : vector<16xi1>, vector<16xf32>
      %swap3A_538 = arith.constant 1 : i32
      %swap3A_539 = arith.index_cast %swap3A_538 : i32 to index
      %swap3A_540 = arith.constant 64 : index
      %swap3A_541 = tpu.vector_load %arg10[%swap3A_539, %swap3A_540] {strides = array<i32>} : memref<2x112xf32, #tpu.memory_space<vmem>>, vector<1x16xf32>,
      %swap3A_542 = vector.shape_cast %swap3A_541 : vector<1x16xf32> to vector<16xf32>
      %swap3A_543 = vector.shape_cast %select_n3A_537 : vector<16xf32> to vector<1x16xf32>
      tpu.vector_store %arg10[%swap3A_539, %swap3A_540], %swap3A_543 {strides = array<i32>} : memref<2x112xf32, #tpu.memory_space<vmem>>, vector<1x16xf32>,
      %lt3A_544 = arith.constant 0.000000e+00 : f32
      %lt3A_545 = vector.broadcast %lt3A_544 : f32 to vector<16xf32>
      %lt3A_546 = arith.cmpf olt, %scan3A_482#5, %lt3A_545 : vector<16xf32>
      %jit3A_547 = arith.constant 0.000000e+00 : f32
      %broadcast_in_dim3A_548 = vector.broadcast %jit3A_547 : f32 to vector<16xf32>
      %select_n3A_549 = arith.select %lt3A_546, %get3A_468, %broadcast_in_dim3A_548 : vector<16xi1>, vector<16xf32>
      %swap3A_550 = arith.constant 1 : i32
      %swap3A_551 = arith.index_cast %swap3A_550 : i32 to index
      %swap3A_552 = arith.constant 80 : index
      %swap3A_553 = tpu.vector_load %arg10[%swap3A_551, %swap3A_552] {strides = array<i32>} : memref<2x112xf32, #tpu.memory_space<vmem>>, vector<1x16xf32>,
      %swap3A_554 = vector.shape_cast %swap3A_553 : vector<1x16xf32> to vector<16xf32>
      %swap3A_555 = vector.shape_cast %select_n3A_549 : vector<16xf32> to vector<1x16xf32>
      tpu.vector_store %arg10[%swap3A_551, %swap3A_552], %swap3A_555 {strides = array<i32>} : memref<2x112xf32, #tpu.memory_space<vmem>>, vector<1x16xf32>,
      %lt3A_556 = arith.constant 0.000000e+00 : f32
      %lt3A_557 = vector.broadcast %lt3A_556 : f32 to vector<16xf32>
      %lt3A_558 = arith.cmpf olt, %scan3A_482#6, %lt3A_557 : vector<16xf32>
      %jit3A_559 = arith.constant 0.000000e+00 : f32
      %broadcast_in_dim3A_560 = vector.broadcast %jit3A_559 : f32 to vector<16xf32>
      %select_n3A_561 = arith.select %lt3A_558, %get3A_473, %broadcast_in_dim3A_560 : vector<16xi1>, vector<16xf32>
      %swap3A_562 = arith.constant 1 : i32
      %swap3A_563 = arith.index_cast %swap3A_562 : i32 to index
      %swap3A_564 = arith.constant 96 : index
      %swap3A_565 = tpu.vector_load %arg10[%swap3A_563, %swap3A_564] {strides = array<i32>} : memref<2x112xf32, #tpu.memory_space<vmem>>, vector<1x16xf32>,
      %swap3A_566 = vector.shape_cast %swap3A_565 : vector<1x16xf32> to vector<16xf32>
      %swap3A_567 = vector.shape_cast %select_n3A_561 : vector<16xf32> to vector<1x16xf32>
      tpu.vector_store %arg10[%swap3A_563, %swap3A_564], %swap3A_567 {strides = array<i32>} : memref<2x112xf32, #tpu.memory_space<vmem>>, vector<1x16xf32>,
      %swap3A_568 = arith.constant 1 : i32
      %swap3A_569 = arith.index_cast %swap3A_568 : i32 to index
      %swap3A_570 = arith.constant 0 : index
      %swap3A_571 = tpu.vector_load %arg11[%swap3A_569, %swap3A_570] {strides = array<i32>} : memref<2x20xi32, #tpu.memory_space<vmem>>, vector<1x16xi32>,
      %swap3A_572 = vector.shape_cast %swap3A_571 : vector<1x16xi32> to vector<16xi32>
      %swap3A_573 = vector.shape_cast %scan3A_482#7 : vector<16xi32> to vector<1x16xi32>
      tpu.vector_store %arg11[%swap3A_569, %swap3A_570], %swap3A_573 {strides = array<i32>} : memref<2x20xi32, #tpu.memory_space<vmem>>, vector<1x16xi32>,
      %swap3A_574 = arith.constant 1 : i32
      %swap3A_575 = arith.index_cast %swap3A_574 : i32 to index
      %swap3A_576 = arith.constant 4 : index
      %swap3A_577 = tpu.vector_load %arg11[%swap3A_575, %swap3A_576] {strides = array<i32>} : memref<2x20xi32, #tpu.memory_space<vmem>>, vector<1x16xi32>,
      %swap3A_578 = vector.shape_cast %swap3A_577 : vector<1x16xi32> to vector<16xi32>
      %swap3A_579 = vector.shape_cast %scan3A_482#8 : vector<16xi32> to vector<1x16xi32>
      tpu.vector_store %arg11[%swap3A_575, %swap3A_576], %swap3A_579 {strides = array<i32>} : memref<2x20xi32, #tpu.memory_space<vmem>>, vector<1x16xi32>,
      %mul3A_580 = arith.constant 2 : i32
      %mul3A_581 = arith.muli %add3A_294, %mul3A_580 : i32
      "tpu.region"() ({
        %run_scoped3A = tpu.sem_alloc : memref<!tpu.dma_semaphore, #tpu.memory_space<semaphore_mem>>
        %dma_start3A = arith.constant 0 : i32
        %dma_start3A_584 = tpu.memref_slice %arg4[%mul3A_581, %dma_start3A] : memref<100x112xf32, #tpu.memory_space<hbm>> -> memref<2x112xf32, #tpu.memory_space<hbm>>
        %dma_start3A_585 = arith.constant 0 : i32
        %dma_start3A_586 = tpu.memref_slice %arg4[%mul3A_581, %dma_start3A_585] : memref<100x112xf32, #tpu.memory_space<hbm>> -> memref<2x112xf32, #tpu.memory_space<hbm>>
        tpu.enqueue_dma source(%arg10 : memref<2x112xf32, #tpu.memory_space<vmem>>) target(%dma_start3A_586 : memref<2x112xf32, #tpu.memory_space<hbm>>) target_semaphore(%run_scoped3A : memref<!tpu.dma_semaphore, #tpu.memory_space<semaphore_mem>>)
        %dma_wait3A = arith.constant 0 : i32
        %dma_wait3A_587 = tpu.memref_slice %arg4[%mul3A_581, %dma_wait3A] : memref<100x112xf32, #tpu.memory_space<hbm>> -> memref<2x112xf32, #tpu.memory_space<hbm>>
        %dma_wait3A_588 = arith.constant 0 : i32
        %dma_wait3A_589 = tpu.memref_slice %arg4[%mul3A_581, %dma_wait3A_588] : memref<100x112xf32, #tpu.memory_space<hbm>> -> memref<2x112xf32, #tpu.memory_space<hbm>>
        tpu.wait_dma2 semaphore(%run_scoped3A : memref<!tpu.dma_semaphore, #tpu.memory_space<semaphore_mem>>) src(%arg10 : memref<2x112xf32, #tpu.memory_space<vmem>>) dst(%dma_wait3A_589 : memref<2x112xf32, #tpu.memory_space<hbm>>)
        tpu.yield
      }) : () -> ()
      %mul3A_582 = arith.constant 2 : i32
      %mul3A_583 = arith.muli %add3A_294, %mul3A_582 : i32
      "tpu.region"() ({
        %run_scoped3A = tpu.sem_alloc : memref<!tpu.dma_semaphore, #tpu.memory_space<semaphore_mem>>
        %dma_start3A = arith.constant 0 : i32
        %dma_start3A_584 = tpu.memref_slice %arg5[%mul3A_583, %dma_start3A] : memref<100x20xi32, #tpu.memory_space<hbm>> -> memref<2x20xi32, #tpu.memory_space<hbm>>
        %dma_start3A_585 = arith.constant 0 : i32
        %dma_start3A_586 = tpu.memref_slice %arg5[%mul3A_583, %dma_start3A_585] : memref<100x20xi32, #tpu.memory_space<hbm>> -> memref<2x20xi32, #tpu.memory_space<hbm>>
        tpu.enqueue_dma source(%arg11 : memref<2x20xi32, #tpu.memory_space<vmem>>) target(%dma_start3A_586 : memref<2x20xi32, #tpu.memory_space<hbm>>) target_semaphore(%run_scoped3A : memref<!tpu.dma_semaphore, #tpu.memory_space<semaphore_mem>>)
        %dma_wait3A = arith.constant 0 : i32
        %dma_wait3A_587 = tpu.memref_slice %arg5[%mul3A_583, %dma_wait3A] : memref<100x20xi32, #tpu.memory_space<hbm>> -> memref<2x20xi32, #tpu.memory_space<hbm>>
        %dma_wait3A_588 = arith.constant 0 : i32
        %dma_wait3A_589 = tpu.memref_slice %arg5[%mul3A_583, %dma_wait3A_588] : memref<100x20xi32, #tpu.memory_space<hbm>> -> memref<2x20xi32, #tpu.memory_space<hbm>>
        tpu.wait_dma2 semaphore(%run_scoped3A : memref<!tpu.dma_semaphore, #tpu.memory_space<semaphore_mem>>) src(%arg11 : memref<2x20xi32, #tpu.memory_space<vmem>>) dst(%dma_wait3A_589 : memref<2x20xi32, #tpu.memory_space<hbm>>)
        tpu.yield
      }) : () -> ()
    } else {
    }
    return
  }
}

module attributes {stable_mosaic.version = 14 : i64} {
  func.func @_tcn_kernel(%arg0: i32, %arg1: memref<6400x128xf32, #tpu.memory_space<vmem>>, %arg2: memref<3x100x100xf32, #tpu.memory_space<vmem>>, %arg3: memref<1x100xf32, #tpu.memory_space<vmem>>, %arg4: memref<1x100xf32, #tpu.memory_space<vmem>>, %arg5: memref<3x100x100xf32, #tpu.memory_space<vmem>>, %arg6: memref<1x100xf32, #tpu.memory_space<vmem>>, %arg7: memref<1x100xf32, #tpu.memory_space<vmem>>, %arg8: memref<3x100x100xf32, #tpu.memory_space<vmem>>, %arg9: memref<1x100xf32, #tpu.memory_space<vmem>>, %arg10: memref<1x100xf32, #tpu.memory_space<vmem>>, %arg11: memref<6400x128xf32, #tpu.memory_space<vmem>>, %arg12: memref<9x100x100xf32, #tpu.memory_space<vmem>>) attributes {dimension_semantics = [#tpu.dimension_semantics<arbitrary>], iteration_bounds = array<i64: 16>, scalar_prefetch = 0 : i64, scratch_operands = 1 : i64, tpu.core_type = #tpu.core_type<tc>, window_params = [{transform_indices = @transform_0, window_bounds = array<i64: 6400, 128>}, {pipeline_mode = #tpu.pipeline_mode<synchronous>, transform_indices = @transform_1, window_bounds = array<i64: 3, 100, 100>}, {pipeline_mode = #tpu.pipeline_mode<synchronous>, transform_indices = @transform_2, window_bounds = array<i64: 1, 100>}, {pipeline_mode = #tpu.pipeline_mode<synchronous>, transform_indices = @transform_3, window_bounds = array<i64: 1, 100>}, {pipeline_mode = #tpu.pipeline_mode<synchronous>, transform_indices = @transform_4, window_bounds = array<i64: 3, 100, 100>}, {pipeline_mode = #tpu.pipeline_mode<synchronous>, transform_indices = @transform_5, window_bounds = array<i64: 1, 100>}, {pipeline_mode = #tpu.pipeline_mode<synchronous>, transform_indices = @transform_6, window_bounds = array<i64: 1, 100>}, {pipeline_mode = #tpu.pipeline_mode<synchronous>, transform_indices = @transform_7, window_bounds = array<i64: 3, 100, 100>}, {pipeline_mode = #tpu.pipeline_mode<synchronous>, transform_indices = @transform_8, window_bounds = array<i64: 1, 100>}, {pipeline_mode = #tpu.pipeline_mode<synchronous>, transform_indices = @transform_9, window_bounds = array<i64: 1, 100>}, {transform_indices = @transform_10, window_bounds = array<i64: 6400, 128>}]} {
    %eq3A = arith.constant 0 : i32
    %eq3A_0 = arith.cmpi eq, %arg0, %eq3A : i32
    %convert_element_type3A = arith.extui %eq3A_0 : i1 to i32
    %cond3A = arith.constant 0 : i32
    %cond3A_1 = arith.cmpi ne, %convert_element_type3A, %cond3A : i32
    scf.if %cond3A_1 {
      %get3A_126 = arith.constant 0 : index
      %get3A_127 = arith.constant 0 : index
      %get3A_128 = arith.constant 0 : index
      %get3A_129 = vector.load %arg2[%get3A_126, %get3A_127, %get3A_128] : memref<3x100x100xf32, #tpu.memory_space<vmem>>, vector<3x100x100xf32>
      %get3A_130 = arith.constant 0 : index
      %get3A_131 = arith.constant 0 : index
      %get3A_132 = vector.load %arg3[%get3A_130, %get3A_131] : memref<1x100xf32, #tpu.memory_space<vmem>>, vector<1x100xf32>
      %mul3A = arith.mulf %get3A_129, %get3A_129 : vector<3x100x100xf32>
      %reduce_sum3A = arith.constant dense<0.000000e+00> : vector<100x100xf32>
      %reduce_sum3A_133 = vector.multi_reduction <add>, %mul3A, %reduce_sum3A [0] : vector<3x100x100xf32> to vector<100x100xf32>
      %reduce_sum3A_134 = arith.constant dense<0.000000e+00> : vector<100xf32>
      %reduce_sum3A_135 = vector.multi_reduction <add>, %reduce_sum3A_133, %reduce_sum3A_134 [1] : vector<100x100xf32> to vector<100xf32>
      %broadcast_in_dim3A_136 = vector.shape_cast %reduce_sum3A_135 : vector<100xf32> to vector<100x1xf32>
      %transpose3A_137 = tpu.transpose %get3A_132, [1, 0] : vector<1x100xf32> -> vector<100x1xf32>
      %add3A_138 = arith.constant 9.99999996E-13 : f32
      %add3A_139 = vector.broadcast %add3A_138 : f32 to vector<100x1xf32>
      %add3A_140 = arith.addf %broadcast_in_dim3A_136, %add3A_139 : vector<100x1xf32>
      %sqrt3A = math.sqrt %add3A_140 : vector<100x1xf32>
      %div3A = arith.divf %transpose3A_137, %sqrt3A : vector<100x1xf32>
      %slice3A_141 = vector.extract_strided_slice %get3A_129 {offsets = [0, 0, 0], sizes = [1, 100, 100], strides = [1, 1, 1]} : vector<3x100x100xf32> to vector<1x100x100xf32>
      %squeeze3A = vector.shape_cast %slice3A_141 : vector<1x100x100xf32> to vector<100x100xf32>
      %mul3A_142 = vector.broadcast %div3A : vector<100x1xf32> to vector<100x100xf32>
      %mul3A_143 = arith.mulf %squeeze3A, %mul3A_142 : vector<100x100xf32>
      %swap3A_144 = arith.constant 0 : index
      %swap3A_145 = arith.constant 0 : index
      %swap3A_146 = arith.constant 0 : index
      %swap3A_147 = vector.load %arg12[%swap3A_144, %swap3A_145, %swap3A_146] : memref<9x100x100xf32, #tpu.memory_space<vmem>>, vector<1x100x100xf32>
      %swap3A_148 = vector.shape_cast %swap3A_147 : vector<1x100x100xf32> to vector<100x100xf32>
      %swap3A_149 = vector.shape_cast %mul3A_143 : vector<100x100xf32> to vector<1x100x100xf32>
      tpu.vector_store %arg12[%swap3A_144, %swap3A_145, %swap3A_146], %swap3A_149 {strides = array<i32>} : memref<9x100x100xf32, #tpu.memory_space<vmem>>, vector<1x100x100xf32>,
      %slice3A_150 = vector.extract_strided_slice %get3A_129 {offsets = [1, 0, 0], sizes = [1, 100, 100], strides = [1, 1, 1]} : vector<3x100x100xf32> to vector<1x100x100xf32>
      %squeeze3A_151 = vector.shape_cast %slice3A_150 : vector<1x100x100xf32> to vector<100x100xf32>
      %mul3A_152 = vector.broadcast %div3A : vector<100x1xf32> to vector<100x100xf32>
      %mul3A_153 = arith.mulf %squeeze3A_151, %mul3A_152 : vector<100x100xf32>
      %swap3A_154 = arith.constant 1 : index
      %swap3A_155 = arith.constant 0 : index
      %swap3A_156 = arith.constant 0 : index
      %swap3A_157 = vector.load %arg12[%swap3A_154, %swap3A_155, %swap3A_156] : memref<9x100x100xf32, #tpu.memory_space<vmem>>, vector<1x100x100xf32>
      %swap3A_158 = vector.shape_cast %swap3A_157 : vector<1x100x100xf32> to vector<100x100xf32>
      %swap3A_159 = vector.shape_cast %mul3A_153 : vector<100x100xf32> to vector<1x100x100xf32>
      tpu.vector_store %arg12[%swap3A_154, %swap3A_155, %swap3A_156], %swap3A_159 {strides = array<i32>} : memref<9x100x100xf32, #tpu.memory_space<vmem>>, vector<1x100x100xf32>,
      %slice3A_160 = vector.extract_strided_slice %get3A_129 {offsets = [2, 0, 0], sizes = [1, 100, 100], strides = [1, 1, 1]} : vector<3x100x100xf32> to vector<1x100x100xf32>
      %squeeze3A_161 = vector.shape_cast %slice3A_160 : vector<1x100x100xf32> to vector<100x100xf32>
      %mul3A_162 = vector.broadcast %div3A : vector<100x1xf32> to vector<100x100xf32>
      %mul3A_163 = arith.mulf %squeeze3A_161, %mul3A_162 : vector<100x100xf32>
      %swap3A_164 = arith.constant 2 : index
      %swap3A_165 = arith.constant 0 : index
      %swap3A_166 = arith.constant 0 : index
      %swap3A_167 = vector.load %arg12[%swap3A_164, %swap3A_165, %swap3A_166] : memref<9x100x100xf32, #tpu.memory_space<vmem>>, vector<1x100x100xf32>
      %swap3A_168 = vector.shape_cast %swap3A_167 : vector<1x100x100xf32> to vector<100x100xf32>
      %swap3A_169 = vector.shape_cast %mul3A_163 : vector<100x100xf32> to vector<1x100x100xf32>
      tpu.vector_store %arg12[%swap3A_164, %swap3A_165, %swap3A_166], %swap3A_169 {strides = array<i32>} : memref<9x100x100xf32, #tpu.memory_space<vmem>>, vector<1x100x100xf32>,
      %get3A_170 = arith.constant 0 : index
      %get3A_171 = arith.constant 0 : index
      %get3A_172 = arith.constant 0 : index
      %get3A_173 = vector.load %arg5[%get3A_170, %get3A_171, %get3A_172] : memref<3x100x100xf32, #tpu.memory_space<vmem>>, vector<3x100x100xf32>
      %get3A_174 = arith.constant 0 : index
      %get3A_175 = arith.constant 0 : index
      %get3A_176 = vector.load %arg6[%get3A_174, %get3A_175] : memref<1x100xf32, #tpu.memory_space<vmem>>, vector<1x100xf32>
      %mul3A_177 = arith.mulf %get3A_173, %get3A_173 : vector<3x100x100xf32>
      %reduce_sum3A_178 = arith.constant dense<0.000000e+00> : vector<100x100xf32>
      %reduce_sum3A_179 = vector.multi_reduction <add>, %mul3A_177, %reduce_sum3A_178 [0] : vector<3x100x100xf32> to vector<100x100xf32>
      %reduce_sum3A_180 = arith.constant dense<0.000000e+00> : vector<100xf32>
      %reduce_sum3A_181 = vector.multi_reduction <add>, %reduce_sum3A_179, %reduce_sum3A_180 [1] : vector<100x100xf32> to vector<100xf32>
      %broadcast_in_dim3A_182 = vector.shape_cast %reduce_sum3A_181 : vector<100xf32> to vector<100x1xf32>
      %transpose3A_183 = tpu.transpose %get3A_176, [1, 0] : vector<1x100xf32> -> vector<100x1xf32>
      %add3A_184 = arith.constant 9.99999996E-13 : f32
      %add3A_185 = vector.broadcast %add3A_184 : f32 to vector<100x1xf32>
      %add3A_186 = arith.addf %broadcast_in_dim3A_182, %add3A_185 : vector<100x1xf32>
      %sqrt3A_187 = math.sqrt %add3A_186 : vector<100x1xf32>
      %div3A_188 = arith.divf %transpose3A_183, %sqrt3A_187 : vector<100x1xf32>
      %slice3A_189 = vector.extract_strided_slice %get3A_173 {offsets = [0, 0, 0], sizes = [1, 100, 100], strides = [1, 1, 1]} : vector<3x100x100xf32> to vector<1x100x100xf32>
      %squeeze3A_190 = vector.shape_cast %slice3A_189 : vector<1x100x100xf32> to vector<100x100xf32>
      %mul3A_191 = vector.broadcast %div3A_188 : vector<100x1xf32> to vector<100x100xf32>
      %mul3A_192 = arith.mulf %squeeze3A_190, %mul3A_191 : vector<100x100xf32>
      %swap3A_193 = arith.constant 3 : index
      %swap3A_194 = arith.constant 0 : index
      %swap3A_195 = arith.constant 0 : index
      %swap3A_196 = vector.load %arg12[%swap3A_193, %swap3A_194, %swap3A_195] : memref<9x100x100xf32, #tpu.memory_space<vmem>>, vector<1x100x100xf32>
      %swap3A_197 = vector.shape_cast %swap3A_196 : vector<1x100x100xf32> to vector<100x100xf32>
      %swap3A_198 = vector.shape_cast %mul3A_192 : vector<100x100xf32> to vector<1x100x100xf32>
      tpu.vector_store %arg12[%swap3A_193, %swap3A_194, %swap3A_195], %swap3A_198 {strides = array<i32>} : memref<9x100x100xf32, #tpu.memory_space<vmem>>, vector<1x100x100xf32>,
      %slice3A_199 = vector.extract_strided_slice %get3A_173 {offsets = [1, 0, 0], sizes = [1, 100, 100], strides = [1, 1, 1]} : vector<3x100x100xf32> to vector<1x100x100xf32>
      %squeeze3A_200 = vector.shape_cast %slice3A_199 : vector<1x100x100xf32> to vector<100x100xf32>
      %mul3A_201 = vector.broadcast %div3A_188 : vector<100x1xf32> to vector<100x100xf32>
      %mul3A_202 = arith.mulf %squeeze3A_200, %mul3A_201 : vector<100x100xf32>
      %swap3A_203 = arith.constant 4 : index
      %swap3A_204 = arith.constant 0 : index
      %swap3A_205 = arith.constant 0 : index
      %swap3A_206 = vector.load %arg12[%swap3A_203, %swap3A_204, %swap3A_205] : memref<9x100x100xf32, #tpu.memory_space<vmem>>, vector<1x100x100xf32>
      %swap3A_207 = vector.shape_cast %swap3A_206 : vector<1x100x100xf32> to vector<100x100xf32>
      %swap3A_208 = vector.shape_cast %mul3A_202 : vector<100x100xf32> to vector<1x100x100xf32>
      tpu.vector_store %arg12[%swap3A_203, %swap3A_204, %swap3A_205], %swap3A_208 {strides = array<i32>} : memref<9x100x100xf32, #tpu.memory_space<vmem>>, vector<1x100x100xf32>,
      %slice3A_209 = vector.extract_strided_slice %get3A_173 {offsets = [2, 0, 0], sizes = [1, 100, 100], strides = [1, 1, 1]} : vector<3x100x100xf32> to vector<1x100x100xf32>
      %squeeze3A_210 = vector.shape_cast %slice3A_209 : vector<1x100x100xf32> to vector<100x100xf32>
      %mul3A_211 = vector.broadcast %div3A_188 : vector<100x1xf32> to vector<100x100xf32>
      %mul3A_212 = arith.mulf %squeeze3A_210, %mul3A_211 : vector<100x100xf32>
      %swap3A_213 = arith.constant 5 : index
      %swap3A_214 = arith.constant 0 : index
      %swap3A_215 = arith.constant 0 : index
      %swap3A_216 = vector.load %arg12[%swap3A_213, %swap3A_214, %swap3A_215] : memref<9x100x100xf32, #tpu.memory_space<vmem>>, vector<1x100x100xf32>
      %swap3A_217 = vector.shape_cast %swap3A_216 : vector<1x100x100xf32> to vector<100x100xf32>
      %swap3A_218 = vector.shape_cast %mul3A_212 : vector<100x100xf32> to vector<1x100x100xf32>
      tpu.vector_store %arg12[%swap3A_213, %swap3A_214, %swap3A_215], %swap3A_218 {strides = array<i32>} : memref<9x100x100xf32, #tpu.memory_space<vmem>>, vector<1x100x100xf32>,
      %get3A_219 = arith.constant 0 : index
      %get3A_220 = arith.constant 0 : index
      %get3A_221 = arith.constant 0 : index
      %get3A_222 = vector.load %arg8[%get3A_219, %get3A_220, %get3A_221] : memref<3x100x100xf32, #tpu.memory_space<vmem>>, vector<3x100x100xf32>
      %get3A_223 = arith.constant 0 : index
      %get3A_224 = arith.constant 0 : index
      %get3A_225 = vector.load %arg9[%get3A_223, %get3A_224] : memref<1x100xf32, #tpu.memory_space<vmem>>, vector<1x100xf32>
      %mul3A_226 = arith.mulf %get3A_222, %get3A_222 : vector<3x100x100xf32>
      %reduce_sum3A_227 = arith.constant dense<0.000000e+00> : vector<100x100xf32>
      %reduce_sum3A_228 = vector.multi_reduction <add>, %mul3A_226, %reduce_sum3A_227 [0] : vector<3x100x100xf32> to vector<100x100xf32>
      %reduce_sum3A_229 = arith.constant dense<0.000000e+00> : vector<100xf32>
      %reduce_sum3A_230 = vector.multi_reduction <add>, %reduce_sum3A_228, %reduce_sum3A_229 [1] : vector<100x100xf32> to vector<100xf32>
      %broadcast_in_dim3A_231 = vector.shape_cast %reduce_sum3A_230 : vector<100xf32> to vector<100x1xf32>
      %transpose3A_232 = tpu.transpose %get3A_225, [1, 0] : vector<1x100xf32> -> vector<100x1xf32>
      %add3A_233 = arith.constant 9.99999996E-13 : f32
      %add3A_234 = vector.broadcast %add3A_233 : f32 to vector<100x1xf32>
      %add3A_235 = arith.addf %broadcast_in_dim3A_231, %add3A_234 : vector<100x1xf32>
      %sqrt3A_236 = math.sqrt %add3A_235 : vector<100x1xf32>
      %div3A_237 = arith.divf %transpose3A_232, %sqrt3A_236 : vector<100x1xf32>
      %slice3A_238 = vector.extract_strided_slice %get3A_222 {offsets = [0, 0, 0], sizes = [1, 100, 100], strides = [1, 1, 1]} : vector<3x100x100xf32> to vector<1x100x100xf32>
      %squeeze3A_239 = vector.shape_cast %slice3A_238 : vector<1x100x100xf32> to vector<100x100xf32>
      %mul3A_240 = vector.broadcast %div3A_237 : vector<100x1xf32> to vector<100x100xf32>
      %mul3A_241 = arith.mulf %squeeze3A_239, %mul3A_240 : vector<100x100xf32>
      %swap3A_242 = arith.constant 6 : index
      %swap3A_243 = arith.constant 0 : index
      %swap3A_244 = arith.constant 0 : index
      %swap3A_245 = vector.load %arg12[%swap3A_242, %swap3A_243, %swap3A_244] : memref<9x100x100xf32, #tpu.memory_space<vmem>>, vector<1x100x100xf32>
      %swap3A_246 = vector.shape_cast %swap3A_245 : vector<1x100x100xf32> to vector<100x100xf32>
      %swap3A_247 = vector.shape_cast %mul3A_241 : vector<100x100xf32> to vector<1x100x100xf32>
      tpu.vector_store %arg12[%swap3A_242, %swap3A_243, %swap3A_244], %swap3A_247 {strides = array<i32>} : memref<9x100x100xf32, #tpu.memory_space<vmem>>, vector<1x100x100xf32>,
      %slice3A_248 = vector.extract_strided_slice %get3A_222 {offsets = [1, 0, 0], sizes = [1, 100, 100], strides = [1, 1, 1]} : vector<3x100x100xf32> to vector<1x100x100xf32>
      %squeeze3A_249 = vector.shape_cast %slice3A_248 : vector<1x100x100xf32> to vector<100x100xf32>
      %mul3A_250 = vector.broadcast %div3A_237 : vector<100x1xf32> to vector<100x100xf32>
      %mul3A_251 = arith.mulf %squeeze3A_249, %mul3A_250 : vector<100x100xf32>
      %swap3A_252 = arith.constant 7 : index
      %swap3A_253 = arith.constant 0 : index
      %swap3A_254 = arith.constant 0 : index
      %swap3A_255 = vector.load %arg12[%swap3A_252, %swap3A_253, %swap3A_254] : memref<9x100x100xf32, #tpu.memory_space<vmem>>, vector<1x100x100xf32>
      %swap3A_256 = vector.shape_cast %swap3A_255 : vector<1x100x100xf32> to vector<100x100xf32>
      %swap3A_257 = vector.shape_cast %mul3A_251 : vector<100x100xf32> to vector<1x100x100xf32>
      tpu.vector_store %arg12[%swap3A_252, %swap3A_253, %swap3A_254], %swap3A_257 {strides = array<i32>} : memref<9x100x100xf32, #tpu.memory_space<vmem>>, vector<1x100x100xf32>,
      %slice3A_258 = vector.extract_strided_slice %get3A_222 {offsets = [2, 0, 0], sizes = [1, 100, 100], strides = [1, 1, 1]} : vector<3x100x100xf32> to vector<1x100x100xf32>
      %squeeze3A_259 = vector.shape_cast %slice3A_258 : vector<1x100x100xf32> to vector<100x100xf32>
      %mul3A_260 = vector.broadcast %div3A_237 : vector<100x1xf32> to vector<100x100xf32>
      %mul3A_261 = arith.mulf %squeeze3A_259, %mul3A_260 : vector<100x100xf32>
      %swap3A_262 = arith.constant 8 : index
      %swap3A_263 = arith.constant 0 : index
      %swap3A_264 = arith.constant 0 : index
      %swap3A_265 = vector.load %arg12[%swap3A_262, %swap3A_263, %swap3A_264] : memref<9x100x100xf32, #tpu.memory_space<vmem>>, vector<1x100x100xf32>
      %swap3A_266 = vector.shape_cast %swap3A_265 : vector<1x100x100xf32> to vector<100x100xf32>
      %swap3A_267 = vector.shape_cast %mul3A_261 : vector<100x100xf32> to vector<1x100x100xf32>
      tpu.vector_store %arg12[%swap3A_262, %swap3A_263, %swap3A_264], %swap3A_267 {strides = array<i32>} : memref<9x100x100xf32, #tpu.memory_space<vmem>>, vector<1x100x100xf32>,
    } else {
    }
    %get3A = arith.constant 0 : index
    %get3A_2 = arith.constant 0 : index
    %get3A_3 = vector.load %arg1[%get3A, %get3A_2] : memref<6400x128xf32, #tpu.memory_space<vmem>>, vector<6400x128xf32>
    %reshape3A = vector.shape_cast %get3A_3 : vector<6400x128xf32> to vector<64x100x128xf32>
    %transpose3A = tpu.transpose %reshape3A, [0, 2, 1] : vector<64x100x128xf32> -> vector<64x128x100xf32>
    %get3A_4 = arith.constant 0 : index
    %get3A_5 = arith.constant 0 : index
    %get3A_6 = vector.load %arg4[%get3A_4, %get3A_5] : memref<1x100xf32, #tpu.memory_space<vmem>>, vector<1x100xf32>
    %broadcast_in_dim3A = vector.shape_cast %get3A_6 : vector<1x100xf32> to vector<1x1x100xf32>
    %get3A_7 = arith.constant 0 : index
    %get3A_8 = arith.constant 0 : index
    %get3A_9 = arith.constant 0 : index
    %get3A_10 = vector.load %arg12[%get3A_7, %get3A_8, %get3A_9] : memref<9x100x100xf32, #tpu.memory_space<vmem>>, vector<1x100x100xf32>
    %get3A_11 = vector.shape_cast %get3A_10 : vector<1x100x100xf32> to vector<100x100xf32>
    %broadcast_in_dim3A_12 = arith.constant 0.000000e+00 : f32
    %broadcast_in_dim3A_13 = vector.broadcast %broadcast_in_dim3A_12 : f32 to vector<64x2x100xf32>
    %slice3A = vector.extract_strided_slice %transpose3A {offsets = [0, 0, 0], sizes = [64, 126, 100], strides = [1, 1, 1]} : vector<64x128x100xf32> to vector<64x126x100xf32>
    %concatenate3A = tpu.concatenate %broadcast_in_dim3A_13, %slice3A in 1 : vector<64x2x100xf32>, vector<64x126x100xf32> -> vector<64x128x100xf32>
    %dot_general3A = arith.constant dense<0.000000e+00> : vector<64x128x100xf32>
    %dot_general3A_14 = tpu.matmul %concatenate3A, %get3A_11, %dot_general3A {dimension_numbers = #tpu.dot_dimension_numbers<[2], [1], [0, 1], [0], [0, 0, 0, 1, 1, 0], [], []>, transpose_lhs_hint = false} : vector<64x128x100xf32>, vector<100x100xf32>, vector<64x128x100xf32> -> vector<64x128x100xf32>
    %add3A = vector.broadcast %broadcast_in_dim3A : vector<1x1x100xf32> to vector<64x128x100xf32>
    %add3A_15 = arith.addf %add3A, %dot_general3A_14 : vector<64x128x100xf32>
    %get3A_16 = arith.constant 1 : index
    %get3A_17 = arith.constant 0 : index
    %get3A_18 = arith.constant 0 : index
    %get3A_19 = vector.load %arg12[%get3A_16, %get3A_17, %get3A_18] : memref<9x100x100xf32, #tpu.memory_space<vmem>>, vector<1x100x100xf32>
    %get3A_20 = vector.shape_cast %get3A_19 : vector<1x100x100xf32> to vector<100x100xf32>
    %broadcast_in_dim3A_21 = arith.constant 0.000000e+00 : f32
    %broadcast_in_dim3A_22 = vector.broadcast %broadcast_in_dim3A_21 : f32 to vector<64x1x100xf32>
    %slice3A_23 = vector.extract_strided_slice %transpose3A {offsets = [0, 0, 0], sizes = [64, 127, 100], strides = [1, 1, 1]} : vector<64x128x100xf32> to vector<64x127x100xf32>
    %concatenate3A_24 = tpu.concatenate %broadcast_in_dim3A_22, %slice3A_23 in 1 : vector<64x1x100xf32>, vector<64x127x100xf32> -> vector<64x128x100xf32>
    %dot_general3A_25 = arith.constant dense<0.000000e+00> : vector<64x128x100xf32>
    %dot_general3A_26 = tpu.matmul %concatenate3A_24, %get3A_20, %dot_general3A_25 {dimension_numbers = #tpu.dot_dimension_numbers<[2], [1], [0, 1], [0], [0, 0, 0, 1, 1, 0], [], []>, transpose_lhs_hint = false} : vector<64x128x100xf32>, vector<100x100xf32>, vector<64x128x100xf32> -> vector<64x128x100xf32>
    %add3A_27 = arith.addf %add3A_15, %dot_general3A_26 : vector<64x128x100xf32>
    %get3A_28 = arith.constant 2 : index
    %get3A_29 = arith.constant 0 : index
    %get3A_30 = arith.constant 0 : index
    %get3A_31 = vector.load %arg12[%get3A_28, %get3A_29, %get3A_30] : memref<9x100x100xf32, #tpu.memory_space<vmem>>, vector<1x100x100xf32>
    %get3A_32 = vector.shape_cast %get3A_31 : vector<1x100x100xf32> to vector<100x100xf32>
    %dot_general3A_33 = arith.constant dense<0.000000e+00> : vector<64x128x100xf32>
    %dot_general3A_34 = tpu.matmul %transpose3A, %get3A_32, %dot_general3A_33 {dimension_numbers = #tpu.dot_dimension_numbers<[2], [1], [0, 1], [0], [0, 0, 0, 1, 1, 0], [], []>, transpose_lhs_hint = false} : vector<64x128x100xf32>, vector<100x100xf32>, vector<64x128x100xf32> -> vector<64x128x100xf32>
    %add3A_35 = arith.addf %add3A_27, %dot_general3A_34 : vector<64x128x100xf32>
    %max3A = arith.constant 0.000000e+00 : f32
    %max3A_36 = vector.broadcast %max3A : f32 to vector<64x128x100xf32>
    %max3A_37 = arith.maximumf %add3A_35, %max3A_36 : vector<64x128x100xf32>
    %get3A_38 = arith.constant 0 : index
    %get3A_39 = arith.constant 0 : index
    %get3A_40 = vector.load %arg7[%get3A_38, %get3A_39] : memref<1x100xf32, #tpu.memory_space<vmem>>, vector<1x100xf32>
    %broadcast_in_dim3A_41 = vector.shape_cast %get3A_40 : vector<1x100xf32> to vector<1x1x100xf32>
    %get3A_42 = arith.constant 3 : index
    %get3A_43 = arith.constant 0 : index
    %get3A_44 = arith.constant 0 : index
    %get3A_45 = vector.load %arg12[%get3A_42, %get3A_43, %get3A_44] : memref<9x100x100xf32, #tpu.memory_space<vmem>>, vector<1x100x100xf32>
    %get3A_46 = vector.shape_cast %get3A_45 : vector<1x100x100xf32> to vector<100x100xf32>
    %broadcast_in_dim3A_47 = arith.constant 0.000000e+00 : f32
    %broadcast_in_dim3A_48 = vector.broadcast %broadcast_in_dim3A_47 : f32 to vector<64x4x100xf32>
    %slice3A_49 = vector.extract_strided_slice %max3A_37 {offsets = [0, 0, 0], sizes = [64, 124, 100], strides = [1, 1, 1]} : vector<64x128x100xf32> to vector<64x124x100xf32>
    %concatenate3A_50 = tpu.concatenate %broadcast_in_dim3A_48, %slice3A_49 in 1 : vector<64x4x100xf32>, vector<64x124x100xf32> -> vector<64x128x100xf32>
    %dot_general3A_51 = arith.constant dense<0.000000e+00> : vector<64x128x100xf32>
    %dot_general3A_52 = tpu.matmul %concatenate3A_50, %get3A_46, %dot_general3A_51 {dimension_numbers = #tpu.dot_dimension_numbers<[2], [1], [0, 1], [0], [0, 0, 0, 1, 1, 0], [], []>, transpose_lhs_hint = false} : vector<64x128x100xf32>, vector<100x100xf32>, vector<64x128x100xf32> -> vector<64x128x100xf32>
    %add3A_53 = vector.broadcast %broadcast_in_dim3A_41 : vector<1x1x100xf32> to vector<64x128x100xf32>
    %add3A_54 = arith.addf %add3A_53, %dot_general3A_52 : vector<64x128x100xf32>
    %get3A_55 = arith.constant 4 : index
    %get3A_56 = arith.constant 0 : index
    %get3A_57 = arith.constant 0 : index
    %get3A_58 = vector.load %arg12[%get3A_55, %get3A_56, %get3A_57] : memref<9x100x100xf32, #tpu.memory_space<vmem>>, vector<1x100x100xf32>
    %get3A_59 = vector.shape_cast %get3A_58 : vector<1x100x100xf32> to vector<100x100xf32>
    %broadcast_in_dim3A_60 = arith.constant 0.000000e+00 : f32
    %broadcast_in_dim3A_61 = vector.broadcast %broadcast_in_dim3A_60 : f32 to vector<64x2x100xf32>
    %slice3A_62 = vector.extract_strided_slice %max3A_37 {offsets = [0, 0, 0], sizes = [64, 126, 100], strides = [1, 1, 1]} : vector<64x128x100xf32> to vector<64x126x100xf32>
    %concatenate3A_63 = tpu.concatenate %broadcast_in_dim3A_61, %slice3A_62 in 1 : vector<64x2x100xf32>, vector<64x126x100xf32> -> vector<64x128x100xf32>
    %dot_general3A_64 = arith.constant dense<0.000000e+00> : vector<64x128x100xf32>
    %dot_general3A_65 = tpu.matmul %concatenate3A_63, %get3A_59, %dot_general3A_64 {dimension_numbers = #tpu.dot_dimension_numbers<[2], [1], [0, 1], [0], [0, 0, 0, 1, 1, 0], [], []>, transpose_lhs_hint = false} : vector<64x128x100xf32>, vector<100x100xf32>, vector<64x128x100xf32> -> vector<64x128x100xf32>
    %add3A_66 = arith.addf %add3A_54, %dot_general3A_65 : vector<64x128x100xf32>
    %get3A_67 = arith.constant 5 : index
    %get3A_68 = arith.constant 0 : index
    %get3A_69 = arith.constant 0 : index
    %get3A_70 = vector.load %arg12[%get3A_67, %get3A_68, %get3A_69] : memref<9x100x100xf32, #tpu.memory_space<vmem>>, vector<1x100x100xf32>
    %get3A_71 = vector.shape_cast %get3A_70 : vector<1x100x100xf32> to vector<100x100xf32>
    %dot_general3A_72 = arith.constant dense<0.000000e+00> : vector<64x128x100xf32>
    %dot_general3A_73 = tpu.matmul %max3A_37, %get3A_71, %dot_general3A_72 {dimension_numbers = #tpu.dot_dimension_numbers<[2], [1], [0, 1], [0], [0, 0, 0, 1, 1, 0], [], []>, transpose_lhs_hint = false} : vector<64x128x100xf32>, vector<100x100xf32>, vector<64x128x100xf32> -> vector<64x128x100xf32>
    %add3A_74 = arith.addf %add3A_66, %dot_general3A_73 : vector<64x128x100xf32>
    %max3A_75 = arith.constant 0.000000e+00 : f32
    %max3A_76 = vector.broadcast %max3A_75 : f32 to vector<64x128x100xf32>
    %max3A_77 = arith.maximumf %add3A_74, %max3A_76 : vector<64x128x100xf32>
    %get3A_78 = arith.constant 0 : index
    %get3A_79 = arith.constant 0 : index
    %get3A_80 = vector.load %arg10[%get3A_78, %get3A_79] : memref<1x100xf32, #tpu.memory_space<vmem>>, vector<1x100xf32>
    %broadcast_in_dim3A_81 = vector.shape_cast %get3A_80 : vector<1x100xf32> to vector<1x1x100xf32>
    %get3A_82 = arith.constant 6 : index
    %get3A_83 = arith.constant 0 : index
    %get3A_84 = arith.constant 0 : index
    %get3A_85 = vector.load %arg12[%get3A_82, %get3A_83, %get3A_84] : memref<9x100x100xf32, #tpu.memory_space<vmem>>, vector<1x100x100xf32>
    %get3A_86 = vector.shape_cast %get3A_85 : vector<1x100x100xf32> to vector<100x100xf32>
    %broadcast_in_dim3A_87 = arith.constant 0.000000e+00 : f32
    %broadcast_in_dim3A_88 = vector.broadcast %broadcast_in_dim3A_87 : f32 to vector<64x8x100xf32>
    %slice3A_89 = vector.extract_strided_slice %max3A_77 {offsets = [0, 0, 0], sizes = [64, 120, 100], strides = [1, 1, 1]} : vector<64x128x100xf32> to vector<64x120x100xf32>
    %concatenate3A_90 = tpu.concatenate %broadcast_in_dim3A_88, %slice3A_89 in 1 : vector<64x8x100xf32>, vector<64x120x100xf32> -> vector<64x128x100xf32>
    %dot_general3A_91 = arith.constant dense<0.000000e+00> : vector<64x128x100xf32>
    %dot_general3A_92 = tpu.matmul %concatenate3A_90, %get3A_86, %dot_general3A_91 {dimension_numbers = #tpu.dot_dimension_numbers<[2], [1], [0, 1], [0], [0, 0, 0, 1, 1, 0], [], []>, transpose_lhs_hint = false} : vector<64x128x100xf32>, vector<100x100xf32>, vector<64x128x100xf32> -> vector<64x128x100xf32>
    %add3A_93 = vector.broadcast %broadcast_in_dim3A_81 : vector<1x1x100xf32> to vector<64x128x100xf32>
    %add3A_94 = arith.addf %add3A_93, %dot_general3A_92 : vector<64x128x100xf32>
    %get3A_95 = arith.constant 7 : index
    %get3A_96 = arith.constant 0 : index
    %get3A_97 = arith.constant 0 : index
    %get3A_98 = vector.load %arg12[%get3A_95, %get3A_96, %get3A_97] : memref<9x100x100xf32, #tpu.memory_space<vmem>>, vector<1x100x100xf32>
    %get3A_99 = vector.shape_cast %get3A_98 : vector<1x100x100xf32> to vector<100x100xf32>
    %broadcast_in_dim3A_100 = arith.constant 0.000000e+00 : f32
    %broadcast_in_dim3A_101 = vector.broadcast %broadcast_in_dim3A_100 : f32 to vector<64x4x100xf32>
    %slice3A_102 = vector.extract_strided_slice %max3A_77 {offsets = [0, 0, 0], sizes = [64, 124, 100], strides = [1, 1, 1]} : vector<64x128x100xf32> to vector<64x124x100xf32>
    %concatenate3A_103 = tpu.concatenate %broadcast_in_dim3A_101, %slice3A_102 in 1 : vector<64x4x100xf32>, vector<64x124x100xf32> -> vector<64x128x100xf32>
    %dot_general3A_104 = arith.constant dense<0.000000e+00> : vector<64x128x100xf32>
    %dot_general3A_105 = tpu.matmul %concatenate3A_103, %get3A_99, %dot_general3A_104 {dimension_numbers = #tpu.dot_dimension_numbers<[2], [1], [0, 1], [0], [0, 0, 0, 1, 1, 0], [], []>, transpose_lhs_hint = false} : vector<64x128x100xf32>, vector<100x100xf32>, vector<64x128x100xf32> -> vector<64x128x100xf32>
    %add3A_106 = arith.addf %add3A_94, %dot_general3A_105 : vector<64x128x100xf32>
    %get3A_107 = arith.constant 8 : index
    %get3A_108 = arith.constant 0 : index
    %get3A_109 = arith.constant 0 : index
    %get3A_110 = vector.load %arg12[%get3A_107, %get3A_108, %get3A_109] : memref<9x100x100xf32, #tpu.memory_space<vmem>>, vector<1x100x100xf32>
    %get3A_111 = vector.shape_cast %get3A_110 : vector<1x100x100xf32> to vector<100x100xf32>
    %dot_general3A_112 = arith.constant dense<0.000000e+00> : vector<64x128x100xf32>
    %dot_general3A_113 = tpu.matmul %max3A_77, %get3A_111, %dot_general3A_112 {dimension_numbers = #tpu.dot_dimension_numbers<[2], [1], [0, 1], [0], [0, 0, 0, 1, 1, 0], [], []>, transpose_lhs_hint = false} : vector<64x128x100xf32>, vector<100x100xf32>, vector<64x128x100xf32> -> vector<64x128x100xf32>
    %add3A_114 = arith.addf %add3A_106, %dot_general3A_113 : vector<64x128x100xf32>
    %max3A_115 = arith.constant 0.000000e+00 : f32
    %max3A_116 = vector.broadcast %max3A_115 : f32 to vector<64x128x100xf32>
    %max3A_117 = arith.maximumf %add3A_114, %max3A_116 : vector<64x128x100xf32>
    %add3A_118 = arith.addf %max3A_117, %transpose3A : vector<64x128x100xf32>
    %max3A_119 = arith.constant 0.000000e+00 : f32
    %max3A_120 = vector.broadcast %max3A_119 : f32 to vector<64x128x100xf32>
    %max3A_121 = arith.maximumf %add3A_118, %max3A_120 : vector<64x128x100xf32>
    %transpose3A_122 = tpu.transpose %max3A_121, [0, 2, 1] : vector<64x128x100xf32> -> vector<64x100x128xf32>
    %reshape3A_123 = vector.shape_cast %transpose3A_122 : vector<64x100x128xf32> to vector<6400x128xf32>
    %swap3A = arith.constant 0 : index
    %swap3A_124 = arith.constant 0 : index
    %swap3A_125 = vector.load %arg11[%swap3A, %swap3A_124] : memref<6400x128xf32, #tpu.memory_space<vmem>>, vector<6400x128xf32>
    tpu.vector_store %arg11[%swap3A, %swap3A_124], %reshape3A_123 {strides = array<i32>} : memref<6400x128xf32, #tpu.memory_space<vmem>>, vector<6400x128xf32>,
    return
  }
  func.func @transform_0(%arg0: i32) -> (i32, i32) {
    %c0_i32 = arith.constant 0 : i32
    %c0_i32_0 = arith.constant 0 : i32
    return %arg0, %c0_i32 : i32, i32
  }
  func.func @transform_1(%arg0: i32) -> (i32, i32, i32) {
    %c0_i32 = arith.constant 0 : i32
    %c0_i32_0 = arith.constant 0 : i32
    %c0_i32_1 = arith.constant 0 : i32
    %c0_i32_2 = arith.constant 0 : i32
    return %c0_i32, %c0_i32_0, %c0_i32_1 : i32, i32, i32
  }
  func.func @transform_2(%arg0: i32) -> (i32, i32) {
    %c0_i32 = arith.constant 0 : i32
    %c0_i32_0 = arith.constant 0 : i32
    %c0_i32_1 = arith.constant 0 : i32
    return %c0_i32, %c0_i32_0 : i32, i32
  }
  func.func @transform_3(%arg0: i32) -> (i32, i32) {
    %c0_i32 = arith.constant 0 : i32
    %c0_i32_0 = arith.constant 0 : i32
    %c0_i32_1 = arith.constant 0 : i32
    return %c0_i32, %c0_i32_0 : i32, i32
  }
  func.func @transform_4(%arg0: i32) -> (i32, i32, i32) {
    %c0_i32 = arith.constant 0 : i32
    %c0_i32_0 = arith.constant 0 : i32
    %c0_i32_1 = arith.constant 0 : i32
    %c0_i32_2 = arith.constant 0 : i32
    return %c0_i32, %c0_i32_0, %c0_i32_1 : i32, i32, i32
  }
  func.func @transform_5(%arg0: i32) -> (i32, i32) {
    %c0_i32 = arith.constant 0 : i32
    %c0_i32_0 = arith.constant 0 : i32
    %c0_i32_1 = arith.constant 0 : i32
    return %c0_i32, %c0_i32_0 : i32, i32
  }
  func.func @transform_6(%arg0: i32) -> (i32, i32) {
    %c0_i32 = arith.constant 0 : i32
    %c0_i32_0 = arith.constant 0 : i32
    %c0_i32_1 = arith.constant 0 : i32
    return %c0_i32, %c0_i32_0 : i32, i32
  }
  func.func @transform_7(%arg0: i32) -> (i32, i32, i32) {
    %c0_i32 = arith.constant 0 : i32
    %c0_i32_0 = arith.constant 0 : i32
    %c0_i32_1 = arith.constant 0 : i32
    %c0_i32_2 = arith.constant 0 : i32
    return %c0_i32, %c0_i32_0, %c0_i32_1 : i32, i32, i32
  }
  func.func @transform_8(%arg0: i32) -> (i32, i32) {
    %c0_i32 = arith.constant 0 : i32
    %c0_i32_0 = arith.constant 0 : i32
    %c0_i32_1 = arith.constant 0 : i32
    return %c0_i32, %c0_i32_0 : i32, i32
  }
  func.func @transform_9(%arg0: i32) -> (i32, i32) {
    %c0_i32 = arith.constant 0 : i32
    %c0_i32_0 = arith.constant 0 : i32
    %c0_i32_1 = arith.constant 0 : i32
    return %c0_i32, %c0_i32_0 : i32, i32
  }
  func.func @transform_10(%arg0: i32) -> (i32, i32) {
    %c0_i32 = arith.constant 0 : i32
    %c0_i32_0 = arith.constant 0 : i32
    return %arg0, %c0_i32 : i32, i32
  }
}

module attributes {stable_mosaic.version = 14 : i64} {
  func.func @_cos_kernel(%arg0: memref<100x64xf32, #tpu.memory_space<vmem>>, %arg1: memref<100x64xf32, #tpu.memory_space<vmem>>, %arg2: memref<100x112xf32, #tpu.memory_space<vmem>>) attributes {dimension_semantics = [], scalar_prefetch = 0 : i64, scratch_operands = 0 : i64, tpu.core_type = #tpu.core_type<tc>} {
    %get3A = arith.constant 0 : index
    %get3A_0 = arith.constant 0 : index
    %get3A_1 = vector.load %arg0[%get3A, %get3A_0] : memref<100x64xf32, #tpu.memory_space<vmem>>, vector<100x64xf32>
    %get3A_2 = arith.constant 0 : index
    %get3A_3 = arith.constant 0 : index
    %get3A_4 = vector.load %arg1[%get3A_2, %get3A_3] : memref<100x64xf32, #tpu.memory_space<vmem>>, vector<100x64xf32>
    %dot_general3A = arith.constant dense<0.000000e+00> : vector<100x100xf32>
    %dot_general3A_5 = tpu.matmul %get3A_1, %get3A_4, %dot_general3A {dimension_numbers = #tpu.dot_dimension_numbers<[1], [1], [0], [0], [0, 0, 1, 0], [], []>, transpose_lhs_hint = false} : vector<100x64xf32>, vector<100x64xf32>, vector<100x100xf32> -> vector<100x100xf32>
    %mul3A = arith.mulf %get3A_1, %get3A_1 : vector<100x64xf32>
    %reduce_sum3A = arith.constant dense<0.000000e+00> : vector<100xf32>
    %reduce_sum3A_6 = vector.multi_reduction <add>, %mul3A, %reduce_sum3A [1] : vector<100x64xf32> to vector<100xf32>
    %broadcast_in_dim3A = vector.shape_cast %reduce_sum3A_6 : vector<100xf32> to vector<100x1xf32>
    %sqrt3A = math.sqrt %broadcast_in_dim3A : vector<100x1xf32>
    %mul3A_7 = arith.mulf %get3A_4, %get3A_4 : vector<100x64xf32>
    %reduce_sum3A_8 = arith.constant dense<0.000000e+00> : vector<100xf32>
    %reduce_sum3A_9 = vector.multi_reduction <add>, %mul3A_7, %reduce_sum3A_8 [1] : vector<100x64xf32> to vector<100xf32>
    %broadcast_in_dim3A_10 = vector.shape_cast %reduce_sum3A_9 : vector<100xf32> to vector<100x1xf32>
    %sqrt3A_11 = math.sqrt %broadcast_in_dim3A_10 : vector<100x1xf32>
    %transpose3A = tpu.transpose %sqrt3A_11, [1, 0] : vector<100x1xf32> -> vector<1x100xf32>
    %max3A = arith.constant 0.000000e+00 : f32
    %max3A_12 = vector.broadcast %max3A : f32 to vector<100x100xf32>
    %max3A_13 = arith.maximumf %dot_general3A_5, %max3A_12 : vector<100x100xf32>
    %mul3A_14 = vector.broadcast %sqrt3A : vector<100x1xf32> to vector<100x100xf32>
    %mul3A_15 = vector.broadcast %transpose3A : vector<1x100xf32> to vector<100x100xf32>
    %mul3A_16 = arith.mulf %mul3A_14, %mul3A_15 : vector<100x100xf32>
    %div3A = arith.divf %max3A_13, %mul3A_16 : vector<100x100xf32>
    %broadcast_in_dim3A_17 = arith.constant -1.000000e+00 : f32
    %broadcast_in_dim3A_18 = vector.broadcast %broadcast_in_dim3A_17 : f32 to vector<100x12xf32>
    %concatenate3A = tpu.concatenate %div3A, %broadcast_in_dim3A_18 in 1 : vector<100x100xf32>, vector<100x12xf32> -> vector<100x112xf32>
    %swap3A = arith.constant 0 : index
    %swap3A_19 = arith.constant 0 : index
    %swap3A_20 = vector.load %arg2[%swap3A, %swap3A_19] : memref<100x112xf32, #tpu.memory_space<vmem>>, vector<100x112xf32>
    tpu.vector_store %arg2[%swap3A, %swap3A_19], %concatenate3A {strides = array<i32>} : memref<100x112xf32, #tpu.memory_space<vmem>>, vector<100x112xf32>,
    return
  }
}

</mosaic_0001>

<sc_bundles>
// kernel: kernel.5.cloned.1.call-start
scs
__scs_entry_jumppad:
0x0: {  	(pc) =	sbr.rel $0x88, $3  }
0x1: {  	(tag) =	ssettag $0x0;
	lr =	simm.s32 $0x1  }
0x2: {  	[smem:$0x3F94] =	sst lr;
	_ =	strace $0xD0000000  }
0x3: {  	_ = 	snop  }
0x4: {  	_ = 	snop  }
0x5: {  	_ = 	snop  }
0x6: {  	_ = 	snop  }
0x7: {  	_ = 	snop  }
__scs_overlays_trampoline_lowered:
0x8: {  	[smem:$0x3FA3] =	sst s0  }
0x9: {  	[smem:$0x3FA4] =	sst s1  }
0xa: {  	[smem:$0x3FA5] =	sst s2  }
0xb: {  	[smem:$0x3FA6] =	sst s3  }
0xc: {  	[smem:$0x3FA7] =	sst s4  }
0xd: {  	[smem:$0x3FA8] =	sst s5  }
0xe: {  	[smem:$0x3FA9] =	sst s6  }
0xf: {  	[smem:$0x3FAA] =	sst s7  }
0x10: {  	[smem:$0x3FAB] =	sst s8  }
0x11: {  	[smem:$0x3FAC] =	sst s9;
	s0 =	simm.s32 @!p0 $0x0  }
0x12: {  	s1 =	sld [smem:$0x3F92];
	s0 =	simm.s32 @p0 $0x1  }
0x13: {  	[smem:$0x3FAD] =	sst s0;
	s0 =	simm.s32 @!p1 $0x0  }
0x14: {  	s2 =	sld [smem:$0x3F91];
	s0 =	simm.s32 @p1 $0x1  }
0x15: {  	[smem:$0x3FAE] =	sst s0;
	s0 =	simm.s32 @!p2 $0x0  }
0x16: {  	s3 =	sld [smem:$0x3FDB];
	s0 =	simm.s32 @p2 $0x1  }
0x17: {  	s4 =	simm.s32 $0x1BF5;
	[smem:$0x3FB0] =	sst s0  }
0x18: {  	s0 =	sld [smem:$0x3F93];
	_ =	swait.ge [sflag:s4], $0x0  }
0x19: {  	s7 =	sld [smem:$0x3F94]  }
0x1a: {  	s8 =	sadd.s32 $0xFFFFE003, lr  }
0x1b: {  	s9 =	sadd.s32 $0xFFFFFEF7, lr;
	s5 =	simm.s32 $0xFFFFFFFF;
	p2 =	slt.u32 s8, $0xFFFFF086  }
0x1c: {  	p1 =	slt.u32 s9, $0xF7A;
	s5 =	simm.s32 @!p2 $0x0  }
0x1d: {  	s5 =	simm.s32 @p1 $0x1;
	p0 =	seq.s32 s7, s2  }
0x1e: {  	s7 =	smul.u32 @!p0 $0xF7A, s2;
	p2 =	seq.s32 @!p0 s5, $0x0  }
0x1f: {  	s9 =	smul.u32 $0xF7A, s1;
	s8 =	simm.s32 @!p0 $0x1BF5;
	p2 =	por !p2, p0  }
0x20: {  	[sflag:s8] =	ssyncset.s32 @!p0 $0xFFFFF086;
	s6 =	sadd.s32 @!p0 s3, s7;
	s7 =	simm.s32 @!p0 $0x108  }
0x21: {  	s3 =	sadd.s32 s3, s9;
	s6 =	sadd.s32 @!p0 $0x88, s6;
	s7 =	simm.s32 @p2 $0x1082  }
0x22: {  	[simem:s7], [sflag:s8] =	dma.local @!p0 [hbm:s6], $0xF7A  }
0x23: {  	s9 =	sor.u32 $0xD0000000, s2;
	s6 =	simm.s32 $0x108;
	_ =	swait.ge @!p0 [sflag:s8], $0x0  }
0x24: {  	s3 =	sadd.s32 $0x88, s3;
	s6 =	simm.s32 @!p1 $0x1082;
	[sflag:s4] =	ssyncset.s32 $0xFFFFF086  }
0x25: {  	[simem:s6], [sflag:s4] =	dma.local [hbm:s3], $0xF7A  }
0x26: {  	[smem:$0x3F94] =	sst s1;
	(tag) =	ssettag s2;
	_ =	strace s9  }
0x27: {  	s1 =	sld [smem:$0x3FA4]  }
0x28: {  	s2 =	sld [smem:$0x3FA5]  }
0x29: {  	s4 =	sld [smem:$0x3FA7]  }
0x2a: {  	p0 =	seq.s32 s5, $0x0;
	s5 =	sld [smem:$0x3FA8]  }
0x2b: {  	s6 =	sld [smem:$0x3FA9]  }
0x2c: {  	s7 =	sld [smem:$0x3FAA]  }
0x2d: {  	s3 =	simm.s32 $0x108;
	s8 =	sld [smem:$0x3FAB]  }
0x2e: {  	s3 =	simm.s32 @!p0 $0x1082;
	s9 =	sld [smem:$0x3FAC]  }
0x2f: {  	lr =	sadd.s32 s0, s3;
	s0 =	sld [smem:$0x3FA3]  }
0x30: {  	s3 =	sld [smem:$0x3FA6]  }
0x31: {  	[smem:$0x3FAF] =	sst s10  }
0x32: {  	s10 =	sld [smem:$0x3FAD];
	_ =	sdelay $0x3  }
0x33: {  	p0 =	seq.s32 s10, $0x1;
	s10 =	sld [smem:$0x3FAF];
	_ =	sdelay $0x3  }
0x34: {  	[smem:$0x3FAF] =	sst s10  }
0x35: {  	s10 =	sld [smem:$0x3FAE];
	_ =	sdelay $0x3  }
0x36: {  	p1 =	seq.s32 s10, $0x1;
	s10 =	sld [smem:$0x3FAF];
	_ =	sdelay $0x3  }
0x37: {  	[smem:$0x3FAF] =	sst s10  }
0x38: {  	s10 =	sld [smem:$0x3FB0]  }
0x39: {  	_ = 	snop;
	(pc) =	sbr.ind lr, $3  }
0x3a: {  	_ = 	snop  }
0x3b: {  	_ = 	snop  }
0x3c: {  	p2 =	seq.s32 s10, $0x1;
	s10 =	sld [smem:$0x3FAF]  }
0x3d: {  	_ =	shalt  }
0x3e: {  	_ =	shalt  }
0x3f: {  	_ =	shalt  }
0x40: {  	_ =	shalt  }
0x41: {  	_ =	shalt  }
0x42: {  	_ =	shalt  }
0x43: {  	_ =	shalt  }
0x44: {  	_ =	shalt  }
0x45: {  	_ =	shalt  }
0x46: {  	_ =	shalt  }
0x47: {  	_ =	shalt  }
0x48: {  	_ =	shalt  }
0x49: {  	_ =	shalt  }
0x4a: {  	_ =	shalt  }
0x4b: {  	_ =	shalt  }
0x4c: {  	_ =	shalt  }
0x4d: {  	_ =	shalt  }
0x4e: {  	_ =	shalt  }
0x4f: {  	_ =	shalt  }
0x50: {  	_ =	shalt  }
0x51: {  	_ =	shalt  }
0x52: {  	_ =	shalt  }
0x53: {  	_ =	shalt  }
0x54: {  	_ =	shalt  }
0x55: {  	_ =	shalt  }
0x56: {  	_ =	shalt  }
0x57: {  	_ =	shalt  }
0x58: {  	_ =	shalt  }
0x59: {  	_ =	shalt  }
0x5a: {  	_ =	shalt  }
0x5b: {  	_ =	shalt  }
0x5c: {  	_ =	shalt  }
0x5d: {  	_ =	shalt  }
0x5e: {  	_ =	shalt  }
0x5f: {  	_ =	shalt  }
0x60: {  	_ =	shalt  }
0x61: {  	_ =	shalt  }
0x62: {  	_ =	shalt  }
0x63: {  	_ =	shalt  }
0x64: {  	_ =	shalt  }
0x65: {  	_ =	shalt  }
0x66: {  	_ =	shalt  }
0x67: {  	_ =	shalt  }
0x68: {  	_ =	shalt  }
0x69: {  	_ =	shalt  }
0x6a: {  	_ =	shalt  }
0x6b: {  	_ =	shalt  }
0x6c: {  	_ =	shalt  }
0x6d: {  	_ =	shalt  }
0x6e: {  	_ =	shalt  }
0x6f: {  	_ =	shalt  }
0x70: {  	_ =	shalt  }
0x71: {  	_ =	shalt  }
0x72: {  	_ =	shalt  }
0x73: {  	_ =	shalt  }
0x74: {  	_ =	shalt  }
0x75: {  	_ =	shalt  }
0x76: {  	_ =	shalt  }
0x77: {  	_ =	shalt  }
0x78: {  	_ =	shalt  }
0x79: {  	_ =	shalt  }
0x7a: {  	_ =	shalt  }
0x7b: {  	_ =	shalt  }
0x7c: {  	_ =	shalt  }
0x7d: {  	_ =	shalt  }
0x7e: {  	_ =	shalt  }
0x7f: {  	_ =	shalt  }
0x80: {  	_ =	shalt  }
0x81: {  	_ =	shalt  }
0x82: {  	_ =	shalt  }
0x83: {  	_ =	shalt  }
0x84: {  	_ =	shalt  }
0x85: {  	_ =	shalt  }
0x86: {  	_ =	shalt  }
0x87: {  	_ =	shalt  }
.Lfunc_end0:
.L_simem_size_0:
called_computation_lowered:
.L_overlay_start_0:
0x88: {  	s2 =	sld [smem:$0x3FD9]  }
0x89: {  	s3 =	sld [smem:$0x3FFE];
	_ =	sdelay $0x1  }
0x8a: {  	s1 =	srdreg.scid  }
0x8b: {  	s0 =	sand.u32 $0x1, s1  }
0x8c: {  	s14 =	sshll.u32 s0, $0xA;
	s2 =	sadd.s32 s3, s2  }
0x8d: {  	s2 =	sadd.s32 s2, s14  }
0x8e: {  	[smem:$0x3FBB] =	sst s2  }
0x8f: {  	_ = 	snop  }
0x90: {  	s2 =	sld [smem:$0x3FD0];
	_ =	sdelay $0x2  }
0x91: {  	s4 =	simm.s32 $0xA;
	s5 =	simm.s32 $0x10;
	s15 =	sld [smem:$0x3FC8]  }
0x92: {  	[smem:s5], [sflag:s4] =	dma.local [hbm:s2], $0x1  }
0x93: {  	_ =	swait.eq [sflag:s4], $0x1  }
0x94: {  	[sflag:s4] =	ssyncset.done $0x0  }
0x95: {  	s16 =	sld [smem:$0x11];
	[sflag:s4] =	ssyncadd.s32 $0xFFFFFFFF  }
0x96: {  	s17 =	sld [smem:$0x13];
	(tm) =	ssettm $0x1  }
0x97: {  	s18 =	sld [smem:$0x3FFB];
	_ =	sdelay $0x3  }
0x98: {  	_ =	strace s18  }
0x99: {  	s5 =	sld [smem:$0x3FFC];
	_ =	sdelay $0x3  }
0x9a: {  	_ =	strace s5  }
0x9b: {  	s5 =	sld [smem:$0x3FFD];
	_ =	sdelay $0x3  }
0x9c: {  	_ =	strace s5  }
0x9d: {  	_ =	strace $0x8FFFFFFF  }
0x9e: {  	s19 =	sld [smem:$0x3FDB];
	_ =	sdelay $0x1  }
0x9f: {  	s6 =	simm.s32 $_scs_section_size  }
0xa0: {  	s7 =	simm.s32 $_size__tile_overlayer_lowered;
	s8 =	simm.s32 $_tile_overlayer_lowered  }
0xa1: {  	s22 =	simm.s32 $0x1BFF;
	s21 =	sshll.u32 s8, $0x1;
	s5 =	sadd.s32 s6, s19  }
0xa2: {  	s9 =	simm.s32 $0x0;
	s20 =	sshll.u32 s7, $0x1;
	s7 =	sadd.s32 s21, s5  }
0xa3: {  	[timem:s9], [sflag:s22] =	dma.local [hbm:s7], s20  }
0xa4: {  	_ =	swait.ge [sflag:s22], s20  }
0xa5: {  	s6 =	ssub.s32 $0x0, s20;
	[sflag:s22] =	ssyncset.done $0x0  }
0xa6: {  	[sflag:s22] =	ssyncadd.s32 s6;
	_ =	sdelay $0x1  }
0xa7: {  	s23 =	simm.s32 $0x1B8B  }
0xa8: {  	_ =	swait.ge [sflag:s23], $0x1  }
0xa9: {  	[sflag:s23] =	ssyncset.done $0x0  }
0xaa: {  	s25 =	simm.s32 $0x1B8E;
	s24 =	sld [smem:$0x3FFE];
	[sflag:s23] =	ssyncadd.s32 $0xFFFFFFFF  }
0xab: {  	s26 =	simm.s32 $execute0_lowered;
	[smem:$0x3FD2] =	sst s25  }
0xac: {  	s7 =	sshll.u32 s26, $0x1;
	_ =	strace $0x80000046;
	[dreg:$0x1] =	wrdreg $0xFFFFFFFF  }
0xad: {  	s28 =	simm.s32 $_size_execute0_lowered;
	s5 =	sadd.s32 s5, s7;
	[dreg:$0x0] =	wrdreg $0x0  }
0xae: {  	s7 =	sshll.u32 s28, $0x1;
	[dreg:$0x2] =	wrdreg s5  }
0xaf: {  	[dreg:$0x3] =	wrdreg s7  }
0xb0: {  	[dreg:$0x4] =	wrdreg $0xC0  }
0xb1: {  	_ =	task [dreg:s9], $0x5FFFF  }
0xb2: {  	[dreg:$0x1] =	wrdreg $0xFFFFFFFF  }
0xb3: {  	[dreg:$0x0] =	wrdreg $0x60  }
0xb4: {  	[dreg:$0x2] =	wrdreg s24  }
0xb5: {  	[dreg:$0x3] =	wrdreg s15  }
0xb6: {  	[dreg:$0x4] =	wrdreg s16  }
0xb7: {  	[dreg:$0x5] =	wrdreg s17  }
0xb8: {  	[dreg:$0x6] =	wrdreg $0x9  }
0xb9: {  	_ =	task.clear_ibuf [dreg:s9], $0x7FFFF;
	_ =	strace $0x90000046  }
0xba: {  	s29 =	simm.s32 $0x9;
	_ =	strace $0x80000048  }
0xbb: {  	_ =	swait.ge [sflag:s29], $0x1  }
0xbc: {  	[sflag:s29] =	ssyncadd.s32 $0xFFFFFFFF  }
0xbd: {  	_ =	strace $0x90000048  }
0xbe: {  	_ =	sfence  }
0xbf: {  	s30 =	sld [smem:$0x0];
	_ =	sdelay $0x2  }
0xc0: {  	s31 =	sshll.u32 s1, $0xD;
	s1 =	sshrl.u32 s1, $0x2  }
0xc1: {  	s3 =	sand.u32 $0x4000, s31;
	s1 =	sadd.s32 s1, s30  }
0xc2: {  	s0 =	sor.u32 s3, s0;
	s1 =	sshll.u32 s1, $0x11  }
0xc3: {  	s0 =	sor.u32 s1, s0  }
0xc4: {  	s0 =	sadd.s32 $0x8F2B, s0  }
0xc5: {  	[sflag:s0] =	ssyncadd.remote.s32 $0x1  }
0xc6: {  	_ =	sfence.sel $0xFFFF  }
0xc7: {  	[dreg:$0x0] =	wrdreg $0xFFFFFFFF;
	(pc) =	sbr.abs _section_cstart, $3  }
0xc8: {  	[dreg:$0x1] =	wrdreg $0xFFFFFFFF  }
0xc9: {  	_ =	task.clear_ibuf [dreg:s9], $0x2FFFF;
	_ =	strace $0x9FFFFFFF  }
0xca: {  	(tm) =	ssettm $0x7FFFFFFF  }
0xcb: {  	_ =	shalt  }
tec
execute0_lowered:
.L_overlay_start_1:
0x0: {  	(tag) =	ssettag $0x1  }
0x1: {  	s5 =	rddreg [dreg:$0x0]  }
0x2: {  	s1 =	rddreg [dreg:$0x1]  }
0x3: {  	s11 =	rddreg [dreg:$0x2]  }
0x4: {  	s2 =	rddreg [dreg:$0x3]  }
0x5: {  	s0 =	rddreg [dreg:$0x4]  }
0x6: {  	s3 =	simm.s32 $0x0;
	s4 =	srdreg.scid;
	s15 =	simm.s32 $0x80  }
0x7: {  	s16 =	simm.s32 $0x100;
	s17 =	simm.s32 $0x1000;
	s18 =	simm.s32 $0x4E80  }
0x8: {  	s19 =	simm.s32 $0x4F80;
	s20 =	simm.s32 $0x5080;
	s21 =	simm.s32 $0x0  }
0x9: {  	[smem:$0x7FF] =	sst s3;
	s6 =	sand.u32 $0x1, s4;
	s10 =	sadd.s32 $0x1C00, s5  }
0xa: {  	s4 =	stileid.u32;
	s12 =	sadd.s32 $0x2400, s5;
	_ =	strace $0x80000047  }
0xb: {  	s7 =	ssub.s32 $0x2, s6;
	s9 =	sshll.u32 s4, $0x6;
	s6 =	sshll.u32 s6, $0x5  }
.Ltmp0:
0xc: {  	p0 =	sgt.u32 s4, $0x8;
	s8 =	sshrl.u32 s7, $0x1;
	(pc) =	sbr.rel .LBB2_1-.Ltmp0, $4  }
0xd: {  	s5 =	sor.u32 s6, s9;
	s6 =	sadd.s32 $0x10, s2;
	s13 =	ssub.s32 s7, s8  }
0xe: {  	v0 =	vlaneseq.u32;
	s7 =	sadd.s32 s10, s5;
	s14 =	sor.u32 $0x400, s5;
	s8 =	sadd.s32 s11, s5  }
0xf: {  	v1 =	vor.u32 $0x60, v0;
	v2 =	vor.u32 $0x50, v0;
	v3 =	vor.u32 $0x40, v0;
	s9 =	sadd.s32 s12, s5;
	s10 =	sadd.s32 s10, s14;
	s11 =	sadd.s32 s11, s14  }
0x10: {  	v4 =	vor.u32 $0x30, v0;
	v5 =	vor.u32 $0x20, v0;
	v6 =	vor.u32 $0x10, v0;
	s12 =	sadd.s32 s12, s14;
	s13 =	smax.u32 s13, $0x1;
	s14 =	simm.s32 $0x1  }
.LBB2_17:
0x11: {  	s21 =	sadd.s32 $0x1, s21  }
0x12: {  	p1 =	sne.s32 s21, s13  }
.Ltmp1:
0x13: {  	_ = 	snop;
	(pc) =	sbr.rel @!p1 .LBB2_18-.Ltmp1, $1  }
0x14: {  	_ =	sdelay $0x3  }
.LBB2_1:
0x15: {  	[tilespmem:s3], [sflag:$0x1] =	stream.linear.gather [hbm4b:s1+s3], $0x1000, $0x38;
	[tilespmem:$0x5180] =	vst v63  }
0x16: {  	_ =	swait.ge [sflag:s14], $0x1000  }
0x17: {  	[sflag:s14] =	ssyncset.done $0x0  }
0x18: {  	s22 =	simm.s32 $0x0;
	[sflag:s14] =	ssyncadd.s32 $0xFFFFF000  }
.LBB2_2:
0x19: {  	s23 =	simm.s32 $0x0  }
0x1a: {  	s24 =	sand.u32 $0x3C00, s23  }
0x1b: {  	s23 =	sand.u32 $0x70, s23;
	s24 =	sshrl.u32 s24, $0x2  }
0x1c: {  	s23 =	sor.u32 s23, s24  }
0x1d: {  	s25 =	sshll.u32 s22, $0x3;
	v15 =	vld [tilespmem:s23+$0x0]  }
0x1e: {  	s23 =	sadd.s32 s5, s25  }
0x1f: {  	s25 =	smul.u32 $0x64, s23;
	_ =	sdelay $0x1  }
0x20: {  	v7 =	vmov s25;
	s26 =	sadd.s32 $0x64, s25  }
0x21: {  	s24 =	simm.s32 $0x2F40;
	v8 =	vmov s26;
	s26 =	sadd.s32 $0xC8, s25;
	v10 =	vadd.s32 v7, v15  }
0x22: {  	s30 =	sadd.s32 $0x12C, s25;
	v9 =	vmov s26;
	v11 =	vadd.s32 v8, v15;
	[tilespmem:s24+$0xFFFFE0C0] =	vst v10  }
0x23: {  	s31 =	sadd.s32 $0x190, s25;
	v10 =	vmov s30;
	v12 =	vadd.s32 v9, v15;
	[tilespmem:s24+$0xFFFFE890] =	vst v11  }
0x24: {  	v11 =	vmov s31;
	s30 =	sadd.s32 $0x1F4, s25;
	v13 =	vadd.s32 v10, v15;
	[tilespmem:s24+$0xFFFFF060] =	vst v12  }
0x25: {  	s31 =	sadd.s32 $0x258, s25;
	s25 =	sadd.s32 $0x2BC, s25;
	v12 =	vmov s30;
	v16 =	vadd.s32 v11, v15;
	[tilespmem:s24+$0xFFFFF830] =	vst v13  }
0x26: {  	v14 =	vmov s31;
	v13 =	vmov s25;
	v17 =	vadd.s32 v12, v15;
	[tilespmem:s24+$0x0] =	vst v16;
	s25 =	simm.s32 $0x80  }
0x27: {  	s28 =	simm.s32 $0x10;
	s26 =	simm.s32 $0x20;
	v16 =	vadd.s32 v14, v15;
	v15 =	vadd.s32 v13, v15;
	s29 =	sand.u32 $0x3C00, s25;
	[tilespmem:s24+$0x7D0] =	vst v17  }
.LBB2_3:
0x28: {  	p1 =	sne.s32 s26, $0x7C0;
	s28 =	sand.u32 $0x70, s28;
	s29 =	sshrl.u32 s29, $0x2;
	[tilespmem:s24+$0xFA0] =	vst v16  }
0x29: {  	s29 =	sor.u32 s28, s29;
	[tilespmem:s24+$0x1770] =	vst v15;
	s28 =	smov.u32 s26  }
0x2a: {  	v15 =	vld [tilespmem:s29+$0x0];
	_ =	sdelay $0x4  }
0x2b: {  	s24 =	sadd.s32 $0x10, s24;
	v16 =	vadd.s32 v7, v15;
	v17 =	vadd.s32 v8, v15;
	v18 =	vadd.s32 v9, v15  }
0x2c: {  	v19 =	vadd.s32 v10, v15;
	v20 =	vadd.s32 v11, v15;
	v21 =	vadd.s32 v12, v15;
	[tilespmem:s24+$0xFFFFE0C0] =	vst v16  }
.Ltmp2:
0x2d: {  	v16 =	vadd.s32 v14, v15;
	v15 =	vadd.s32 v13, v15;
	[tilespmem:s24+$0xFFFFE890] =	vst v17;
	(pc) =	sbr.rel @p1 .LBB2_3-.Ltmp2, $4  }
0x2e: {  	[tilespmem:s24+$0xFFFFF060] =	vst v18  }
0x2f: {  	[tilespmem:s24+$0xFFFFF830] =	vst v19  }
0x30: {  	s25 =	sadd.s32 $0x80, s25;
	[tilespmem:s24+$0x0] =	vst v20  }
0x31: {  	s26 =	sadd.s32 $0x10, s26;
	s29 =	sand.u32 $0x3C00, s25;
	[tilespmem:s24+$0x7D0] =	vst v21  }
0x32: {  	s25 =	sand.u32 $0x70, s28;
	s26 =	sshrl.u32 s29, $0x2;
	[tilespmem:s24+$0xFA0] =	vst v16  }
0x33: {  	[tilespmem:s24+$0x1770] =	vst v15;
	s25 =	sor.u32 s25, s26  }
0x34: {  	v15 =	vld [tilespmem:s25+$0x0];
	_ =	sdelay $0x4  }
0x35: {  	s25 =	sadd.s32 $0x10, s24;
	v16 =	vadd.s32 v7, v15  }
0x36: {  	v17 =	vadd.s32 v8, v15;
	[tilespmem:s25+$0xFFFFE0C0] =	vst v16  }
0x37: {  	v16 =	vadd.s32 v9, v15;
	[tilespmem:s25+$0xFFFFE890] =	vst v17  }
0x38: {  	v17 =	vadd.s32 v10, v15;
	[tilespmem:s25+$0xFFFFF060] =	vst v16  }
0x39: {  	v16 =	vadd.s32 v11, v15;
	[tilespmem:s25+$0xFFFFF830] =	vst v17  }
0x3a: {  	v17 =	vadd.s32 v12, v15;
	[tilespmem:s25+$0x0] =	vst v16  }
0x3b: {  	s23 =	smul.u32 $0x1F4, s23;
	v16 =	vadd.s32 v14, v15;
	[tilespmem:s25+$0x7D0] =	vst v17  }
0x3c: {  	v15 =	vadd.s32 v13, v15;
	[tilespmem:s25+$0xFA0] =	vst v16  }
0x3d: {  	s30 =	simm.s32 $0x0;
	s26 =	sadd.s32 s2, s23;
	[tilespmem:s25+$0x1770] =	vst v15  }
0x3e: {  	[hbm4b:s26+s15] =	stream.strided.scatter [tilespmem:s17], [sflag:$0x1], $0x3E80, s16, s15, $0x38;
	[tilespmem:$0x5180] =	vst v63  }
0x3f: {  	s31 =	sand.u32 $0x3C00, s30;
	_ =	swait.ge [sflag:s14], $0x3E80  }
0x40: {  	s24 =	sand.u32 $0x70, s30;
	s25 =	sshrl.u32 s31, $0x2;
	[sflag:s14] =	ssyncset.done $0x0  }
0x41: {  	s24 =	sor.u32 s24, s25;
	[sflag:s14] =	ssyncadd.s32 $0xFFFFC180  }
0x42: {  	v15 =	vld [tilespmem:s24+$0x80];
	_ =	sdelay $0x4  }
0x43: {  	s24 =	simm.s32 $0x2F40;
	v16 =	vadd.s32 v7, v15  }
0x44: {  	v17 =	vadd.s32 v8, v15;
	[tilespmem:s24+$0xFFFFE0C0] =	vst v16  }
0x45: {  	v16 =	vadd.s32 v9, v15;
	[tilespmem:s24+$0xFFFFE890] =	vst v17  }
0x46: {  	v17 =	vadd.s32 v10, v15;
	[tilespmem:s24+$0xFFFFF060] =	vst v16  }
0x47: {  	v16 =	vadd.s32 v11, v15;
	[tilespmem:s24+$0xFFFFF830] =	vst v17  }
0x48: {  	s25 =	simm.s32 $0x80;
	v17 =	vadd.s32 v12, v15;
	[tilespmem:s24+$0x0] =	vst v16  }
0x49: {  	s28 =	simm.s32 $0x10;
	s26 =	simm.s32 $0x20;
	s29 =	sand.u32 $0x3C00, s25;
	v16 =	vadd.s32 v14, v15;
	v15 =	vadd.s32 v13, v15;
	[tilespmem:s24+$0x7D0] =	vst v17  }
.LBB2_5:
0x4a: {  	p1 =	sne.s32 s26, $0x7C0;
	s28 =	sand.u32 $0x70, s28;
	s29 =	sshrl.u32 s29, $0x2;
	[tilespmem:s24+$0xFA0] =	vst v16  }
0x4b: {  	s29 =	sor.u32 s28, s29;
	[tilespmem:s24+$0x1770] =	vst v15;
	s28 =	smov.u32 s26  }
0x4c: {  	v15 =	vld [tilespmem:s29+$0x80];
	_ =	sdelay $0x4  }
0x4d: {  	s24 =	sadd.s32 $0x10, s24;
	v16 =	vadd.s32 v7, v15;
	v17 =	vadd.s32 v8, v15;
	v18 =	vadd.s32 v9, v15  }
0x4e: {  	v19 =	vadd.s32 v10, v15;
	v20 =	vadd.s32 v11, v15;
	v21 =	vadd.s32 v12, v15;
	[tilespmem:s24+$0xFFFFE0C0] =	vst v16  }
.Ltmp3:
0x4f: {  	v16 =	vadd.s32 v14, v15;
	v15 =	vadd.s32 v13, v15;
	[tilespmem:s24+$0xFFFFE890] =	vst v17;
	(pc) =	sbr.rel @p1 .LBB2_5-.Ltmp3, $4  }
0x50: {  	[tilespmem:s24+$0xFFFFF060] =	vst v18  }
0x51: {  	[tilespmem:s24+$0xFFFFF830] =	vst v19  }
0x52: {  	s25 =	sadd.s32 $0x80, s25;
	[tilespmem:s24+$0x0] =	vst v20  }
0x53: {  	s26 =	sadd.s32 $0x10, s26;
	s29 =	sand.u32 $0x3C00, s25;
	[tilespmem:s24+$0x7D0] =	vst v21  }
0x54: {  	s25 =	sand.u32 $0x70, s28;
	s26 =	sshrl.u32 s29, $0x2;
	[tilespmem:s24+$0xFA0] =	vst v16  }
0x55: {  	[tilespmem:s24+$0x1770] =	vst v15;
	s25 =	sor.u32 s25, s26  }
0x56: {  	v15 =	vld [tilespmem:s25+$0x80];
	_ =	sdelay $0x4  }
0x57: {  	s31 =	sadd.s32 $0x10, s24;
	v7 =	vadd.s32 v7, v15  }
0x58: {  	v8 =	vadd.s32 v8, v15;
	[tilespmem:s31+$0xFFFFE0C0] =	vst v7  }
0x59: {  	v7 =	vadd.s32 v9, v15;
	[tilespmem:s31+$0xFFFFE890] =	vst v8  }
0x5a: {  	v8 =	vadd.s32 v10, v15;
	[tilespmem:s31+$0xFFFFF060] =	vst v7  }
0x5b: {  	v7 =	vadd.s32 v11, v15;
	[tilespmem:s31+$0xFFFFF830] =	vst v8  }
0x5c: {  	v8 =	vadd.s32 v12, v15;
	[tilespmem:s31+$0x0] =	vst v7  }
0x5d: {  	s22 =	sadd.s32 $0x1, s22;
	v7 =	vadd.s32 v14, v15;
	[tilespmem:s31+$0x7D0] =	vst v8  }
0x5e: {  	p1 =	sne.s32 s22, $0x4;
	v8 =	vadd.s32 v13, v15;
	[tilespmem:s31+$0xFA0] =	vst v7  }
.Ltmp4:
0x5f: {  	s23 =	sadd.s32 s23, s6;
	[tilespmem:s31+$0x1770] =	vst v8;
	(pc) =	sbr.rel @p1 .LBB2_2-.Ltmp4, $4  }
0x60: {  	[hbm4b:s23+s15] =	stream.strided.scatter [tilespmem:s17], [sflag:$0x1], $0x3E80, s16, s15, $0x38;
	[tilespmem:$0x5180] =	vst v63  }
0x61: {  	_ =	swait.ge [sflag:s14], $0x3E80  }
0x62: {  	[sflag:s14] =	ssyncset.done $0x0  }
0x63: {  	[sflag:s14] =	ssyncadd.s32 $0xFFFFC180  }
0x64: {  	s22 =	simm.s32 $0x0  }
0x65: {  	[tilespmem:s18], [sflag:$0x1] =	stream.linear.gather [hbm4b:s7+s22], $0x100, $0x38;
	[tilespmem:$0x5180] =	vst v63  }
0x66: {  	_ =	swait.ge [sflag:s14], $0x100  }
0x67: {  	[sflag:s14] =	ssyncset.done $0x0  }
0x68: {  	[sflag:s14] =	ssyncadd.s32 $0xFFFFFF00  }
0x69: {  	v13 =	vld [tilespmem:$0x4E80]  }
0x6a: {  	v12 =	vld [tilespmem:$0x4E90]  }
0x6b: {  	v11 =	vld [tilespmem:$0x4EA0]  }
0x6c: {  	v10 =	vld [tilespmem:$0x4EB0]  }
0x6d: {  	v9 =	vld [tilespmem:$0x4EC0]  }
0x6e: {  	v8 =	vld [tilespmem:$0x4ED0]  }
0x6f: {  	v7 =	vld [tilespmem:$0x4EE0];
	v14 =	vmax.f32 v13, v12  }
0x70: {  	v14 =	vmax.f32 v14, v11  }
0x71: {  	v14 =	vmax.f32 v14, v10  }
0x72: {  	v14 =	vmax.f32 v14, v9  }
0x73: {  	v14 =	vmax.f32 v14, v8  }
0x74: {  	v14 =	vmax.f32 v14, v7  }
0x75: {  	(v2sf) =	vpush v14, $0x0  }
0x76: {  	(v2sf) =	vpush v14, $0x1  }
0x77: {  	(v2sf) =	vpush v14, $0x2  }
0x78: {  	(v2sf) =	vpush v14, $0x3  }
0x79: {  	(v2sf) =	vpush v14, $0x4  }
0x7a: {  	(v2sf) =	vpush v14, $0x5  }
0x7b: {  	(v2sf) =	vpush v14, $0x6  }
0x7c: {  	(v2sf) =	vpush v14, $0x7  }
0x7d: {  	(v2sf) =	vpush v14, $0x8  }
0x7e: {  	(v2sf) =	vpush v14, $0x9  }
0x7f: {  	(v2sf) =	vpush v14, $0xA  }
0x80: {  	(v2sf) =	vpush v14, $0xB  }
0x81: {  	(v2sf) =	vpush v14, $0xC  }
0x82: {  	(v2sf) =	vpush v14, $0xD  }
0x83: {  	(v2sf) =	vpush v14, $0xE  }
0x84: {  	s23 =	spop (v2sf);
	(v2sf) =	vpush v14, $0xF  }
0x85: {  	s24 =	spop (v2sf)  }
0x86: {  	s23 =	smax.f32 s23, s24;
	s30 =	spop (v2sf)  }
0x87: {  	s23 =	smax.f32 s23, s30;
	s31 =	spop (v2sf)  }
0x88: {  	s23 =	smax.f32 s23, s31;
	s25 =	spop (v2sf)  }
0x89: {  	s23 =	smax.f32 s23, s25;
	s26 =	spop (v2sf)  }
0x8a: {  	s23 =	smax.f32 s23, s26;
	s28 =	spop (v2sf)  }
0x8b: {  	s23 =	smax.f32 s23, s28;
	s29 =	spop (v2sf)  }
0x8c: {  	s23 =	smax.f32 s23, s29;
	s30 =	spop (v2sf)  }
0x8d: {  	s23 =	smax.f32 s23, s30;
	s31 =	spop (v2sf)  }
0x8e: {  	s23 =	smax.f32 s23, s31;
	s25 =	spop (v2sf)  }
0x8f: {  	s23 =	smax.f32 s23, s25;
	s26 =	spop (v2sf)  }
0x90: {  	s23 =	smax.f32 s23, s26;
	s28 =	spop (v2sf)  }
0x91: {  	s23 =	smax.f32 s23, s28;
	s29 =	spop (v2sf)  }
0x92: {  	s23 =	smax.f32 s23, s29;
	s30 =	spop (v2sf)  }
0x93: {  	s23 =	smax.f32 s23, s30;
	s31 =	spop (v2sf)  }
0x94: {  	s23 =	smax.f32 s23, s31  }
0x95: {  	vm0 =	veq.f32 v7, s23  }
0x96: {  	vm1 =	veq.f32 v8, s23;
	v14 =	vnsel vm0, $0x270F, v1  }
0x97: {  	vm11 =	veq.f32 v9, s23;
	v14 =	vsel vm1, v2, v14  }
0x98: {  	vm12 =	veq.f32 v10, s23;
	v14 =	vsel vm11, v3, v14  }
0x99: {  	vm13 =	veq.f32 v11, s23;
	v14 =	vsel vm12, v4, v14  }
0x9a: {  	vm14 =	veq.f32 v12, s23;
	v14 =	vsel vm13, v5, v14  }
0x9b: {  	vm15 =	veq.f32 v13, s23;
	v14 =	vsel vm14, v6, v14  }
0x9c: {  	v14 =	vsel vm15, v0, v14  }
0x9d: {  	(v2sf) =	vpush v14, $0x0;
	_ =	sdelay $0x1  }
0x9e: {  	(v2sf) =	vpush v14, $0x1;
	_ =	sdelay $0x1  }
0x9f: {  	(v2sf) =	vpush v14, $0x2;
	_ =	sdelay $0x1  }
0xa0: {  	(v2sf) =	vpush v14, $0x3;
	_ =	sdelay $0x1  }
0xa1: {  	(v2sf) =	vpush v14, $0x4;
	_ =	sdelay $0x1  }
0xa2: {  	(v2sf) =	vpush v14, $0x5;
	_ =	sdelay $0x1  }
0xa3: {  	(v2sf) =	vpush v14, $0x6  }
0xa4: {  	(v2sf) =	vpush v14, $0x7  }
0xa5: {  	(v2sf) =	vpush v14, $0x8  }
0xa6: {  	s23 =	spop (v2sf);
	(v2sf) =	vpush v14, $0x9;
	_ =	sdelay $0x1  }
0xa7: {  	s24 =	spop (v2sf)  }
0xa8: {  	p1 =	slt.s32 s23, s24  }
0xa9: {  	(v2sf) =	vpush v14, $0xA;
	s25 =	spop (v2sf);
	s24 =	smov.u32 @p1 s23  }
0xaa: {  	p1 =	slt.s32 s24, s25  }
0xab: {  	s23 =	spop (v2sf);
	s25 =	smov.u32 @p1 s24  }
0xac: {  	p1 =	slt.s32 s25, s23  }
0xad: {  	s24 =	spop (v2sf);
	s23 =	smov.u32 @p1 s25  }
0xae: {  	p1 =	slt.s32 s23, s24  }
0xaf: {  	s25 =	spop (v2sf);
	s24 =	smov.u32 @p1 s23  }
0xb0: {  	p1 =	slt.s32 s24, s25  }
0xb1: {  	s23 =	spop (v2sf);
	s25 =	smov.u32 @p1 s24  }
0xb2: {  	s24 =	spop (v2sf);
	p1 =	slt.s32 s25, s23  }
0xb3: {  	(v2sf) =	vpush v14, $0xB;
	s23 =	smov.u32 @p1 s25;
	s25 =	spop (v2sf)  }
0xb4: {  	s26 =	spop (v2sf);
	(v2sf) =	vpush v14, $0xC  }
0xb5: {  	p1 =	slt.s32 s23, s24  }
0xb6: {  	s24 =	smov.u32 @p1 s23;
	(v2sf) =	vpush v14, $0xD  }
0xb7: {  	p1 =	slt.s32 s24, s25  }
0xb8: {  	s25 =	smov.u32 @p1 s24;
	s24 =	spop (v2sf);
	(v2sf) =	vpush v14, $0xE;
	_ =	sdelay $0x1  }
0xb9: {  	(v2sf) =	vpush v14, $0xF;
	_ =	sdelay $0x4  }
0xba: {  	p1 =	slt.s32 s25, s26  }
0xbb: {  	s26 =	smov.u32 @p1 s25  }
0xbc: {  	v21 =	vimm.s32 $0x0;
	v22 =	vimm.s32 $0x0;
	v29 =	vmovc v13;
	v27 =	vmov v12;
	p1 =	slt.s32 s26, s24  }
0xbd: {  	v28 =	vmovc v9;
	v26 =	vmovc v11;
	v25 =	vmov v10;
	v24 =	vmov v8;
	v23 =	vmov v7;
	s23 =	simm.s32 $0x1;
	s25 =	spop (v2sf);
	s24 =	smov.u32 @p1 s26  }
.LBB2_8:
0xbe: {  	p1 =	sne.s32 s23, $0x13;
	p2 =	slt.s32 s24, s25;
	s26 =	spop (v2sf)  }
0xbf: {  	s25 =	smov.u32 @p2 s24;
	s24 =	smov.u32 s23;
	s23 =	sadd.s32 $0x1, s23  }
0xc0: {  	p2 =	slt.s32 s25, s26;
	s28 =	spop (v2sf)  }
0xc1: {  	s26 =	smov.u32 @p2 s25  }
0xc2: {  	p2 =	slt.s32 s26, s28;
	s25 =	spop (v2sf)  }
0xc3: {  	s28 =	smov.u32 @p2 s26  }
0xc4: {  	p2 =	slt.s32 s28, s25;
	s26 =	spop (v2sf)  }
0xc5: {  	s25 =	smov.u32 @p2 s28;
	s28 =	sadd.s32 $0xFFFFFFFC, s22  }
0xc6: {  	v14 =	vmov s22;
	s22 =	smov.u32 s24;
	p2 =	slt.s32 s25, s26;
	v15 =	vmov s28  }
0xc7: {  	vm0 =	veq.s32 v14, v0;
	s26 =	smov.u32 @p2 s25;
	vm1 =	veq.s32 v15, v0  }
0xc8: {  	v14 =	vmov s26;
	v21 =	vsel vm0, s26, v21;
	v22 =	vsel vm1, s26, v22  }
0xc9: {  	vm0 =	veq.s32 v14, v0;
	vm1 =	veq.s32 v14, v6;
	vm2 =	veq.s32 v14, v4  }
0xca: {  	v29 =	vsel vm0, $0xBF800000, v29;
	v27 =	vsel vm1, $0xBF800000, v27;
	vm0 =	veq.s32 v14, v3  }
0xcb: {  	vm1 =	veq.s32 v14, v5;
	v28 =	vsel vm0, $0xBF800000, v28;
	vm0 =	veq.s32 v14, v2  }
0xcc: {  	v25 =	vsel vm2, $0xBF800000, v25;
	v15 =	vmax.f32 v29, v27;
	v26 =	vsel vm1, $0xBF800000, v26  }
0xcd: {  	v15 =	vmax.f32 v15, v26;
	v24 =	vsel vm0, $0xBF800000, v24;
	vm0 =	veq.s32 v14, v1  }
0xce: {  	v14 =	vmax.f32 v15, v25;
	v23 =	vsel vm0, $0xBF800000, v23  }
0xcf: {  	v14 =	vmax.f32 v14, v28  }
0xd0: {  	v14 =	vmax.f32 v14, v24  }
0xd1: {  	v14 =	vmax.f32 v14, v23  }
0xd2: {  	(v2sf) =	vpush v14, $0x0  }
0xd3: {  	(v2sf) =	vpush v14, $0x1  }
0xd4: {  	(v2sf) =	vpush v14, $0x2  }
0xd5: {  	(v2sf) =	vpush v14, $0x3  }
0xd6: {  	(v2sf) =	vpush v14, $0x4  }
0xd7: {  	(v2sf) =	vpush v14, $0x5  }
0xd8: {  	(v2sf) =	vpush v14, $0x6  }
0xd9: {  	(v2sf) =	vpush v14, $0x7  }
0xda: {  	(v2sf) =	vpush v14, $0x8  }
0xdb: {  	(v2sf) =	vpush v14, $0x9  }
0xdc: {  	(v2sf) =	vpush v14, $0xA  }
0xdd: {  	(v2sf) =	vpush v14, $0xB  }
0xde: {  	(v2sf) =	vpush v14, $0xC  }
0xdf: {  	(v2sf) =	vpush v14, $0xD  }
0xe0: {  	(v2sf) =	vpush v14, $0xE  }
0xe1: {  	s24 =	spop (v2sf);
	(v2sf) =	vpush v14, $0xF  }
0xe2: {  	s25 =	spop (v2sf)  }
0xe3: {  	s24 =	smax.f32 s24, s25;
	s25 =	spop (v2sf)  }
0xe4: {  	s24 =	smax.f32 s24, s25;
	s25 =	spop (v2sf)  }
0xe5: {  	s24 =	smax.f32 s24, s25;
	s25 =	spop (v2sf)  }
0xe6: {  	s24 =	smax.f32 s24, s25;
	s25 =	spop (v2sf)  }
0xe7: {  	s24 =	smax.f32 s24, s25;
	s25 =	spop (v2sf)  }
0xe8: {  	s24 =	smax.f32 s24, s25;
	s25 =	spop (v2sf)  }
0xe9: {  	s24 =	smax.f32 s24, s25;
	s25 =	spop (v2sf)  }
0xea: {  	s24 =	smax.f32 s24, s25;
	s25 =	spop (v2sf)  }
0xeb: {  	s24 =	smax.f32 s24, s25;
	s25 =	spop (v2sf)  }
0xec: {  	s24 =	smax.f32 s24, s25;
	s25 =	spop (v2sf)  }
0xed: {  	s24 =	smax.f32 s24, s25;
	s25 =	spop (v2sf)  }
0xee: {  	s24 =	smax.f32 s24, s25;
	s25 =	spop (v2sf)  }
0xef: {  	s24 =	smax.f32 s24, s25;
	s25 =	spop (v2sf)  }
0xf0: {  	s24 =	smax.f32 s24, s25;
	s25 =	spop (v2sf)  }
0xf1: {  	s24 =	smax.f32 s24, s25  }
0xf2: {  	vm0 =	veq.f32 v23, s24  }
0xf3: {  	vm1 =	veq.f32 v24, s24;
	v14 =	vnsel vm0, $0x270F, v1  }
0xf4: {  	vm0 =	veq.f32 v28, s24;
	v14 =	vsel vm1, v2, v14  }
0xf5: {  	vm1 =	veq.f32 v25, s24;
	v14 =	vsel vm0, v3, v14  }
0xf6: {  	vm0 =	veq.f32 v26, s24;
	v14 =	vsel vm1, v4, v14  }
0xf7: {  	vm1 =	veq.f32 v27, s24;
	v14 =	vsel vm0, v5, v14  }
0xf8: {  	vm0 =	veq.f32 v29, s24;
	v14 =	vsel vm1, v6, v14  }
0xf9: {  	v14 =	vsel vm0, v0, v14  }
0xfa: {  	(v2sf) =	vpush v14, $0x0  }
0xfb: {  	(v2sf) =	vpush v14, $0x1  }
0xfc: {  	(v2sf) =	vpush v14, $0x2;
	_ =	sdelay $0x1  }
0xfd: {  	(v2sf) =	vpush v14, $0x3;
	_ =	sdelay $0x1  }
0xfe: {  	(v2sf) =	vpush v14, $0x4;
	_ =	sdelay $0x1  }
0xff: {  	(v2sf) =	vpush v14, $0x5;
	_ =	sdelay $0x1  }
0x100: {  	(v2sf) =	vpush v14, $0x6;
	_ =	sdelay $0x1  }
0x101: {  	(v2sf) =	vpush v14, $0x7;
	_ =	sdelay $0x1  }
0x102: {  	(v2sf) =	vpush v14, $0x8  }
0x103: {  	s24 =	spop (v2sf)  }
0x104: {  	s25 =	spop (v2sf);
	(v2sf) =	vpush v14, $0x9  }
0x105: {  	p2 =	slt.s32 s24, s25;
	s26 =	spop (v2sf)  }
0x106: {  	s25 =	smov.u32 @p2 s24;
	(v2sf) =	vpush v14, $0xA  }
0x107: {  	p2 =	slt.s32 s25, s26;
	s24 =	spop (v2sf)  }
0x108: {  	s26 =	smov.u32 @p2 s25;
	(v2sf) =	vpush v14, $0xB  }
0x109: {  	p2 =	slt.s32 s26, s24;
	s25 =	spop (v2sf)  }
0x10a: {  	s24 =	smov.u32 @p2 s26;
	(v2sf) =	vpush v14, $0xC  }
0x10b: {  	p2 =	slt.s32 s24, s25;
	s26 =	spop (v2sf)  }
0x10c: {  	s25 =	smov.u32 @p2 s24;
	(v2sf) =	vpush v14, $0xD  }
0x10d: {  	p2 =	slt.s32 s25, s26;
	s24 =	spop (v2sf)  }
0x10e: {  	s26 =	smov.u32 @p2 s25;
	(v2sf) =	vpush v14, $0xE  }
0x10f: {  	p2 =	slt.s32 s26, s24;
	s25 =	spop (v2sf)  }
0x110: {  	s24 =	smov.u32 @p2 s26;
	(v2sf) =	vpush v14, $0xF  }
0x111: {  	p2 =	slt.s32 s24, s25;
	s26 =	spop (v2sf)  }
0x112: {  	s25 =	smov.u32 @p2 s24  }
0x113: {  	p2 =	slt.s32 s25, s26;
	s28 =	spop (v2sf)  }
.Ltmp5:
0x114: {  	s26 =	smov.u32 @p2 s25;
	(pc) =	sbr.rel @p1 .LBB2_8-.Ltmp5, $4  }
0x115: {  	p2 =	slt.s32 s26, s28;
	s24 =	spop (v2sf)  }
0x116: {  	s28 =	smov.u32 @p2 s26  }
0x117: {  	p2 =	slt.s32 s28, s24;
	s25 =	spop (v2sf)  }
0x118: {  	s24 =	smov.u32 @p2 s28  }
0x119: {  	v20 =	vld [tilespmem:$0x4F00]  }
0x11a: {  	v19 =	vld [tilespmem:$0x4F10]  }
0x11b: {  	v18 =	vld [tilespmem:$0x4F20]  }
0x11c: {  	v17 =	vld [tilespmem:$0x4F30]  }
0x11d: {  	v16 =	vld [tilespmem:$0x4F40]  }
0x11e: {  	v15 =	vld [tilespmem:$0x4F50]  }
0x11f: {  	v14 =	vld [tilespmem:$0x4F60];
	v30 =	vmax.f32 v20, v19  }
0x120: {  	v30 =	vmax.f32 v30, v18  }
0x121: {  	v30 =	vmax.f32 v30, v17  }
0x122: {  	v30 =	vmax.f32 v30, v16  }
0x123: {  	v30 =	vmax.f32 v30, v15  }
0x124: {  	v30 =	vmax.f32 v30, v14  }
0x125: {  	(v2sf) =	vpush v30, $0x0  }
0x126: {  	(v2sf) =	vpush v30, $0x1  }
0x127: {  	(v2sf) =	vpush v30, $0x2  }
0x128: {  	(v2sf) =	vpush v30, $0x3  }
0x129: {  	(v2sf) =	vpush v30, $0x4  }
0x12a: {  	(v2sf) =	vpush v30, $0x5  }
0x12b: {  	(v2sf) =	vpush v30, $0x6  }
0x12c: {  	(v2sf) =	vpush v30, $0x7  }
0x12d: {  	(v2sf) =	vpush v30, $0x8  }
0x12e: {  	(v2sf) =	vpush v30, $0x9  }
0x12f: {  	(v2sf) =	vpush v30, $0xA  }
0x130: {  	s29 =	spop (v2sf);
	(v2sf) =	vpush v30, $0xB  }
0x131: {  	s28 =	spop (v2sf);
	(v2sf) =	vpush v30, $0xC  }
0x132: {  	s26 =	spop (v2sf);
	(v2sf) =	vpush v30, $0xD  }
0x133: {  	s23 =	spop (v2sf);
	(v2sf) =	vpush v30, $0xE  }
0x134: {  	s30 =	spop (v2sf);
	(v2sf) =	vpush v30, $0xF  }
0x135: {  	s31 =	spop (v2sf)  }
0x136: {  	s30 =	smax.f32 s30, s31;
	s31 =	spop (v2sf)  }
0x137: {  	s30 =	smax.f32 s30, s31;
	s31 =	spop (v2sf)  }
0x138: {  	s30 =	smax.f32 s30, s31;
	s31 =	spop (v2sf)  }
0x139: {  	s30 =	smax.f32 s30, s31;
	s31 =	spop (v2sf)  }
0x13a: {  	s30 =	smax.f32 s30, s31;
	s31 =	spop (v2sf)  }
0x13b: {  	s30 =	smax.f32 s30, s31;
	s31 =	spop (v2sf)  }
0x13c: {  	s30 =	smax.f32 s30, s31;
	s31 =	spop (v2sf)  }
0x13d: {  	s30 =	smax.f32 s30, s31;
	s31 =	spop (v2sf)  }
0x13e: {  	s30 =	smax.f32 s30, s31;
	s31 =	spop (v2sf)  }
0x13f: {  	s30 =	smax.f32 s30, s31;
	s31 =	spop (v2sf)  }
0x140: {  	s30 =	smax.f32 s30, s31;
	s31 =	spop (v2sf)  }
0x141: {  	s30 =	smax.f32 s30, s31;
	s31 =	spop (v2sf)  }
0x142: {  	s30 =	smax.f32 s30, s31;
	s31 =	spop (v2sf)  }
0x143: {  	s30 =	smax.f32 s30, s31;
	s31 =	spop (v2sf)  }
0x144: {  	s30 =	smax.f32 s30, s31  }
0x145: {  	vm0 =	veq.f32 v14, s30  }
0x146: {  	vm1 =	veq.f32 v15, s30;
	v63 =	vnsel vm0, $0x270F, v1  }
0x147: {  	vm9 =	veq.f32 v16, s30;
	v30 =	vsel vm1, v2, v63  }
0x148: {  	vm10 =	veq.f32 v17, s30;
	v30 =	vsel vm9, v3, v30  }
0x149: {  	vm11 =	veq.f32 v18, s30;
	v30 =	vsel vm10, v4, v30  }
0x14a: {  	vm12 =	veq.f32 v19, s30;
	v30 =	vsel vm11, v5, v30  }
0x14b: {  	vm13 =	veq.f32 v20, s30;
	v30 =	vsel vm12, v6, v30  }
0x14c: {  	v30 =	vsel vm13, v0, v30  }
0x14d: {  	(v2sf) =	vpush v30, $0x0  }
0x14e: {  	(v2sf) =	vpush v30, $0x1;
	_ =	sdelay $0x1  }
0x14f: {  	(v2sf) =	vpush v30, $0x2;
	_ =	sdelay $0x1  }
0x150: {  	(v2sf) =	vpush v30, $0x3;
	_ =	sdelay $0x1  }
0x151: {  	(v2sf) =	vpush v30, $0x4;
	_ =	sdelay $0x1  }
0x152: {  	(v2sf) =	vpush v30, $0x5  }
0x153: {  	p1 =	slt.s32 s24, s25  }
0x154: {  	s25 =	smov.u32 @p1 s24;
	(v2sf) =	vpush v30, $0x6  }
0x155: {  	p1 =	slt.s32 s25, s29  }
0x156: {  	s29 =	smov.u32 @p1 s25;
	(v2sf) =	vpush v30, $0x7  }
0x157: {  	p1 =	slt.s32 s29, s28;
	(v2sf) =	vpush v30, $0x8  }
0x158: {  	s28 =	smov.u32 @p1 s29;
	s24 =	spop (v2sf);
	(v2sf) =	vpush v30, $0x9  }
0x159: {  	p1 =	slt.s32 s28, s26;
	s25 =	spop (v2sf)  }
0x15a: {  	s26 =	smov.u32 @p1 s28;
	(v2sf) =	vpush v30, $0xA;
	p1 =	slt.s32 s24, s25  }
0x15b: {  	s25 =	smov.u32 @p1 s24;
	p1 =	slt.s32 s26, s23;
	s24 =	spop (v2sf)  }
0x15c: {  	s23 =	smov.u32 @p1 s26;
	p1 =	slt.s32 s25, s24  }
0x15d: {  	s26 =	spop (v2sf);
	s24 =	smov.u32 @p1 s25  }
0x15e: {  	p1 =	slt.s32 s24, s26  }
0x15f: {  	s25 =	spop (v2sf);
	s26 =	smov.u32 @p1 s24  }
0x160: {  	p1 =	slt.s32 s26, s25  }
0x161: {  	s24 =	spop (v2sf);
	s25 =	smov.u32 @p1 s26  }
0x162: {  	p1 =	slt.s32 s25, s24  }
0x163: {  	s26 =	spop (v2sf);
	s24 =	smov.u32 @p1 s25  }
0x164: {  	(v2sf) =	vpush v30, $0xB;
	v31 =	vmov s23;
	p1 =	slt.s32 s24, s26  }
0x165: {  	(v2sf) =	vpush v30, $0xC;
	vm14 =	veq.s32 v31, v0;
	s25 =	spop (v2sf);
	s26 =	smov.u32 @p1 s24  }
0x166: {  	vm15 =	veq.s32 v31, v6;
	vm2 =	veq.s32 v31, v3;
	vm4 =	veq.s32 v31, v5;
	s28 =	spop (v2sf);
	p1 =	slt.s32 s26, s25  }
0x167: {  	vm6 =	veq.s32 v31, v4;
	vm7 =	veq.s32 v31, v2;
	s25 =	smov.u32 @p1 s26;
	s26 =	spop (v2sf);
	(v2sf) =	vpush v30, $0xD  }
0x168: {  	vm8 =	veq.s32 v31, v1;
	v29 =	vsel vm14, $0xBF800000, v29;
	v27 =	vsel vm15, $0xBF800000, v27  }
0x169: {  	v26 =	vsel vm4, $0xBF800000, v26;
	vm0 =	vlt.f32 v29, $0.0e+00;
	s24 =	spop (v2sf);
	(v2sf) =	vpush v30, $0xE  }
0x16a: {  	v25 =	vsel vm6, $0xBF800000, v25;
	vm5 =	vlt.f32 v27, $0.0e+00;
	v13 =	vnsel vm0, $0x0, v13  }
0x16b: {  	vm9 =	vlt.f32 v26, $0.0e+00;
	v12 =	vnsel vm5, $0x0, v12;
	[tilespmem:$0x4F80] =	vst v13;
	(v2sf) =	vpush v30, $0xF  }
0x16c: {  	v28 =	vsel vm2, $0xBF800000, v28;
	vm10 =	vlt.f32 v25, $0.0e+00;
	v11 =	vnsel vm9, $0x0, v11;
	[tilespmem:$0x4F90] =	vst v12  }
0x16d: {  	vm11 =	vlt.f32 v28, $0.0e+00;
	v10 =	vnsel vm10, $0x0, v10;
	v12 =	vsel vm7, $0xBF800000, v24;
	[tilespmem:$0x4FA0] =	vst v11  }
0x16e: {  	v9 =	vnsel vm11, $0x0, v9;
	v13 =	vsel vm8, $0xBF800000, v23;
	[tilespmem:$0x4FB0] =	vst v10;
	vm12 =	vlt.f32 v12, $0.0e+00;
	p1 =	slt.s32 s25, s28  }
0x16f: {  	s31 =	sadd.s32 $0xFFFFFFFC, s22;
	v11 =	vmov s22;
	[tilespmem:$0x4FC0] =	vst v9;
	vm13 =	vlt.f32 v13, $0.0e+00;
	v8 =	vnsel vm12, $0x0, v8;
	s28 =	smov.u32 @p1 s25  }
0x170: {  	v10 =	vmov s31;
	vm14 =	veq.s32 v11, v0;
	v7 =	vnsel vm13, $0x0, v7;
	[tilespmem:$0x4FD0] =	vst v8;
	p1 =	slt.s32 s28, s26  }
0x171: {  	vm15 =	veq.s32 v10, v0;
	v8 =	vsel vm14, s23, v21;
	[tilespmem:$0x4FE0] =	vst v7;
	s26 =	smov.u32 @p1 s28  }
0x172: {  	s22 =	simm.s32 $0x0;
	v9 =	vmovc v14;
	v7 =	vsel vm15, s23, v22;
	v21 =	vmovc v20;
	v22 =	vmov v19;
	v12 =	vmov v16;
	[tilespmem:$0x5080] =	vst v8;
	p1 =	slt.s32 s26, s24  }
0x173: {  	s23 =	simm.s32 $0x1;
	v13 =	vmovc v18;
	v11 =	vmovc v17;
	v10 =	vmov v15;
	v8 =	vimm.s32 $0x0;
	[tilespmem:$0x5084] =	vst v7;
	v7 =	vimm.s32 $0x0;
	s25 =	spop (v2sf);
	s24 =	smov.u32 @p1 s26  }
.LBB2_10:
0x174: {  	p1 =	sne.s32 s23, $0x13;
	p2 =	slt.s32 s24, s25;
	s26 =	spop (v2sf)  }
0x175: {  	s25 =	smov.u32 @p2 s24;
	s24 =	smov.u32 s23;
	s23 =	sadd.s32 $0x1, s23  }
0x176: {  	p2 =	slt.s32 s25, s26;
	s28 =	spop (v2sf)  }
0x177: {  	s26 =	smov.u32 @p2 s25  }
0x178: {  	p2 =	slt.s32 s26, s28;
	s25 =	spop (v2sf)  }
0x179: {  	s28 =	smov.u32 @p2 s26  }
0x17a: {  	p2 =	slt.s32 s28, s25;
	s26 =	spop (v2sf)  }
0x17b: {  	s25 =	smov.u32 @p2 s28;
	s28 =	sadd.s32 $0xFFFFFFFC, s22  }
0x17c: {  	v23 =	vmov s22;
	s22 =	smov.u32 s24;
	p2 =	slt.s32 s25, s26;
	v24 =	vmov s28  }
0x17d: {  	vm0 =	veq.s32 v23, v0;
	s26 =	smov.u32 @p2 s25;
	vm1 =	veq.s32 v24, v0  }
0x17e: {  	v23 =	vmov s26;
	v7 =	vsel vm0, s26, v7;
	v8 =	vsel vm1, s26, v8  }
0x17f: {  	vm0 =	veq.s32 v23, v0;
	vm1 =	veq.s32 v23, v6;
	vm2 =	veq.s32 v23, v4  }
0x180: {  	v21 =	vsel vm0, $0xBF800000, v21;
	v22 =	vsel vm1, $0xBF800000, v22;
	vm0 =	veq.s32 v23, v3  }
0x181: {  	vm1 =	veq.s32 v23, v5;
	v12 =	vsel vm0, $0xBF800000, v12;
	vm0 =	veq.s32 v23, v2  }
0x182: {  	v11 =	vsel vm2, $0xBF800000, v11;
	v24 =	vmax.f32 v21, v22;
	v13 =	vsel vm1, $0xBF800000, v13  }
0x183: {  	v24 =	vmax.f32 v24, v13;
	v10 =	vsel vm0, $0xBF800000, v10;
	vm0 =	veq.s32 v23, v1  }
0x184: {  	v23 =	vmax.f32 v24, v11;
	v9 =	vsel vm0, $0xBF800000, v9  }
0x185: {  	v23 =	vmax.f32 v23, v12  }
0x186: {  	v23 =	vmax.f32 v23, v10  }
0x187: {  	v23 =	vmax.f32 v23, v9  }
0x188: {  	(v2sf) =	vpush v23, $0x0  }
0x189: {  	(v2sf) =	vpush v23, $0x1  }
0x18a: {  	(v2sf) =	vpush v23, $0x2  }
0x18b: {  	(v2sf) =	vpush v23, $0x3  }
0x18c: {  	(v2sf) =	vpush v23, $0x4  }
0x18d: {  	(v2sf) =	vpush v23, $0x5  }
0x18e: {  	(v2sf) =	vpush v23, $0x6  }
0x18f: {  	(v2sf) =	vpush v23, $0x7  }
0x190: {  	(v2sf) =	vpush v23, $0x8  }
0x191: {  	(v2sf) =	vpush v23, $0x9  }
0x192: {  	(v2sf) =	vpush v23, $0xA  }
0x193: {  	(v2sf) =	vpush v23, $0xB  }
0x194: {  	(v2sf) =	vpush v23, $0xC  }
0x195: {  	(v2sf) =	vpush v23, $0xD  }
0x196: {  	(v2sf) =	vpush v23, $0xE  }
0x197: {  	s24 =	spop (v2sf);
	(v2sf) =	vpush v23, $0xF  }
0x198: {  	s25 =	spop (v2sf)  }
0x199: {  	s24 =	smax.f32 s24, s25;
	s25 =	spop (v2sf)  }
0x19a: {  	s24 =	smax.f32 s24, s25;
	s25 =	spop (v2sf)  }
0x19b: {  	s24 =	smax.f32 s24, s25;
	s25 =	spop (v2sf)  }
0x19c: {  	s24 =	smax.f32 s24, s25;
	s25 =	spop (v2sf)  }
0x19d: {  	s24 =	smax.f32 s24, s25;
	s25 =	spop (v2sf)  }
0x19e: {  	s24 =	smax.f32 s24, s25;
	s25 =	spop (v2sf)  }
0x19f: {  	s24 =	smax.f32 s24, s25;
	s25 =	spop (v2sf)  }
0x1a0: {  	s24 =	smax.f32 s24, s25;
	s25 =	spop (v2sf)  }
0x1a1: {  	s24 =	smax.f32 s24, s25;
	s25 =	spop (v2sf)  }
0x1a2: {  	s24 =	smax.f32 s24, s25;
	s25 =	spop (v2sf)  }
0x1a3: {  	s24 =	smax.f32 s24, s25;
	s25 =	spop (v2sf)  }
0x1a4: {  	s24 =	smax.f32 s24, s25;
	s25 =	spop (v2sf)  }
0x1a5: {  	s24 =	smax.f32 s24, s25;
	s25 =	spop (v2sf)  }
0x1a6: {  	s24 =	smax.f32 s24, s25;
	s25 =	spop (v2sf)  }
0x1a7: {  	s24 =	smax.f32 s24, s25  }
0x1a8: {  	vm0 =	veq.f32 v9, s24  }
0x1a9: {  	vm1 =	veq.f32 v10, s24;
	v23 =	vnsel vm0, $0x270F, v1  }
0x1aa: {  	vm0 =	veq.f32 v12, s24;
	v23 =	vsel vm1, v2, v23  }
0x1ab: {  	vm1 =	veq.f32 v11, s24;
	v23 =	vsel vm0, v3, v23  }
0x1ac: {  	vm0 =	veq.f32 v13, s24;
	v23 =	vsel vm1, v4, v23  }
0x1ad: {  	vm1 =	veq.f32 v22, s24;
	v23 =	vsel vm0, v5, v23  }
0x1ae: {  	vm0 =	veq.f32 v21, s24;
	v23 =	vsel vm1, v6, v23  }
0x1af: {  	v23 =	vsel vm0, v0, v23  }
0x1b0: {  	(v2sf) =	vpush v23, $0x0  }
0x1b1: {  	(v2sf) =	vpush v23, $0x1  }
0x1b2: {  	(v2sf) =	vpush v23, $0x2;
	_ =	sdelay $0x1  }
0x1b3: {  	(v2sf) =	vpush v23, $0x3;
	_ =	sdelay $0x1  }
0x1b4: {  	(v2sf) =	vpush v23, $0x4;
	_ =	sdelay $0x1  }
0x1b5: {  	(v2sf) =	vpush v23, $0x5;
	_ =	sdelay $0x1  }
0x1b6: {  	(v2sf) =	vpush v23, $0x6;
	_ =	sdelay $0x1  }
0x1b7: {  	(v2sf) =	vpush v23, $0x7;
	_ =	sdelay $0x1  }
0x1b8: {  	(v2sf) =	vpush v23, $0x8  }
0x1b9: {  	s24 =	spop (v2sf)  }
0x1ba: {  	s25 =	spop (v2sf);
	(v2sf) =	vpush v23, $0x9  }
0x1bb: {  	p2 =	slt.s32 s24, s25;
	s26 =	spop (v2sf)  }
0x1bc: {  	s25 =	smov.u32 @p2 s24;
	(v2sf) =	vpush v23, $0xA  }
0x1bd: {  	p2 =	slt.s32 s25, s26;
	s24 =	spop (v2sf)  }
0x1be: {  	s26 =	smov.u32 @p2 s25;
	(v2sf) =	vpush v23, $0xB  }
0x1bf: {  	p2 =	slt.s32 s26, s24;
	s25 =	spop (v2sf)  }
0x1c0: {  	s24 =	smov.u32 @p2 s26;
	(v2sf) =	vpush v23, $0xC  }
0x1c1: {  	p2 =	slt.s32 s24, s25;
	s26 =	spop (v2sf)  }
0x1c2: {  	s25 =	smov.u32 @p2 s24;
	(v2sf) =	vpush v23, $0xD  }
0x1c3: {  	p2 =	slt.s32 s25, s26;
	s24 =	spop (v2sf)  }
0x1c4: {  	s26 =	smov.u32 @p2 s25;
	(v2sf) =	vpush v23, $0xE  }
0x1c5: {  	p2 =	slt.s32 s26, s24;
	s25 =	spop (v2sf)  }
0x1c6: {  	s24 =	smov.u32 @p2 s26;
	(v2sf) =	vpush v23, $0xF  }
0x1c7: {  	p2 =	slt.s32 s24, s25;
	s26 =	spop (v2sf)  }
0x1c8: {  	s25 =	smov.u32 @p2 s24  }
0x1c9: {  	p2 =	slt.s32 s25, s26;
	s28 =	spop (v2sf)  }
.Ltmp6:
0x1ca: {  	s26 =	smov.u32 @p2 s25;
	(pc) =	sbr.rel @p1 .LBB2_10-.Ltmp6, $4  }
0x1cb: {  	p2 =	slt.s32 s26, s28;
	s24 =	spop (v2sf)  }
0x1cc: {  	s28 =	smov.u32 @p2 s26  }
0x1cd: {  	p2 =	slt.s32 s28, s24;
	s25 =	spop (v2sf)  }
0x1ce: {  	s24 =	smov.u32 @p2 s28  }
0x1cf: {  	p1 =	slt.s32 s24, s25  }
0x1d0: {  	s23 =	spop (v2sf);
	s25 =	smov.u32 @p1 s24  }
0x1d1: {  	p1 =	slt.s32 s25, s23  }
0x1d2: {  	s24 =	spop (v2sf);
	s23 =	smov.u32 @p1 s25  }
0x1d3: {  	p1 =	slt.s32 s23, s24  }
0x1d4: {  	s25 =	spop (v2sf);
	s24 =	smov.u32 @p1 s23  }
0x1d5: {  	p1 =	slt.s32 s24, s25  }
0x1d6: {  	s23 =	spop (v2sf);
	s25 =	smov.u32 @p1 s24  }
0x1d7: {  	v60 =	vmov s22;
	p1 =	slt.s32 s25, s23  }
0x1d8: {  	s31 =	sadd.s32 $0xFFFFFFFC, s22;
	vm14 =	veq.s32 v60, v0;
	s23 =	smov.u32 @p1 s25  }
0x1d9: {  	v62 =	vmov s31;
	v23 =	vmov s23;
	v7 =	vsel vm14, s23, v7  }
0x1da: {  	vm0 =	veq.s32 v23, v0;
	vm1 =	veq.s32 v23, v6;
	vm2 =	veq.s32 v23, v4  }
0x1db: {  	vm15 =	veq.s32 v23, v3;
	vm4 =	veq.s32 v23, v5;
	vm6 =	veq.s32 v23, v2  }
0x1dc: {  	v21 =	vsel vm0, $0xBF800000, v21;
	v12 =	vsel vm15, $0xBF800000, v12;
	vm15 =	veq.s32 v62, v0  }
0x1dd: {  	[tilespmem:$0x5100] =	vst v7;
	v22 =	vsel vm1, $0xBF800000, v22;
	vm5 =	vlt.f32 v21, $0.0e+00;
	v8 =	vsel vm15, s23, v8  }
0x1de: {  	v13 =	vsel vm4, $0xBF800000, v13;
	vm7 =	vlt.f32 v22, $0.0e+00;
	v20 =	vnsel vm5, $0x0, v20;
	[tilespmem:$0x5104] =	vst v8  }
0x1df: {  	v11 =	vsel vm2, $0xBF800000, v11;
	vm8 =	vlt.f32 v13, $0.0e+00;
	v19 =	vnsel vm7, $0x0, v19;
	[tilespmem:$0x5000] =	vst v20  }
0x1e0: {  	vm10 =	veq.s32 v23, v1;
	vm9 =	vlt.f32 v11, $0.0e+00;
	v13 =	vnsel vm8, $0x0, v18;
	[tilespmem:$0x5010] =	vst v19  }
0x1e1: {  	v10 =	vsel vm6, $0xBF800000, v10;
	vm11 =	vlt.f32 v12, $0.0e+00;
	v11 =	vnsel vm9, $0x0, v17;
	[tilespmem:$0x5020] =	vst v13  }
0x1e2: {  	v9 =	vsel vm10, $0xBF800000, v9;
	vm12 =	vlt.f32 v10, $0.0e+00;
	v59 =	vnsel vm11, $0x0, v16;
	[tilespmem:$0x5030] =	vst v11  }
0x1e3: {  	vm13 =	vlt.f32 v9, $0.0e+00;
	v61 =	vnsel vm12, $0x0, v15;
	[tilespmem:$0x5040] =	vst v59  }
0x1e4: {  	v63 =	vnsel vm13, $0x0, v14;
	[tilespmem:$0x5050] =	vst v61  }
0x1e5: {  	[tilespmem:$0x5060] =	vst v63  }
0x1e6: {  	[hbm4b:s8+s3] =	stream.linear.scatter [tilespmem:s19], [sflag:$0x1], $0x100, $0x38;
	[tilespmem:$0x5180] =	vst v63  }
0x1e7: {  	_ =	swait.ge [sflag:s14], $0x100  }
0x1e8: {  	[sflag:s14] =	ssyncset.done $0x0  }
.Ltmp7:
0x1e9: {  	[sflag:s14] =	ssyncadd.s32 $0xFFFFFF00;
	(pc) =	sbr.rel @p0 .LBB2_17-.Ltmp7, $4  }
0x1ea: {  	[hbm4b:s9+s3] =	stream.linear.scatter [tilespmem:s20], [sflag:$0x1], $0x100, $0x38;
	[tilespmem:$0x5180] =	vst v63  }
0x1eb: {  	_ =	swait.ge [sflag:s14], $0x100  }
0x1ec: {  	[sflag:s14] =	ssyncset.done $0x0  }
0x1ed: {  	[sflag:s14] =	ssyncadd.s32 $0xFFFFFF00  }
0x1ee: {  	s22 =	simm.s32 $0x0  }
0x1ef: {  	[tilespmem:s18], [sflag:$0x1] =	stream.linear.gather [hbm4b:s10+s22], $0x100, $0x38;
	[tilespmem:$0x5180] =	vst v63  }
0x1f0: {  	_ =	swait.ge [sflag:s14], $0x100  }
0x1f1: {  	[sflag:s14] =	ssyncset.done $0x0  }
0x1f2: {  	[sflag:s14] =	ssyncadd.s32 $0xFFFFFF00  }
0x1f3: {  	v13 =	vld [tilespmem:$0x4E80]  }
0x1f4: {  	v12 =	vld [tilespmem:$0x4E90]  }
0x1f5: {  	v11 =	vld [tilespmem:$0x4EA0]  }
0x1f6: {  	v10 =	vld [tilespmem:$0x4EB0]  }
0x1f7: {  	v9 =	vld [tilespmem:$0x4EC0]  }
0x1f8: {  	v8 =	vld [tilespmem:$0x4ED0]  }
0x1f9: {  	v7 =	vld [tilespmem:$0x4EE0];
	v14 =	vmax.f32 v13, v12  }
0x1fa: {  	v14 =	vmax.f32 v14, v11  }
0x1fb: {  	v14 =	vmax.f32 v14, v10  }
0x1fc: {  	v14 =	vmax.f32 v14, v9  }
0x1fd: {  	v14 =	vmax.f32 v14, v8  }
0x1fe: {  	v14 =	vmax.f32 v14, v7  }
0x1ff: {  	(v2sf) =	vpush v14, $0x0  }
0x200: {  	(v2sf) =	vpush v14, $0x1  }
0x201: {  	(v2sf) =	vpush v14, $0x2  }
0x202: {  	(v2sf) =	vpush v14, $0x3  }
0x203: {  	(v2sf) =	vpush v14, $0x4  }
0x204: {  	(v2sf) =	vpush v14, $0x5  }
0x205: {  	(v2sf) =	vpush v14, $0x6  }
0x206: {  	(v2sf) =	vpush v14, $0x7  }
0x207: {  	(v2sf) =	vpush v14, $0x8  }
0x208: {  	(v2sf) =	vpush v14, $0x9  }
0x209: {  	(v2sf) =	vpush v14, $0xA  }
0x20a: {  	(v2sf) =	vpush v14, $0xB  }
0x20b: {  	(v2sf) =	vpush v14, $0xC  }
0x20c: {  	(v2sf) =	vpush v14, $0xD  }
0x20d: {  	(v2sf) =	vpush v14, $0xE  }
0x20e: {  	s23 =	spop (v2sf);
	(v2sf) =	vpush v14, $0xF  }
0x20f: {  	s24 =	spop (v2sf)  }
0x210: {  	s23 =	smax.f32 s23, s24;
	s30 =	spop (v2sf)  }
0x211: {  	s23 =	smax.f32 s23, s30;
	s31 =	spop (v2sf)  }
0x212: {  	s23 =	smax.f32 s23, s31;
	s25 =	spop (v2sf)  }
0x213: {  	s23 =	smax.f32 s23, s25;
	s26 =	spop (v2sf)  }
0x214: {  	s23 =	smax.f32 s23, s26;
	s28 =	spop (v2sf)  }
0x215: {  	s23 =	smax.f32 s23, s28;
	s29 =	spop (v2sf)  }
0x216: {  	s23 =	smax.f32 s23, s29;
	s30 =	spop (v2sf)  }
0x217: {  	s23 =	smax.f32 s23, s30;
	s31 =	spop (v2sf)  }
0x218: {  	s23 =	smax.f32 s23, s31;
	s25 =	spop (v2sf)  }
0x219: {  	s23 =	smax.f32 s23, s25;
	s26 =	spop (v2sf)  }
0x21a: {  	s23 =	smax.f32 s23, s26;
	s28 =	spop (v2sf)  }
0x21b: {  	s23 =	smax.f32 s23, s28;
	s29 =	spop (v2sf)  }
0x21c: {  	s23 =	smax.f32 s23, s29;
	s30 =	spop (v2sf)  }
0x21d: {  	s23 =	smax.f32 s23, s30;
	s31 =	spop (v2sf)  }
0x21e: {  	s23 =	smax.f32 s23, s31  }
0x21f: {  	vm0 =	veq.f32 v7, s23  }
0x220: {  	vm1 =	veq.f32 v8, s23;
	v14 =	vnsel vm0, $0x270F, v1  }
0x221: {  	vm11 =	veq.f32 v9, s23;
	v14 =	vsel vm1, v2, v14  }
0x222: {  	vm12 =	veq.f32 v10, s23;
	v14 =	vsel vm11, v3, v14  }
0x223: {  	vm13 =	veq.f32 v11, s23;
	v14 =	vsel vm12, v4, v14  }
0x224: {  	vm14 =	veq.f32 v12, s23;
	v14 =	vsel vm13, v5, v14  }
0x225: {  	vm15 =	veq.f32 v13, s23;
	v14 =	vsel vm14, v6, v14  }
0x226: {  	v14 =	vsel vm15, v0, v14  }
0x227: {  	(v2sf) =	vpush v14, $0x0;
	_ =	sdelay $0x1  }
0x228: {  	(v2sf) =	vpush v14, $0x1;
	_ =	sdelay $0x1  }
0x229: {  	(v2sf) =	vpush v14, $0x2;
	_ =	sdelay $0x1  }
0x22a: {  	(v2sf) =	vpush v14, $0x3;
	_ =	sdelay $0x1  }
0x22b: {  	(v2sf) =	vpush v14, $0x4;
	_ =	sdelay $0x1  }
0x22c: {  	(v2sf) =	vpush v14, $0x5;
	_ =	sdelay $0x1  }
0x22d: {  	(v2sf) =	vpush v14, $0x6  }
0x22e: {  	(v2sf) =	vpush v14, $0x7  }
0x22f: {  	(v2sf) =	vpush v14, $0x8  }
0x230: {  	s23 =	spop (v2sf);
	(v2sf) =	vpush v14, $0x9;
	_ =	sdelay $0x1  }
0x231: {  	s24 =	spop (v2sf)  }
0x232: {  	p1 =	slt.s32 s23, s24  }
0x233: {  	(v2sf) =	vpush v14, $0xA;
	s25 =	spop (v2sf);
	s24 =	smov.u32 @p1 s23  }
0x234: {  	p1 =	slt.s32 s24, s25  }
0x235: {  	s23 =	spop (v2sf);
	s25 =	smov.u32 @p1 s24  }
0x236: {  	p1 =	slt.s32 s25, s23  }
0x237: {  	s24 =	spop (v2sf);
	s23 =	smov.u32 @p1 s25  }
0x238: {  	p1 =	slt.s32 s23, s24  }
0x239: {  	s25 =	spop (v2sf);
	s24 =	smov.u32 @p1 s23  }
0x23a: {  	p1 =	slt.s32 s24, s25  }
0x23b: {  	s23 =	spop (v2sf);
	s25 =	smov.u32 @p1 s24  }
0x23c: {  	s24 =	spop (v2sf);
	p1 =	slt.s32 s25, s23  }
0x23d: {  	(v2sf) =	vpush v14, $0xB;
	s23 =	smov.u32 @p1 s25;
	s25 =	spop (v2sf)  }
0x23e: {  	s26 =	spop (v2sf);
	(v2sf) =	vpush v14, $0xC  }
0x23f: {  	p1 =	slt.s32 s23, s24  }
0x240: {  	s24 =	smov.u32 @p1 s23;
	(v2sf) =	vpush v14, $0xD  }
0x241: {  	p1 =	slt.s32 s24, s25  }
0x242: {  	s25 =	smov.u32 @p1 s24;
	s24 =	spop (v2sf);
	(v2sf) =	vpush v14, $0xE;
	_ =	sdelay $0x1  }
0x243: {  	(v2sf) =	vpush v14, $0xF;
	_ =	sdelay $0x4  }
0x244: {  	p1 =	slt.s32 s25, s26  }
0x245: {  	s26 =	smov.u32 @p1 s25  }
0x246: {  	v21 =	vimm.s32 $0x0;
	v22 =	vimm.s32 $0x0;
	v29 =	vmovc v13;
	v27 =	vmov v12;
	p1 =	slt.s32 s26, s24  }
0x247: {  	v28 =	vmovc v9;
	v26 =	vmovc v11;
	v25 =	vmov v10;
	v24 =	vmov v8;
	v23 =	vmov v7;
	s23 =	simm.s32 $0x1;
	s25 =	spop (v2sf);
	s24 =	smov.u32 @p1 s26  }
.LBB2_13:
0x248: {  	p1 =	sne.s32 s23, $0x13;
	p2 =	slt.s32 s24, s25;
	s26 =	spop (v2sf)  }
0x249: {  	s25 =	smov.u32 @p2 s24;
	s24 =	smov.u32 s23;
	s23 =	sadd.s32 $0x1, s23  }
0x24a: {  	p2 =	slt.s32 s25, s26;
	s28 =	spop (v2sf)  }
0x24b: {  	s26 =	smov.u32 @p2 s25  }
0x24c: {  	p2 =	slt.s32 s26, s28;
	s25 =	spop (v2sf)  }
0x24d: {  	s28 =	smov.u32 @p2 s26  }
0x24e: {  	p2 =	slt.s32 s28, s25;
	s26 =	spop (v2sf)  }
0x24f: {  	s25 =	smov.u32 @p2 s28;
	s28 =	sadd.s32 $0xFFFFFFFC, s22  }
0x250: {  	v14 =	vmov s22;
	s22 =	smov.u32 s24;
	p2 =	slt.s32 s25, s26;
	v15 =	vmov s28  }
0x251: {  	vm0 =	veq.s32 v14, v0;
	s26 =	smov.u32 @p2 s25;
	vm1 =	veq.s32 v15, v0  }
0x252: {  	v14 =	vmov s26;
	v21 =	vsel vm0, s26, v21;
	v22 =	vsel vm1, s26, v22  }
0x253: {  	vm0 =	veq.s32 v14, v0;
	vm1 =	veq.s32 v14, v6;
	vm2 =	veq.s32 v14, v4  }
0x254: {  	v29 =	vsel vm0, $0xBF800000, v29;
	v27 =	vsel vm1, $0xBF800000, v27;
	vm0 =	veq.s32 v14, v3  }
0x255: {  	vm1 =	veq.s32 v14, v5;
	v28 =	vsel vm0, $0xBF800000, v28;
	vm0 =	veq.s32 v14, v2  }
0x256: {  	v25 =	vsel vm2, $0xBF800000, v25;
	v15 =	vmax.f32 v29, v27;
	v26 =	vsel vm1, $0xBF800000, v26  }
0x257: {  	v15 =	vmax.f32 v15, v26;
	v24 =	vsel vm0, $0xBF800000, v24;
	vm0 =	veq.s32 v14, v1  }
0x258: {  	v14 =	vmax.f32 v15, v25;
	v23 =	vsel vm0, $0xBF800000, v23  }
0x259: {  	v14 =	vmax.f32 v14, v28  }
0x25a: {  	v14 =	vmax.f32 v14, v24  }
0x25b: {  	v14 =	vmax.f32 v14, v23  }
0x25c: {  	(v2sf) =	vpush v14, $0x0  }
0x25d: {  	(v2sf) =	vpush v14, $0x1  }
0x25e: {  	(v2sf) =	vpush v14, $0x2  }
0x25f: {  	(v2sf) =	vpush v14, $0x3  }
0x260: {  	(v2sf) =	vpush v14, $0x4  }
0x261: {  	(v2sf) =	vpush v14, $0x5  }
0x262: {  	(v2sf) =	vpush v14, $0x6  }
0x263: {  	(v2sf) =	vpush v14, $0x7  }
0x264: {  	(v2sf) =	vpush v14, $0x8  }
0x265: {  	(v2sf) =	vpush v14, $0x9  }
0x266: {  	(v2sf) =	vpush v14, $0xA  }
0x267: {  	(v2sf) =	vpush v14, $0xB  }
0x268: {  	(v2sf) =	vpush v14, $0xC  }
0x269: {  	(v2sf) =	vpush v14, $0xD  }
0x26a: {  	(v2sf) =	vpush v14, $0xE  }
0x26b: {  	s24 =	spop (v2sf);
	(v2sf) =	vpush v14, $0xF  }
0x26c: {  	s25 =	spop (v2sf)  }
0x26d: {  	s24 =	smax.f32 s24, s25;
	s25 =	spop (v2sf)  }
0x26e: {  	s24 =	smax.f32 s24, s25;
	s25 =	spop (v2sf)  }
0x26f: {  	s24 =	smax.f32 s24, s25;
	s25 =	spop (v2sf)  }
0x270: {  	s24 =	smax.f32 s24, s25;
	s25 =	spop (v2sf)  }
0x271: {  	s24 =	smax.f32 s24, s25;
	s25 =	spop (v2sf)  }
0x272: {  	s24 =	smax.f32 s24, s25;
	s25 =	spop (v2sf)  }
0x273: {  	s24 =	smax.f32 s24, s25;
	s25 =	spop (v2sf)  }
0x274: {  	s24 =	smax.f32 s24, s25;
	s25 =	spop (v2sf)  }
0x275: {  	s24 =	smax.f32 s24, s25;
	s25 =	spop (v2sf)  }
0x276: {  	s24 =	smax.f32 s24, s25;
	s25 =	spop (v2sf)  }
0x277: {  	s24 =	smax.f32 s24, s25;
	s25 =	spop (v2sf)  }
0x278: {  	s24 =	smax.f32 s24, s25;
	s25 =	spop (v2sf)  }
0x279: {  	s24 =	smax.f32 s24, s25;
	s25 =	spop (v2sf)  }
0x27a: {  	s24 =	smax.f32 s24, s25;
	s25 =	spop (v2sf)  }
0x27b: {  	s24 =	smax.f32 s24, s25  }
0x27c: {  	vm0 =	veq.f32 v23, s24  }
0x27d: {  	vm1 =	veq.f32 v24, s24;
	v14 =	vnsel vm0, $0x270F, v1  }
0x27e: {  	vm0 =	veq.f32 v28, s24;
	v14 =	vsel vm1, v2, v14  }
0x27f: {  	vm1 =	veq.f32 v25, s24;
	v14 =	vsel vm0, v3, v14  }
0x280: {  	vm0 =	veq.f32 v26, s24;
	v14 =	vsel vm1, v4, v14  }
0x281: {  	vm1 =	veq.f32 v27, s24;
	v14 =	vsel vm0, v5, v14  }
0x282: {  	vm0 =	veq.f32 v29, s24;
	v14 =	vsel vm1, v6, v14  }
0x283: {  	v14 =	vsel vm0, v0, v14  }
0x284: {  	(v2sf) =	vpush v14, $0x0  }
0x285: {  	(v2sf) =	vpush v14, $0x1  }
0x286: {  	(v2sf) =	vpush v14, $0x2;
	_ =	sdelay $0x1  }
0x287: {  	(v2sf) =	vpush v14, $0x3;
	_ =	sdelay $0x1  }
0x288: {  	(v2sf) =	vpush v14, $0x4;
	_ =	sdelay $0x1  }
0x289: {  	(v2sf) =	vpush v14, $0x5;
	_ =	sdelay $0x1  }
0x28a: {  	(v2sf) =	vpush v14, $0x6;
	_ =	sdelay $0x1  }
0x28b: {  	(v2sf) =	vpush v14, $0x7;
	_ =	sdelay $0x1  }
0x28c: {  	(v2sf) =	vpush v14, $0x8  }
0x28d: {  	s24 =	spop (v2sf)  }
0x28e: {  	s25 =	spop (v2sf);
	(v2sf) =	vpush v14, $0x9  }
0x28f: {  	p2 =	slt.s32 s24, s25;
	s26 =	spop (v2sf)  }
0x290: {  	s25 =	smov.u32 @p2 s24;
	(v2sf) =	vpush v14, $0xA  }
0x291: {  	p2 =	slt.s32 s25, s26;
	s24 =	spop (v2sf)  }
0x292: {  	s26 =	smov.u32 @p2 s25;
	(v2sf) =	vpush v14, $0xB  }
0x293: {  	p2 =	slt.s32 s26, s24;
	s25 =	spop (v2sf)  }
0x294: {  	s24 =	smov.u32 @p2 s26;
	(v2sf) =	vpush v14, $0xC  }
0x295: {  	p2 =	slt.s32 s24, s25;
	s26 =	spop (v2sf)  }
0x296: {  	s25 =	smov.u32 @p2 s24;
	(v2sf) =	vpush v14, $0xD  }
0x297: {  	p2 =	slt.s32 s25, s26;
	s24 =	spop (v2sf)  }
0x298: {  	s26 =	smov.u32 @p2 s25;
	(v2sf) =	vpush v14, $0xE  }
0x299: {  	p2 =	slt.s32 s26, s24;
	s25 =	spop (v2sf)  }
0x29a: {  	s24 =	smov.u32 @p2 s26;
	(v2sf) =	vpush v14, $0xF  }
0x29b: {  	p2 =	slt.s32 s24, s25;
	s26 =	spop (v2sf)  }
0x29c: {  	s25 =	smov.u32 @p2 s24  }
0x29d: {  	p2 =	slt.s32 s25, s26;
	s28 =	spop (v2sf)  }
.Ltmp8:
0x29e: {  	s26 =	smov.u32 @p2 s25;
	(pc) =	sbr.rel @p1 .LBB2_13-.Ltmp8, $4  }
0x29f: {  	p2 =	slt.s32 s26, s28;
	s24 =	spop (v2sf)  }
0x2a0: {  	s28 =	smov.u32 @p2 s26  }
0x2a1: {  	p2 =	slt.s32 s28, s24;
	s25 =	spop (v2sf)  }
0x2a2: {  	s24 =	smov.u32 @p2 s28  }
0x2a3: {  	v20 =	vld [tilespmem:$0x4F00]  }
0x2a4: {  	v19 =	vld [tilespmem:$0x4F10]  }
0x2a5: {  	v18 =	vld [tilespmem:$0x4F20]  }
0x2a6: {  	v17 =	vld [tilespmem:$0x4F30]  }
0x2a7: {  	v16 =	vld [tilespmem:$0x4F40]  }
0x2a8: {  	v15 =	vld [tilespmem:$0x4F50]  }
0x2a9: {  	v14 =	vld [tilespmem:$0x4F60];
	v30 =	vmax.f32 v20, v19  }
0x2aa: {  	v30 =	vmax.f32 v30, v18  }
0x2ab: {  	v30 =	vmax.f32 v30, v17  }
0x2ac: {  	v30 =	vmax.f32 v30, v16  }
0x2ad: {  	v30 =	vmax.f32 v30, v15  }
0x2ae: {  	v30 =	vmax.f32 v30, v14  }
0x2af: {  	(v2sf) =	vpush v30, $0x0  }
0x2b0: {  	(v2sf) =	vpush v30, $0x1  }
0x2b1: {  	(v2sf) =	vpush v30, $0x2  }
0x2b2: {  	(v2sf) =	vpush v30, $0x3  }
0x2b3: {  	(v2sf) =	vpush v30, $0x4  }
0x2b4: {  	(v2sf) =	vpush v30, $0x5  }
0x2b5: {  	(v2sf) =	vpush v30, $0x6  }
0x2b6: {  	(v2sf) =	vpush v30, $0x7  }
0x2b7: {  	(v2sf) =	vpush v30, $0x8  }
0x2b8: {  	(v2sf) =	vpush v30, $0x9  }
0x2b9: {  	(v2sf) =	vpush v30, $0xA  }
0x2ba: {  	s29 =	spop (v2sf);
	(v2sf) =	vpush v30, $0xB  }
0x2bb: {  	s28 =	spop (v2sf);
	(v2sf) =	vpush v30, $0xC  }
0x2bc: {  	s26 =	spop (v2sf);
	(v2sf) =	vpush v30, $0xD  }
0x2bd: {  	s23 =	spop (v2sf);
	(v2sf) =	vpush v30, $0xE  }
0x2be: {  	s30 =	spop (v2sf);
	(v2sf) =	vpush v30, $0xF  }
0x2bf: {  	s31 =	spop (v2sf)  }
0x2c0: {  	s30 =	smax.f32 s30, s31;
	s31 =	spop (v2sf)  }
0x2c1: {  	s30 =	smax.f32 s30, s31;
	s31 =	spop (v2sf)  }
0x2c2: {  	s30 =	smax.f32 s30, s31;
	s31 =	spop (v2sf)  }
0x2c3: {  	s30 =	smax.f32 s30, s31;
	s31 =	spop (v2sf)  }
0x2c4: {  	s30 =	smax.f32 s30, s31;
	s31 =	spop (v2sf)  }
0x2c5: {  	s30 =	smax.f32 s30, s31;
	s31 =	spop (v2sf)  }
0x2c6: {  	s30 =	smax.f32 s30, s31;
	s31 =	spop (v2sf)  }
0x2c7: {  	s30 =	smax.f32 s30, s31;
	s31 =	spop (v2sf)  }
0x2c8: {  	s30 =	smax.f32 s30, s31;
	s31 =	spop (v2sf)  }
0x2c9: {  	s30 =	smax.f32 s30, s31;
	s31 =	spop (v2sf)  }
0x2ca: {  	s30 =	smax.f32 s30, s31;
	s31 =	spop (v2sf)  }
0x2cb: {  	s30 =	smax.f32 s30, s31;
	s31 =	spop (v2sf)  }
0x2cc: {  	s30 =	smax.f32 s30, s31;
	s31 =	spop (v2sf)  }
0x2cd: {  	s30 =	smax.f32 s30, s31;
	s31 =	spop (v2sf)  }
0x2ce: {  	s30 =	smax.f32 s30, s31  }
0x2cf: {  	vm0 =	veq.f32 v14, s30  }
0x2d0: {  	vm1 =	veq.f32 v15, s30;
	v63 =	vnsel vm0, $0x270F, v1  }
0x2d1: {  	vm9 =	veq.f32 v16, s30;
	v30 =	vsel vm1, v2, v63  }
0x2d2: {  	vm10 =	veq.f32 v17, s30;
	v30 =	vsel vm9, v3, v30  }
0x2d3: {  	vm11 =	veq.f32 v18, s30;
	v30 =	vsel vm10, v4, v30  }
0x2d4: {  	vm12 =	veq.f32 v19, s30;
	v30 =	vsel vm11, v5, v30  }
0x2d5: {  	vm13 =	veq.f32 v20, s30;
	v30 =	vsel vm12, v6, v30  }
0x2d6: {  	v30 =	vsel vm13, v0, v30  }
0x2d7: {  	(v2sf) =	vpush v30, $0x0  }
0x2d8: {  	(v2sf) =	vpush v30, $0x1;
	_ =	sdelay $0x1  }
0x2d9: {  	(v2sf) =	vpush v30, $0x2;
	_ =	sdelay $0x1  }
0x2da: {  	(v2sf) =	vpush v30, $0x3;
	_ =	sdelay $0x1  }
0x2db: {  	(v2sf) =	vpush v30, $0x4;
	_ =	sdelay $0x1  }
0x2dc: {  	(v2sf) =	vpush v30, $0x5  }
0x2dd: {  	p1 =	slt.s32 s24, s25  }
0x2de: {  	s25 =	smov.u32 @p1 s24;
	(v2sf) =	vpush v30, $0x6  }
0x2df: {  	p1 =	slt.s32 s25, s29  }
0x2e0: {  	s29 =	smov.u32 @p1 s25;
	(v2sf) =	vpush v30, $0x7  }
0x2e1: {  	p1 =	slt.s32 s29, s28;
	(v2sf) =	vpush v30, $0x8  }
0x2e2: {  	s28 =	smov.u32 @p1 s29;
	s24 =	spop (v2sf);
	(v2sf) =	vpush v30, $0x9  }
0x2e3: {  	p1 =	slt.s32 s28, s26;
	s25 =	spop (v2sf)  }
0x2e4: {  	s26 =	smov.u32 @p1 s28;
	(v2sf) =	vpush v30, $0xA;
	p1 =	slt.s32 s24, s25  }
0x2e5: {  	s25 =	smov.u32 @p1 s24;
	p1 =	slt.s32 s26, s23;
	s24 =	spop (v2sf)  }
0x2e6: {  	s23 =	smov.u32 @p1 s26;
	p1 =	slt.s32 s25, s24  }
0x2e7: {  	s26 =	spop (v2sf);
	s24 =	smov.u32 @p1 s25  }
0x2e8: {  	p1 =	slt.s32 s24, s26  }
0x2e9: {  	s25 =	spop (v2sf);
	s26 =	smov.u32 @p1 s24  }
0x2ea: {  	p1 =	slt.s32 s26, s25  }
0x2eb: {  	s24 =	spop (v2sf);
	s25 =	smov.u32 @p1 s26  }
0x2ec: {  	p1 =	slt.s32 s25, s24  }
0x2ed: {  	s26 =	spop (v2sf);
	s24 =	smov.u32 @p1 s25  }
0x2ee: {  	(v2sf) =	vpush v30, $0xB;
	v31 =	vmov s23;
	p1 =	slt.s32 s24, s26  }
0x2ef: {  	(v2sf) =	vpush v30, $0xC;
	vm14 =	veq.s32 v31, v0;
	s25 =	spop (v2sf);
	s26 =	smov.u32 @p1 s24  }
0x2f0: {  	vm15 =	veq.s32 v31, v6;
	vm2 =	veq.s32 v31, v3;
	vm4 =	veq.s32 v31, v5;
	s28 =	spop (v2sf);
	p1 =	slt.s32 s26, s25  }
0x2f1: {  	vm6 =	veq.s32 v31, v4;
	vm7 =	veq.s32 v31, v2;
	s25 =	smov.u32 @p1 s26;
	s26 =	spop (v2sf);
	(v2sf) =	vpush v30, $0xD  }
0x2f2: {  	vm8 =	veq.s32 v31, v1;
	v29 =	vsel vm14, $0xBF800000, v29;
	v27 =	vsel vm15, $0xBF800000, v27  }
0x2f3: {  	v26 =	vsel vm4, $0xBF800000, v26;
	vm0 =	vlt.f32 v29, $0.0e+00;
	s24 =	spop (v2sf);
	(v2sf) =	vpush v30, $0xE  }
0x2f4: {  	v25 =	vsel vm6, $0xBF800000, v25;
	vm5 =	vlt.f32 v27, $0.0e+00;
	v13 =	vnsel vm0, $0x0, v13  }
0x2f5: {  	vm9 =	vlt.f32 v26, $0.0e+00;
	v12 =	vnsel vm5, $0x0, v12;
	[tilespmem:$0x4F80] =	vst v13;
	(v2sf) =	vpush v30, $0xF  }
0x2f6: {  	v28 =	vsel vm2, $0xBF800000, v28;
	vm10 =	vlt.f32 v25, $0.0e+00;
	v11 =	vnsel vm9, $0x0, v11;
	[tilespmem:$0x4F90] =	vst v12  }
0x2f7: {  	vm11 =	vlt.f32 v28, $0.0e+00;
	v10 =	vnsel vm10, $0x0, v10;
	v12 =	vsel vm7, $0xBF800000, v24;
	[tilespmem:$0x4FA0] =	vst v11  }
0x2f8: {  	v9 =	vnsel vm11, $0x0, v9;
	v13 =	vsel vm8, $0xBF800000, v23;
	[tilespmem:$0x4FB0] =	vst v10;
	vm12 =	vlt.f32 v12, $0.0e+00;
	p1 =	slt.s32 s25, s28  }
0x2f9: {  	s31 =	sadd.s32 $0xFFFFFFFC, s22;
	v11 =	vmov s22;
	[tilespmem:$0x4FC0] =	vst v9;
	vm13 =	vlt.f32 v13, $0.0e+00;
	v8 =	vnsel vm12, $0x0, v8;
	s28 =	smov.u32 @p1 s25  }
0x2fa: {  	v10 =	vmov s31;
	vm14 =	veq.s32 v11, v0;
	v7 =	vnsel vm13, $0x0, v7;
	[tilespmem:$0x4FD0] =	vst v8;
	p1 =	slt.s32 s28, s26  }
0x2fb: {  	vm15 =	veq.s32 v10, v0;
	v8 =	vsel vm14, s23, v21;
	[tilespmem:$0x4FE0] =	vst v7;
	s26 =	smov.u32 @p1 s28  }
0x2fc: {  	s22 =	simm.s32 $0x0;
	v9 =	vmovc v14;
	v7 =	vsel vm15, s23, v22;
	v21 =	vmovc v20;
	v22 =	vmov v19;
	v12 =	vmov v16;
	[tilespmem:$0x5080] =	vst v8;
	p1 =	slt.s32 s26, s24  }
0x2fd: {  	s23 =	simm.s32 $0x1;
	v13 =	vmovc v18;
	v11 =	vmovc v17;
	v10 =	vmov v15;
	v8 =	vimm.s32 $0x0;
	[tilespmem:$0x5084] =	vst v7;
	v7 =	vimm.s32 $0x0;
	s25 =	spop (v2sf);
	s24 =	smov.u32 @p1 s26  }
.LBB2_15:
0x2fe: {  	p1 =	sne.s32 s23, $0x13;
	p2 =	slt.s32 s24, s25;
	s26 =	spop (v2sf)  }
0x2ff: {  	s25 =	smov.u32 @p2 s24;
	s24 =	smov.u32 s23;
	s23 =	sadd.s32 $0x1, s23  }
0x300: {  	p2 =	slt.s32 s25, s26;
	s28 =	spop (v2sf)  }
0x301: {  	s26 =	smov.u32 @p2 s25  }
0x302: {  	p2 =	slt.s32 s26, s28;
	s25 =	spop (v2sf)  }
0x303: {  	s28 =	smov.u32 @p2 s26  }
0x304: {  	p2 =	slt.s32 s28, s25;
	s26 =	spop (v2sf)  }
0x305: {  	s25 =	smov.u32 @p2 s28;
	s28 =	sadd.s32 $0xFFFFFFFC, s22  }
0x306: {  	v23 =	vmov s22;
	s22 =	smov.u32 s24;
	p2 =	slt.s32 s25, s26;
	v24 =	vmov s28  }
0x307: {  	vm0 =	veq.s32 v23, v0;
	s26 =	smov.u32 @p2 s25;
	vm1 =	veq.s32 v24, v0  }
0x308: {  	v23 =	vmov s26;
	v7 =	vsel vm0, s26, v7;
	v8 =	vsel vm1, s26, v8  }
0x309: {  	vm0 =	veq.s32 v23, v0;
	vm1 =	veq.s32 v23, v6;
	vm2 =	veq.s32 v23, v4  }
0x30a: {  	v21 =	vsel vm0, $0xBF800000, v21;
	v22 =	vsel vm1, $0xBF800000, v22;
	vm0 =	veq.s32 v23, v3  }
0x30b: {  	vm1 =	veq.s32 v23, v5;
	v12 =	vsel vm0, $0xBF800000, v12;
	vm0 =	veq.s32 v23, v2  }
0x30c: {  	v11 =	vsel vm2, $0xBF800000, v11;
	v24 =	vmax.f32 v21, v22;
	v13 =	vsel vm1, $0xBF800000, v13  }
0x30d: {  	v24 =	vmax.f32 v24, v13;
	v10 =	vsel vm0, $0xBF800000, v10;
	vm0 =	veq.s32 v23, v1  }
0x30e: {  	v23 =	vmax.f32 v24, v11;
	v9 =	vsel vm0, $0xBF800000, v9  }
0x30f: {  	v23 =	vmax.f32 v23, v12  }
0x310: {  	v23 =	vmax.f32 v23, v10  }
0x311: {  	v23 =	vmax.f32 v23, v9  }
0x312: {  	(v2sf) =	vpush v23, $0x0  }
0x313: {  	(v2sf) =	vpush v23, $0x1  }
0x314: {  	(v2sf) =	vpush v23, $0x2  }
0x315: {  	(v2sf) =	vpush v23, $0x3  }
0x316: {  	(v2sf) =	vpush v23, $0x4  }
0x317: {  	(v2sf) =	vpush v23, $0x5  }
0x318: {  	(v2sf) =	vpush v23, $0x6  }
0x319: {  	(v2sf) =	vpush v23, $0x7  }
0x31a: {  	(v2sf) =	vpush v23, $0x8  }
0x31b: {  	(v2sf) =	vpush v23, $0x9  }
0x31c: {  	(v2sf) =	vpush v23, $0xA  }
0x31d: {  	(v2sf) =	vpush v23, $0xB  }
0x31e: {  	(v2sf) =	vpush v23, $0xC  }
0x31f: {  	(v2sf) =	vpush v23, $0xD  }
0x320: {  	(v2sf) =	vpush v23, $0xE  }
0x321: {  	s24 =	spop (v2sf);
	(v2sf) =	vpush v23, $0xF  }
0x322: {  	s25 =	spop (v2sf)  }
0x323: {  	s24 =	smax.f32 s24, s25;
	s25 =	spop (v2sf)  }
0x324: {  	s24 =	smax.f32 s24, s25;
	s25 =	spop (v2sf)  }
0x325: {  	s24 =	smax.f32 s24, s25;
	s25 =	spop (v2sf)  }
0x326: {  	s24 =	smax.f32 s24, s25;
	s25 =	spop (v2sf)  }
0x327: {  	s24 =	smax.f32 s24, s25;
	s25 =	spop (v2sf)  }
0x328: {  	s24 =	smax.f32 s24, s25;
	s25 =	spop (v2sf)  }
0x329: {  	s24 =	smax.f32 s24, s25;
	s25 =	spop (v2sf)  }
0x32a: {  	s24 =	smax.f32 s24, s25;
	s25 =	spop (v2sf)  }
0x32b: {  	s24 =	smax.f32 s24, s25;
	s25 =	spop (v2sf)  }
0x32c: {  	s24 =	smax.f32 s24, s25;
	s25 =	spop (v2sf)  }
0x32d: {  	s24 =	smax.f32 s24, s25;
	s25 =	spop (v2sf)  }
0x32e: {  	s24 =	smax.f32 s24, s25;
	s25 =	spop (v2sf)  }
0x32f: {  	s24 =	smax.f32 s24, s25;
	s25 =	spop (v2sf)  }
0x330: {  	s24 =	smax.f32 s24, s25;
	s25 =	spop (v2sf)  }
0x331: {  	s24 =	smax.f32 s24, s25  }
0x332: {  	vm0 =	veq.f32 v9, s24  }
0x333: {  	vm1 =	veq.f32 v10, s24;
	v23 =	vnsel vm0, $0x270F, v1  }
0x334: {  	vm0 =	veq.f32 v12, s24;
	v23 =	vsel vm1, v2, v23  }
0x335: {  	vm1 =	veq.f32 v11, s24;
	v23 =	vsel vm0, v3, v23  }
0x336: {  	vm0 =	veq.f32 v13, s24;
	v23 =	vsel vm1, v4, v23  }
0x337: {  	vm1 =	veq.f32 v22, s24;
	v23 =	vsel vm0, v5, v23  }
0x338: {  	vm0 =	veq.f32 v21, s24;
	v23 =	vsel vm1, v6, v23  }
0x339: {  	v23 =	vsel vm0, v0, v23  }
0x33a: {  	(v2sf) =	vpush v23, $0x0  }
0x33b: {  	(v2sf) =	vpush v23, $0x1  }
0x33c: {  	(v2sf) =	vpush v23, $0x2;
	_ =	sdelay $0x1  }
0x33d: {  	(v2sf) =	vpush v23, $0x3;
	_ =	sdelay $0x1  }
0x33e: {  	(v2sf) =	vpush v23, $0x4;
	_ =	sdelay $0x1  }
0x33f: {  	(v2sf) =	vpush v23, $0x5;
	_ =	sdelay $0x1  }
0x340: {  	(v2sf) =	vpush v23, $0x6;
	_ =	sdelay $0x1  }
0x341: {  	(v2sf) =	vpush v23, $0x7;
	_ =	sdelay $0x1  }
0x342: {  	(v2sf) =	vpush v23, $0x8  }
0x343: {  	s24 =	spop (v2sf)  }
0x344: {  	s25 =	spop (v2sf);
	(v2sf) =	vpush v23, $0x9  }
0x345: {  	p2 =	slt.s32 s24, s25;
	s26 =	spop (v2sf)  }
0x346: {  	s25 =	smov.u32 @p2 s24;
	(v2sf) =	vpush v23, $0xA  }
0x347: {  	p2 =	slt.s32 s25, s26;
	s24 =	spop (v2sf)  }
0x348: {  	s26 =	smov.u32 @p2 s25;
	(v2sf) =	vpush v23, $0xB  }
0x349: {  	p2 =	slt.s32 s26, s24;
	s25 =	spop (v2sf)  }
0x34a: {  	s24 =	smov.u32 @p2 s26;
	(v2sf) =	vpush v23, $0xC  }
0x34b: {  	p2 =	slt.s32 s24, s25;
	s26 =	spop (v2sf)  }
0x34c: {  	s25 =	smov.u32 @p2 s24;
	(v2sf) =	vpush v23, $0xD  }
0x34d: {  	p2 =	slt.s32 s25, s26;
	s24 =	spop (v2sf)  }
0x34e: {  	s26 =	smov.u32 @p2 s25;
	(v2sf) =	vpush v23, $0xE  }
0x34f: {  	p2 =	slt.s32 s26, s24;
	s25 =	spop (v2sf)  }
0x350: {  	s24 =	smov.u32 @p2 s26;
	(v2sf) =	vpush v23, $0xF  }
0x351: {  	p2 =	slt.s32 s24, s25;
	s26 =	spop (v2sf)  }
0x352: {  	s25 =	smov.u32 @p2 s24  }
0x353: {  	p2 =	slt.s32 s25, s26;
	s28 =	spop (v2sf)  }
.Ltmp9:
0x354: {  	s26 =	smov.u32 @p2 s25;
	(pc) =	sbr.rel @p1 .LBB2_15-.Ltmp9, $4  }
0x355: {  	p2 =	slt.s32 s26, s28;
	s24 =	spop (v2sf)  }
0x356: {  	s28 =	smov.u32 @p2 s26  }
0x357: {  	p2 =	slt.s32 s28, s24;
	s25 =	spop (v2sf)  }
0x358: {  	s24 =	smov.u32 @p2 s28  }
0x359: {  	p1 =	slt.s32 s24, s25  }
0x35a: {  	s23 =	spop (v2sf);
	s25 =	smov.u32 @p1 s24  }
0x35b: {  	p1 =	slt.s32 s25, s23  }
0x35c: {  	s24 =	spop (v2sf);
	s23 =	smov.u32 @p1 s25  }
0x35d: {  	p1 =	slt.s32 s23, s24  }
0x35e: {  	s25 =	spop (v2sf);
	s24 =	smov.u32 @p1 s23  }
0x35f: {  	p1 =	slt.s32 s24, s25  }
0x360: {  	s23 =	spop (v2sf);
	s25 =	smov.u32 @p1 s24  }
0x361: {  	v60 =	vmov s22;
	p1 =	slt.s32 s25, s23  }
0x362: {  	s31 =	sadd.s32 $0xFFFFFFFC, s22;
	vm14 =	veq.s32 v60, v0;
	s23 =	smov.u32 @p1 s25  }
0x363: {  	v62 =	vmov s31;
	v23 =	vmov s23;
	v7 =	vsel vm14, s23, v7  }
0x364: {  	vm0 =	veq.s32 v23, v0;
	vm1 =	veq.s32 v23, v6;
	vm2 =	veq.s32 v23, v4  }
0x365: {  	vm15 =	veq.s32 v23, v3;
	vm4 =	veq.s32 v23, v5;
	vm6 =	veq.s32 v23, v2  }
0x366: {  	v21 =	vsel vm0, $0xBF800000, v21;
	v12 =	vsel vm15, $0xBF800000, v12;
	vm15 =	veq.s32 v62, v0  }
0x367: {  	[tilespmem:$0x5100] =	vst v7;
	v22 =	vsel vm1, $0xBF800000, v22;
	vm5 =	vlt.f32 v21, $0.0e+00;
	v8 =	vsel vm15, s23, v8  }
0x368: {  	v13 =	vsel vm4, $0xBF800000, v13;
	vm7 =	vlt.f32 v22, $0.0e+00;
	v20 =	vnsel vm5, $0x0, v20;
	[tilespmem:$0x5104] =	vst v8  }
0x369: {  	v11 =	vsel vm2, $0xBF800000, v11;
	vm8 =	vlt.f32 v13, $0.0e+00;
	v19 =	vnsel vm7, $0x0, v19;
	[tilespmem:$0x5000] =	vst v20  }
0x36a: {  	vm10 =	veq.s32 v23, v1;
	vm9 =	vlt.f32 v11, $0.0e+00;
	v13 =	vnsel vm8, $0x0, v18;
	[tilespmem:$0x5010] =	vst v19  }
0x36b: {  	v10 =	vsel vm6, $0xBF800000, v10;
	vm11 =	vlt.f32 v12, $0.0e+00;
	v11 =	vnsel vm9, $0x0, v17;
	[tilespmem:$0x5020] =	vst v13  }
0x36c: {  	v9 =	vsel vm10, $0xBF800000, v9;
	vm12 =	vlt.f32 v10, $0.0e+00;
	v59 =	vnsel vm11, $0x0, v16;
	[tilespmem:$0x5030] =	vst v11  }
0x36d: {  	vm13 =	vlt.f32 v9, $0.0e+00;
	v61 =	vnsel vm12, $0x0, v15;
	[tilespmem:$0x5040] =	vst v59  }
0x36e: {  	v63 =	vnsel vm13, $0x0, v14;
	[tilespmem:$0x5050] =	vst v61  }
0x36f: {  	[tilespmem:$0x5060] =	vst v63  }
0x370: {  	[hbm4b:s11+s3] =	stream.linear.scatter [tilespmem:s19], [sflag:$0x1], $0x100, $0x38;
	[tilespmem:$0x5180] =	vst v63  }
0x371: {  	_ =	swait.ge [sflag:s14], $0x100  }
0x372: {  	[sflag:s14] =	ssyncset.done $0x0  }
.Ltmp10:
0x373: {  	[sflag:s14] =	ssyncadd.s32 $0xFFFFFF00;
	(pc) =	sbr.rel .LBB2_17-.Ltmp10, $4  }
0x374: {  	[hbm4b:s12+s3] =	stream.linear.scatter [tilespmem:s20], [sflag:$0x1], $0x100, $0x38;
	[tilespmem:$0x5180] =	vst v63  }
0x375: {  	_ =	swait.ge [sflag:s14], $0x100  }
0x376: {  	[sflag:s14] =	ssyncset.done $0x0  }
0x377: {  	[sflag:s14] =	ssyncadd.s32 $0xFFFFFF00  }
.LBB2_18:
0x378: {  	_ =	sfence.sel $0x180000  }
0x379: {  	[bflag:$0x0] =	sbarrier.arrive $0xFFFF  }
0x37a: {  	p0 =	sne.s32 s4, $0x0;
	_ =	strace $0x90000047  }
0x37b: {  	s0 =	sadd.s32 @!p0 $0x100000, s0;
	[bflag:$0x2] =	sbarrier.arrive $0xFFFF  }
0x37c: {  	[sflag:s0] =	ssyncadd.tile.s32 @!p0 $0x1;
	_ =	shalt  }
.Lfunc_end2:
_tile_overlayer_lowered:
.L_overlay_start_2:
0x37d: {  	(tag) =	ssettag $0x2  }
0x37e: {  	s0 =	rddreg [dreg:$0x0];
	s2 =	stileid.u32  }
0x37f: {  	s1 =	rddreg [dreg:$0x1];
	p0 =	sne.s32 s2, $0x0  }
0x380: {  	s3 =	rddreg [dreg:$0x2];
	[bflag:$0x3] =	sbarrier.arrive $0xFFFF;
	s2 =	simm.s32 @!p0 $0x1C01  }
0x381: {  	[timem:s3], [sflag:s2] =	dma.local @!p0 [hbm:s0], s1  }
0x382: {  	s0 =	simm.s32 @!p0 $0x1  }
0x383: {  	_ =	swait.ge @!p0 [sflag:s0], s1  }
0x384: {  	s1 =	ssub.s32 @!p0 $0x0, s1;
	[sflag:s0] =	ssyncset.done @!p0 $0x0  }
0x385: {  	[sflag:s0] =	ssyncadd.s32 @!p0 s1  }
0x386: {  	[bflag:$0x3] =	sbarrier.arrive $0xFFFF  }
0x387: {  	_ =	shalt  }

</sc_bundles>
